<compile_context>
chip_gen: v7x
topology: tpu7x:2x2x1
jax: 0.10.2.dev20260603
libtpu: 0.0.44.dev20260713+nightly
codegen_flags: <defaults>
</compile_context>

<pallas_src>
import functools

import jax
from jax import lax
from jax.experimental import pallas as pl
from jax.experimental.pallas import tpu as pltpu
from jax.experimental.pallas import tpu_sc as plsc

_CHUNK = 16
_NBUF = 3
_PRE = 2
_QSPLIT = 4


def _tc_fast_copy(frames):
    C, T, H, W = frames.shape
    nchunks = T // _CHUNK

    def body(x_ref, fast_ref, buf, in_sem, out_sem):
        def in_copy(k):
            return pltpu.make_async_copy(
                x_ref.at[:, k * _CHUNK:(k + 1) * _CHUNK],
                buf.at[k % _NBUF], in_sem.at[k % _NBUF])

        def out_copies(k):
            h = _CHUNK // 2
            return [
                pltpu.make_async_copy(
                    buf.at[k % _NBUF, :, 0:h],
                    fast_ref.at[:, k * _CHUNK:k * _CHUNK + h],
                    out_sem.at[k % _NBUF, 0]),
                pltpu.make_async_copy(
                    buf.at[k % _NBUF, :, h:_CHUNK],
                    fast_ref.at[:, k * _CHUNK + h:(k + 1) * _CHUNK],
                    out_sem.at[k % _NBUF, 1]),
            ]

        for k in range(_PRE):
            in_copy(k).start()
        for k in range(nchunks):
            look = k + _PRE
            if look < nchunks:
                prev = look - _NBUF
                if prev >= 0:
                    for c in out_copies(prev):
                        c.wait()
                in_copy(look).start()
            in_copy(k).wait()
            for c in out_copies(k):
                c.start()
        for k in range(max(0, nchunks - _NBUF), nchunks):
            for c in out_copies(k):
                c.wait()

    return pl.pallas_call(
        body,
        in_specs=[pl.BlockSpec(memory_space=pl.ANY)],
        out_specs=pl.BlockSpec(memory_space=pl.ANY),
        out_shape=jax.ShapeDtypeStruct((C, T, H, W), frames.dtype),
        scratch_shapes=[
            pltpu.VMEM((_NBUF, C, _CHUNK, H, W), frames.dtype),
            pltpu.SemaphoreType.DMA((_NBUF,)),
            pltpu.SemaphoreType.DMA((_NBUF, 2)),
        ],
    )(frames)


def _sc_gather(frames):
    C, T, H, W = frames.shape
    S = T // 4
    info = plsc.get_sparse_core_info()
    NC, NS = info.num_cores, info.num_subcores
    NW = NC * NS
    nrows = C * S

    mesh = plsc.VectorSubcoreMesh(core_axis_name="c", subcore_axis_name="s")

    QS = _QSPLIT
    HQ = H // QS
    tpw = (nrows * QS) // NW
    nbuf = 4
    pre = 3

    @functools.partial(
        pl.kernel,
        out_type=jax.ShapeDtypeStruct((C, S, H, W), frames.dtype),
        mesh=mesh,
        scratch_types=[
            pltpu.VMEM((nbuf, HQ, W), frames.dtype),
            pltpu.SemaphoreType.DMA((nbuf,)),
            pltpu.SemaphoreType.DMA((nbuf,)),
        ],
    )
    def gather(x, slow, buf, in_sem, out_sem):
        w = lax.axis_index("s") * NC + lax.axis_index("c")

        def task(i):
            tau = w * tpw + i
            j = tau // QS
            q = tau % QS
            c = j // S
            jj = j % S
            t = jj * (T - 1) // (S - 1)
            return c, t, jj, q

        def in_copy(i, b):
            c, t, jj, q = task(i)
            return pltpu.make_async_copy(
                x.at[c, t, pl.ds(q * HQ, HQ)], buf.at[b], in_sem.at[b])

        def out_copy(i, b):
            c, t, jj, q = task(i)
            return pltpu.make_async_copy(
                buf.at[b], slow.at[c, jj, pl.ds(q * HQ, HQ)], out_sem.at[b])

        for i in range(pre):
            in_copy(i, i % nbuf).start()
        for i in range(tpw):
            look = i + pre
            if look < tpw:
                prev = look - nbuf
                if prev >= 0:
                    out_copy(prev, prev % nbuf).wait()
                in_copy(look, look % nbuf).start()
            in_copy(i, i % nbuf).wait()
            out_copy(i, i % nbuf).start()
        for i in range(max(0, tpw - nbuf), tpw):
            out_copy(i, i % nbuf).wait()

    return gather(frames)


def kernel(frames):
    return (_sc_gather(frames), _tc_fast_copy(frames))

# --- scband reference (transcript-rebuilt; emitter-appended) ---
"""Pipeline reference for scband-pack-pathway-55740085568041 (READ-ONLY COPY).

The authoritative reference and input builder live on the scoring server;
editing this copy changes nothing except your own understanding.
"""

import jax, jax.numpy as jnp
import numpy as np

ALPHA = 4

def setup_inputs(seed: int = 0) -> dict:
    key = jax.random.key(seed)
    frames = jax.random.normal(key, (3, 64, 224, 224), dtype=jnp.float32)
    return {"frames": frames}

def reference(frames):
    # Faithful translation of PackPathway.forward.
    # torch.linspace(0, T-1, T//alpha).long() truncates the float linspace
    # toward zero; values are non-negative so floor == trunc.
    T = frames.shape[1]
    idx = jnp.asarray(np.linspace(0, T - 1, T // ALPHA).astype(np.int64))
    slow_pathway = jnp.take(frames, idx, axis=1)
    fast_pathway = frames
    return (slow_pathway, fast_pathway)

if __name__ == "__main__":
    import jax
    _d = setup_inputs()
    print(jax.jit(kernel)(*tuple(_d.values())))

</pallas_src>

<mosaic_0001>
#map = affine_map<(d0, d1) -> (0, 0, 0, 0)>
module attributes {stable_mosaic.version = 14 : i64} {
  func.func @gather(%arg0: i32, %arg1: i32, %arg2: memref<3x64x224x224xf32, #tpu.memory_space<hbm>>, %arg3: memref<3x16x224x224xf32, #tpu.memory_space<hbm>>, %arg4: memref<4x56x224xf32, #tpu.memory_space<vmem>>, %arg5: memref<4x!tpu.dma_semaphore, #tpu.memory_space<semaphore_mem>>, %arg6: memref<4x!tpu.dma_semaphore, #tpu.memory_space<semaphore_mem>>) attributes {dimension_semantics = [#tpu.dimension_semantics<core_parallel>, #tpu.dimension_semantics<subcore_parallel>], iteration_bounds = array<i64: 2, 16>, scalar_prefetch = 0 : i64, scratch_operands = 3 : i64, tpu.core_type = #tpu.core_type<sc_vector_subcore>, window_params = [{transform_indices = #map}, {transform_indices = #map}]} {
    %mul3A = arith.constant 2 : i32
    %mul3A_0 = arith.muli %arg1, %mul3A : i32
    %add3A = arith.addi %mul3A_0, %arg0 : i32
    %mul3A_1 = arith.constant 6 : i32
    %mul3A_2 = arith.muli %add3A, %mul3A_1 : i32
    %add3A_3 = arith.constant 0 : i32
    %add3A_4 = arith.addi %mul3A_2, %add3A_3 : i32
    %jit3A = arith.constant 4 : i32
    %div3A = arith.divsi %add3A_4, %jit3A : i32
    %sign3A = arith.constant 0 : i32
    %sign3A_5 = arith.cmpi sgt, %add3A_4, %sign3A : i32
    %sign3A_6 = arith.extui %sign3A_5 : i1 to i32
    %sign3A_7 = arith.constant 0 : i32
    %sign3A_8 = arith.cmpi slt, %add3A_4, %sign3A_7 : i32
    %sign3A_9 = arith.extui %sign3A_8 : i1 to i32
    %sign3A_10 = arith.subi %sign3A_6, %sign3A_9 : i32
    %sign3A_11 = arith.constant 0 : i32
    %sign3A_12 = arith.cmpi sgt, %jit3A, %sign3A_11 : i32
    %sign3A_13 = arith.extui %sign3A_12 : i1 to i32
    %sign3A_14 = arith.constant 0 : i32
    %sign3A_15 = arith.cmpi slt, %jit3A, %sign3A_14 : i32
    %sign3A_16 = arith.extui %sign3A_15 : i1 to i32
    %sign3A_17 = arith.subi %sign3A_13, %sign3A_16 : i32
    %ne3A = arith.cmpi ne, %sign3A_10, %sign3A_17 : i32
    %rem3A = arith.remsi %add3A_4, %jit3A : i32
    %ne3A_18 = arith.constant 0 : i32
    %ne3A_19 = arith.cmpi ne, %rem3A, %ne3A_18 : i32
    %and3A = arith.andi %ne3A, %ne3A_19 : i1
    %sub3A = arith.constant 1 : i32
    %sub3A_20 = arith.subi %div3A, %sub3A : i32
    %select_n3A = arith.select %and3A, %sub3A_20, %div3A : i32
    %jit3A_21 = arith.constant 4 : i32
    %eq3A = arith.constant 0 : i32
    %eq3A_22 = arith.cmpi eq, %jit3A_21, %eq3A : i32
    %jit3A_23 = arith.constant 1 : i32
    %select_n3A_24 = arith.select %eq3A_22, %jit3A_23, %jit3A_21 : i32
    %rem3A_25 = arith.remsi %add3A_4, %select_n3A_24 : i32
    %ne3A_26 = arith.constant 0 : i32
    %ne3A_27 = arith.cmpi ne, %rem3A_25, %ne3A_26 : i32
    %lt3A = arith.constant 0 : i32
    %lt3A_28 = arith.cmpi slt, %rem3A_25, %lt3A : i32
    %lt3A_29 = arith.constant 0 : i32
    %lt3A_30 = arith.cmpi slt, %select_n3A_24, %lt3A_29 : i32
    %ne3A_31 = arith.xori %lt3A_28, %lt3A_30 : i1
    %and3A_32 = arith.andi %ne3A_31, %ne3A_27 : i1
    %add3A_33 = arith.addi %rem3A_25, %select_n3A_24 : i32
    %select_n3A_34 = arith.select %and3A_32, %add3A_33, %rem3A_25 : i32
    %jit3A_35 = arith.constant 16 : i32
    %div3A_36 = arith.divsi %select_n3A, %jit3A_35 : i32
    %sign3A_37 = arith.constant 0 : i32
    %sign3A_38 = arith.cmpi sgt, %select_n3A, %sign3A_37 : i32
    %sign3A_39 = arith.extui %sign3A_38 : i1 to i32
    %sign3A_40 = arith.constant 0 : i32
    %sign3A_41 = arith.cmpi slt, %select_n3A, %sign3A_40 : i32
    %sign3A_42 = arith.extui %sign3A_41 : i1 to i32
    %sign3A_43 = arith.subi %sign3A_39, %sign3A_42 : i32
    %sign3A_44 = arith.constant 0 : i32
    %sign3A_45 = arith.cmpi sgt, %jit3A_35, %sign3A_44 : i32
    %sign3A_46 = arith.extui %sign3A_45 : i1 to i32
    %sign3A_47 = arith.constant 0 : i32
    %sign3A_48 = arith.cmpi slt, %jit3A_35, %sign3A_47 : i32
    %sign3A_49 = arith.extui %sign3A_48 : i1 to i32
    %sign3A_50 = arith.subi %sign3A_46, %sign3A_49 : i32
    %ne3A_51 = arith.cmpi ne, %sign3A_43, %sign3A_50 : i32
    %rem3A_52 = arith.remsi %select_n3A, %jit3A_35 : i32
    %ne3A_53 = arith.constant 0 : i32
    %ne3A_54 = arith.cmpi ne, %rem3A_52, %ne3A_53 : i32
    %and3A_55 = arith.andi %ne3A_51, %ne3A_54 : i1
    %sub3A_56 = arith.constant 1 : i32
    %sub3A_57 = arith.subi %div3A_36, %sub3A_56 : i32
    %select_n3A_58 = arith.select %and3A_55, %sub3A_57, %div3A_36 : i32
    %jit3A_59 = arith.constant 16 : i32
    %eq3A_60 = arith.constant 0 : i32
    %eq3A_61 = arith.cmpi eq, %jit3A_59, %eq3A_60 : i32
    %jit3A_62 = arith.constant 1 : i32
    %select_n3A_63 = arith.select %eq3A_61, %jit3A_62, %jit3A_59 : i32
    %rem3A_64 = arith.remsi %select_n3A, %select_n3A_63 : i32
    %ne3A_65 = arith.constant 0 : i32
    %ne3A_66 = arith.cmpi ne, %rem3A_64, %ne3A_65 : i32
    %lt3A_67 = arith.constant 0 : i32
    %lt3A_68 = arith.cmpi slt, %rem3A_64, %lt3A_67 : i32
    %lt3A_69 = arith.constant 0 : i32
    %lt3A_70 = arith.cmpi slt, %select_n3A_63, %lt3A_69 : i32
    %ne3A_71 = arith.xori %lt3A_68, %lt3A_70 : i1
    %and3A_72 = arith.andi %ne3A_71, %ne3A_66 : i1
    %add3A_73 = arith.addi %rem3A_64, %select_n3A_63 : i32
    %select_n3A_74 = arith.select %and3A_72, %add3A_73, %rem3A_64 : i32
    %mul3A_75 = arith.constant 63 : i32
    %mul3A_76 = arith.muli %select_n3A_74, %mul3A_75 : i32
    %jit3A_77 = arith.constant 15 : i32
    %div3A_78 = arith.divsi %mul3A_76, %jit3A_77 : i32
    %sign3A_79 = arith.constant 0 : i32
    %sign3A_80 = arith.cmpi sgt, %mul3A_76, %sign3A_79 : i32
    %sign3A_81 = arith.extui %sign3A_80 : i1 to i32
    %sign3A_82 = arith.constant 0 : i32
    %sign3A_83 = arith.cmpi slt, %mul3A_76, %sign3A_82 : i32
    %sign3A_84 = arith.extui %sign3A_83 : i1 to i32
    %sign3A_85 = arith.subi %sign3A_81, %sign3A_84 : i32
    %sign3A_86 = arith.constant 0 : i32
    %sign3A_87 = arith.cmpi sgt, %jit3A_77, %sign3A_86 : i32
    %sign3A_88 = arith.extui %sign3A_87 : i1 to i32
    %sign3A_89 = arith.constant 0 : i32
    %sign3A_90 = arith.cmpi slt, %jit3A_77, %sign3A_89 : i32
    %sign3A_91 = arith.extui %sign3A_90 : i1 to i32
    %sign3A_92 = arith.subi %sign3A_88, %sign3A_91 : i32
    %ne3A_93 = arith.cmpi ne, %sign3A_85, %sign3A_92 : i32
    %rem3A_94 = arith.remsi %mul3A_76, %jit3A_77 : i32
    %ne3A_95 = arith.constant 0 : i32
    %ne3A_96 = arith.cmpi ne, %rem3A_94, %ne3A_95 : i32
    %and3A_97 = arith.andi %ne3A_93, %ne3A_96 : i1
    %sub3A_98 = arith.constant 1 : i32
    %sub3A_99 = arith.subi %div3A_78, %sub3A_98 : i32
    %select_n3A_100 = arith.select %and3A_97, %sub3A_99, %div3A_78 : i32
    %mul3A_101 = arith.constant 56 : i32
    %mul3A_102 = arith.muli %select_n3A_34, %mul3A_101 : i32
    %dma_start3A = arith.constant 0 : i32
    %dma_start3A_103 = arith.constant 0 : i32
    %dma_start3A_104 = arith.constant 0 : i32
    %dma_start3A_105 = arith.constant 0 : i32
    %dma_start3A_106 = tpu.memref_slice %arg4[%dma_start3A, %dma_start3A_104, %dma_start3A_105] : memref<4x56x224xf32, #tpu.memory_space<vmem>> -> memref<1x56x224xf32, #tpu.memory_space<vmem>>
    %dma_start3A_107 = tpu.memref_squeeze %dma_start3A_106 : memref<1x56x224xf32, #tpu.memory_space<vmem>> -> memref<56x224xf32, #tpu.memory_space<vmem>>
    %dma_start3A_108 = arith.constant 0 : i32
    %dma_start3A_109 = tpu.memref_slice %arg2[%select_n3A_58, %select_n3A_100, %mul3A_102, %dma_start3A_108] : memref<3x64x224x224xf32, #tpu.memory_space<hbm>> -> memref<1x1x56x224xf32, #tpu.memory_space<hbm>>
    %dma_start3A_110 = tpu.memref_squeeze %dma_start3A_109 : memref<1x1x56x224xf32, #tpu.memory_space<hbm>> -> memref<56x224xf32, #tpu.memory_space<hbm>>
    %dma_start3A_111 = tpu.memref_slice %arg5[%dma_start3A_103] : memref<4x!tpu.dma_semaphore, #tpu.memory_space<semaphore_mem>> -> memref<1x!tpu.dma_semaphore, #tpu.memory_space<semaphore_mem>>
    %dma_start3A_112 = tpu.memref_squeeze %dma_start3A_111 : memref<1x!tpu.dma_semaphore, #tpu.memory_space<semaphore_mem>> -> memref<!tpu.dma_semaphore, #tpu.memory_space<semaphore_mem>>
    %dma_start3A_113 = arith.constant 0 : i32
    %dma_start3A_114 = arith.constant 0 : i32
    %dma_start3A_115 = tpu.memref_slice %arg4[%dma_start3A, %dma_start3A_113, %dma_start3A_114] : memref<4x56x224xf32, #tpu.memory_space<vmem>> -> memref<1x56x224xf32, #tpu.memory_space<vmem>>
    %dma_start3A_116 = tpu.memref_squeeze %dma_start3A_115 : memref<1x56x224xf32, #tpu.memory_space<vmem>> -> memref<56x224xf32, #tpu.memory_space<vmem>>
    %dma_start3A_117 = arith.constant 0 : i32
    %dma_start3A_118 = tpu.memref_slice %arg2[%select_n3A_58, %select_n3A_100, %mul3A_102, %dma_start3A_117] : memref<3x64x224x224xf32, #tpu.memory_space<hbm>> -> memref<1x1x56x224xf32, #tpu.memory_space<hbm>>
    %dma_start3A_119 = tpu.memref_squeeze %dma_start3A_118 : memref<1x1x56x224xf32, #tpu.memory_space<hbm>> -> memref<56x224xf32, #tpu.memory_space<hbm>>
    tpu.enqueue_dma source(%dma_start3A_119 : memref<56x224xf32, #tpu.memory_space<hbm>>) target(%dma_start3A_116 : memref<56x224xf32, #tpu.memory_space<vmem>>) target_semaphore(%dma_start3A_112 : memref<!tpu.dma_semaphore, #tpu.memory_space<semaphore_mem>>)
    %mul3A_120 = arith.constant 6 : i32
    %mul3A_121 = arith.muli %add3A, %mul3A_120 : i32
    %add3A_122 = arith.constant 1 : i32
    %add3A_123 = arith.addi %mul3A_121, %add3A_122 : i32
    %jit3A_124 = arith.constant 4 : i32
    %div3A_125 = arith.divsi %add3A_123, %jit3A_124 : i32
    %sign3A_126 = arith.constant 0 : i32
    %sign3A_127 = arith.cmpi sgt, %add3A_123, %sign3A_126 : i32
    %sign3A_128 = arith.extui %sign3A_127 : i1 to i32
    %sign3A_129 = arith.constant 0 : i32
    %sign3A_130 = arith.cmpi slt, %add3A_123, %sign3A_129 : i32
    %sign3A_131 = arith.extui %sign3A_130 : i1 to i32
    %sign3A_132 = arith.subi %sign3A_128, %sign3A_131 : i32
    %sign3A_133 = arith.constant 0 : i32
    %sign3A_134 = arith.cmpi sgt, %jit3A_124, %sign3A_133 : i32
    %sign3A_135 = arith.extui %sign3A_134 : i1 to i32
    %sign3A_136 = arith.constant 0 : i32
    %sign3A_137 = arith.cmpi slt, %jit3A_124, %sign3A_136 : i32
    %sign3A_138 = arith.extui %sign3A_137 : i1 to i32
    %sign3A_139 = arith.subi %sign3A_135, %sign3A_138 : i32
    %ne3A_140 = arith.cmpi ne, %sign3A_132, %sign3A_139 : i32
    %rem3A_141 = arith.remsi %add3A_123, %jit3A_124 : i32
    %ne3A_142 = arith.constant 0 : i32
    %ne3A_143 = arith.cmpi ne, %rem3A_141, %ne3A_142 : i32
    %and3A_144 = arith.andi %ne3A_140, %ne3A_143 : i1
    %sub3A_145 = arith.constant 1 : i32
    %sub3A_146 = arith.subi %div3A_125, %sub3A_145 : i32
    %select_n3A_147 = arith.select %and3A_144, %sub3A_146, %div3A_125 : i32
    %jit3A_148 = arith.constant 4 : i32
    %eq3A_149 = arith.constant 0 : i32
    %eq3A_150 = arith.cmpi eq, %jit3A_148, %eq3A_149 : i32
    %jit3A_151 = arith.constant 1 : i32
    %select_n3A_152 = arith.select %eq3A_150, %jit3A_151, %jit3A_148 : i32
    %rem3A_153 = arith.remsi %add3A_123, %select_n3A_152 : i32
    %ne3A_154 = arith.constant 0 : i32
    %ne3A_155 = arith.cmpi ne, %rem3A_153, %ne3A_154 : i32
    %lt3A_156 = arith.constant 0 : i32
    %lt3A_157 = arith.cmpi slt, %rem3A_153, %lt3A_156 : i32
    %lt3A_158 = arith.constant 0 : i32
    %lt3A_159 = arith.cmpi slt, %select_n3A_152, %lt3A_158 : i32
    %ne3A_160 = arith.xori %lt3A_157, %lt3A_159 : i1
    %and3A_161 = arith.andi %ne3A_160, %ne3A_155 : i1
    %add3A_162 = arith.addi %rem3A_153, %select_n3A_152 : i32
    %select_n3A_163 = arith.select %and3A_161, %add3A_162, %rem3A_153 : i32
    %jit3A_164 = arith.constant 16 : i32
    %div3A_165 = arith.divsi %select_n3A_147, %jit3A_164 : i32
    %sign3A_166 = arith.constant 0 : i32
    %sign3A_167 = arith.cmpi sgt, %select_n3A_147, %sign3A_166 : i32
    %sign3A_168 = arith.extui %sign3A_167 : i1 to i32
    %sign3A_169 = arith.constant 0 : i32
    %sign3A_170 = arith.cmpi slt, %select_n3A_147, %sign3A_169 : i32
    %sign3A_171 = arith.extui %sign3A_170 : i1 to i32
    %sign3A_172 = arith.subi %sign3A_168, %sign3A_171 : i32
    %sign3A_173 = arith.constant 0 : i32
    %sign3A_174 = arith.cmpi sgt, %jit3A_164, %sign3A_173 : i32
    %sign3A_175 = arith.extui %sign3A_174 : i1 to i32
    %sign3A_176 = arith.constant 0 : i32
    %sign3A_177 = arith.cmpi slt, %jit3A_164, %sign3A_176 : i32
    %sign3A_178 = arith.extui %sign3A_177 : i1 to i32
    %sign3A_179 = arith.subi %sign3A_175, %sign3A_178 : i32
    %ne3A_180 = arith.cmpi ne, %sign3A_172, %sign3A_179 : i32
    %rem3A_181 = arith.remsi %select_n3A_147, %jit3A_164 : i32
    %ne3A_182 = arith.constant 0 : i32
    %ne3A_183 = arith.cmpi ne, %rem3A_181, %ne3A_182 : i32
    %and3A_184 = arith.andi %ne3A_180, %ne3A_183 : i1
    %sub3A_185 = arith.constant 1 : i32
    %sub3A_186 = arith.subi %div3A_165, %sub3A_185 : i32
    %select_n3A_187 = arith.select %and3A_184, %sub3A_186, %div3A_165 : i32
    %jit3A_188 = arith.constant 16 : i32
    %eq3A_189 = arith.constant 0 : i32
    %eq3A_190 = arith.cmpi eq, %jit3A_188, %eq3A_189 : i32
    %jit3A_191 = arith.constant 1 : i32
    %select_n3A_192 = arith.select %eq3A_190, %jit3A_191, %jit3A_188 : i32
    %rem3A_193 = arith.remsi %select_n3A_147, %select_n3A_192 : i32
    %ne3A_194 = arith.constant 0 : i32
    %ne3A_195 = arith.cmpi ne, %rem3A_193, %ne3A_194 : i32
    %lt3A_196 = arith.constant 0 : i32
    %lt3A_197 = arith.cmpi slt, %rem3A_193, %lt3A_196 : i32
    %lt3A_198 = arith.constant 0 : i32
    %lt3A_199 = arith.cmpi slt, %select_n3A_192, %lt3A_198 : i32
    %ne3A_200 = arith.xori %lt3A_197, %lt3A_199 : i1
    %and3A_201 = arith.andi %ne3A_200, %ne3A_195 : i1
    %add3A_202 = arith.addi %rem3A_193, %select_n3A_192 : i32
    %select_n3A_203 = arith.select %and3A_201, %add3A_202, %rem3A_193 : i32
    %mul3A_204 = arith.constant 63 : i32
    %mul3A_205 = arith.muli %select_n3A_203, %mul3A_204 : i32
    %jit3A_206 = arith.constant 15 : i32
    %div3A_207 = arith.divsi %mul3A_205, %jit3A_206 : i32
    %sign3A_208 = arith.constant 0 : i32
    %sign3A_209 = arith.cmpi sgt, %mul3A_205, %sign3A_208 : i32
    %sign3A_210 = arith.extui %sign3A_209 : i1 to i32
    %sign3A_211 = arith.constant 0 : i32
    %sign3A_212 = arith.cmpi slt, %mul3A_205, %sign3A_211 : i32
    %sign3A_213 = arith.extui %sign3A_212 : i1 to i32
    %sign3A_214 = arith.subi %sign3A_210, %sign3A_213 : i32
    %sign3A_215 = arith.constant 0 : i32
    %sign3A_216 = arith.cmpi sgt, %jit3A_206, %sign3A_215 : i32
    %sign3A_217 = arith.extui %sign3A_216 : i1 to i32
    %sign3A_218 = arith.constant 0 : i32
    %sign3A_219 = arith.cmpi slt, %jit3A_206, %sign3A_218 : i32
    %sign3A_220 = arith.extui %sign3A_219 : i1 to i32
    %sign3A_221 = arith.subi %sign3A_217, %sign3A_220 : i32
    %ne3A_222 = arith.cmpi ne, %sign3A_214, %sign3A_221 : i32
    %rem3A_223 = arith.remsi %mul3A_205, %jit3A_206 : i32
    %ne3A_224 = arith.constant 0 : i32
    %ne3A_225 = arith.cmpi ne, %rem3A_223, %ne3A_224 : i32
    %and3A_226 = arith.andi %ne3A_222, %ne3A_225 : i1
    %sub3A_227 = arith.constant 1 : i32
    %sub3A_228 = arith.subi %div3A_207, %sub3A_227 : i32
    %select_n3A_229 = arith.select %and3A_226, %sub3A_228, %div3A_207 : i32
    %mul3A_230 = arith.constant 56 : i32
    %mul3A_231 = arith.muli %select_n3A_163, %mul3A_230 : i32
    %dma_start3A_232 = arith.constant 1 : i32
    %dma_start3A_233 = arith.constant 1 : i32
    %dma_start3A_234 = arith.constant 0 : i32
    %dma_start3A_235 = arith.constant 0 : i32
    %dma_start3A_236 = tpu.memref_slice %arg4[%dma_start3A_232, %dma_start3A_234, %dma_start3A_235] : memref<4x56x224xf32, #tpu.memory_space<vmem>> -> memref<1x56x224xf32, #tpu.memory_space<vmem>>
    %dma_start3A_237 = tpu.memref_squeeze %dma_start3A_236 : memref<1x56x224xf32, #tpu.memory_space<vmem>> -> memref<56x224xf32, #tpu.memory_space<vmem>>
    %dma_start3A_238 = arith.constant 0 : i32
    %dma_start3A_239 = tpu.memref_slice %arg2[%select_n3A_187, %select_n3A_229, %mul3A_231, %dma_start3A_238] : memref<3x64x224x224xf32, #tpu.memory_space<hbm>> -> memref<1x1x56x224xf32, #tpu.memory_space<hbm>>
    %dma_start3A_240 = tpu.memref_squeeze %dma_start3A_239 : memref<1x1x56x224xf32, #tpu.memory_space<hbm>> -> memref<56x224xf32, #tpu.memory_space<hbm>>
    %dma_start3A_241 = tpu.memref_slice %arg5[%dma_start3A_233] : memref<4x!tpu.dma_semaphore, #tpu.memory_space<semaphore_mem>> -> memref<1x!tpu.dma_semaphore, #tpu.memory_space<semaphore_mem>>
    %dma_start3A_242 = tpu.memref_squeeze %dma_start3A_241 : memref<1x!tpu.dma_semaphore, #tpu.memory_space<semaphore_mem>> -> memref<!tpu.dma_semaphore, #tpu.memory_space<semaphore_mem>>
    %dma_start3A_243 = arith.constant 0 : i32
    %dma_start3A_244 = arith.constant 0 : i32
    %dma_start3A_245 = tpu.memref_slice %arg4[%dma_start3A_232, %dma_start3A_243, %dma_start3A_244] : memref<4x56x224xf32, #tpu.memory_space<vmem>> -> memref<1x56x224xf32, #tpu.memory_space<vmem>>
    %dma_start3A_246 = tpu.memref_squeeze %dma_start3A_245 : memref<1x56x224xf32, #tpu.memory_space<vmem>> -> memref<56x224xf32, #tpu.memory_space<vmem>>
    %dma_start3A_247 = arith.constant 0 : i32
    %dma_start3A_248 = tpu.memref_slice %arg2[%select_n3A_187, %select_n3A_229, %mul3A_231, %dma_start3A_247] : memref<3x64x224x224xf32, #tpu.memory_space<hbm>> -> memref<1x1x56x224xf32, #tpu.memory_space<hbm>>
    %dma_start3A_249 = tpu.memref_squeeze %dma_start3A_248 : memref<1x1x56x224xf32, #tpu.memory_space<hbm>> -> memref<56x224xf32, #tpu.memory_space<hbm>>
    tpu.enqueue_dma source(%dma_start3A_249 : memref<56x224xf32, #tpu.memory_space<hbm>>) target(%dma_start3A_246 : memref<56x224xf32, #tpu.memory_space<vmem>>) target_semaphore(%dma_start3A_242 : memref<!tpu.dma_semaphore, #tpu.memory_space<semaphore_mem>>)
    %mul3A_250 = arith.constant 6 : i32
    %mul3A_251 = arith.muli %add3A, %mul3A_250 : i32
    %add3A_252 = arith.constant 2 : i32
    %add3A_253 = arith.addi %mul3A_251, %add3A_252 : i32
    %jit3A_254 = arith.constant 4 : i32
    %div3A_255 = arith.divsi %add3A_253, %jit3A_254 : i32
    %sign3A_256 = arith.constant 0 : i32
    %sign3A_257 = arith.cmpi sgt, %add3A_253, %sign3A_256 : i32
    %sign3A_258 = arith.extui %sign3A_257 : i1 to i32
    %sign3A_259 = arith.constant 0 : i32
    %sign3A_260 = arith.cmpi slt, %add3A_253, %sign3A_259 : i32
    %sign3A_261 = arith.extui %sign3A_260 : i1 to i32
    %sign3A_262 = arith.subi %sign3A_258, %sign3A_261 : i32
    %sign3A_263 = arith.constant 0 : i32
    %sign3A_264 = arith.cmpi sgt, %jit3A_254, %sign3A_263 : i32
    %sign3A_265 = arith.extui %sign3A_264 : i1 to i32
    %sign3A_266 = arith.constant 0 : i32
    %sign3A_267 = arith.cmpi slt, %jit3A_254, %sign3A_266 : i32
    %sign3A_268 = arith.extui %sign3A_267 : i1 to i32
    %sign3A_269 = arith.subi %sign3A_265, %sign3A_268 : i32
    %ne3A_270 = arith.cmpi ne, %sign3A_262, %sign3A_269 : i32
    %rem3A_271 = arith.remsi %add3A_253, %jit3A_254 : i32
    %ne3A_272 = arith.constant 0 : i32
    %ne3A_273 = arith.cmpi ne, %rem3A_271, %ne3A_272 : i32
    %and3A_274 = arith.andi %ne3A_270, %ne3A_273 : i1
    %sub3A_275 = arith.constant 1 : i32
    %sub3A_276 = arith.subi %div3A_255, %sub3A_275 : i32
    %select_n3A_277 = arith.select %and3A_274, %sub3A_276, %div3A_255 : i32
    %jit3A_278 = arith.constant 4 : i32
    %eq3A_279 = arith.constant 0 : i32
    %eq3A_280 = arith.cmpi eq, %jit3A_278, %eq3A_279 : i32
    %jit3A_281 = arith.constant 1 : i32
    %select_n3A_282 = arith.select %eq3A_280, %jit3A_281, %jit3A_278 : i32
    %rem3A_283 = arith.remsi %add3A_253, %select_n3A_282 : i32
    %ne3A_284 = arith.constant 0 : i32
    %ne3A_285 = arith.cmpi ne, %rem3A_283, %ne3A_284 : i32
    %lt3A_286 = arith.constant 0 : i32
    %lt3A_287 = arith.cmpi slt, %rem3A_283, %lt3A_286 : i32
    %lt3A_288 = arith.constant 0 : i32
    %lt3A_289 = arith.cmpi slt, %select_n3A_282, %lt3A_288 : i32
    %ne3A_290 = arith.xori %lt3A_287, %lt3A_289 : i1
    %and3A_291 = arith.andi %ne3A_290, %ne3A_285 : i1
    %add3A_292 = arith.addi %rem3A_283, %select_n3A_282 : i32
    %select_n3A_293 = arith.select %and3A_291, %add3A_292, %rem3A_283 : i32
    %jit3A_294 = arith.constant 16 : i32
    %div3A_295 = arith.divsi %select_n3A_277, %jit3A_294 : i32
    %sign3A_296 = arith.constant 0 : i32
    %sign3A_297 = arith.cmpi sgt, %select_n3A_277, %sign3A_296 : i32
    %sign3A_298 = arith.extui %sign3A_297 : i1 to i32
    %sign3A_299 = arith.constant 0 : i32
    %sign3A_300 = arith.cmpi slt, %select_n3A_277, %sign3A_299 : i32
    %sign3A_301 = arith.extui %sign3A_300 : i1 to i32
    %sign3A_302 = arith.subi %sign3A_298, %sign3A_301 : i32
    %sign3A_303 = arith.constant 0 : i32
    %sign3A_304 = arith.cmpi sgt, %jit3A_294, %sign3A_303 : i32
    %sign3A_305 = arith.extui %sign3A_304 : i1 to i32
    %sign3A_306 = arith.constant 0 : i32
    %sign3A_307 = arith.cmpi slt, %jit3A_294, %sign3A_306 : i32
    %sign3A_308 = arith.extui %sign3A_307 : i1 to i32
    %sign3A_309 = arith.subi %sign3A_305, %sign3A_308 : i32
    %ne3A_310 = arith.cmpi ne, %sign3A_302, %sign3A_309 : i32
    %rem3A_311 = arith.remsi %select_n3A_277, %jit3A_294 : i32
    %ne3A_312 = arith.constant 0 : i32
    %ne3A_313 = arith.cmpi ne, %rem3A_311, %ne3A_312 : i32
    %and3A_314 = arith.andi %ne3A_310, %ne3A_313 : i1
    %sub3A_315 = arith.constant 1 : i32
    %sub3A_316 = arith.subi %div3A_295, %sub3A_315 : i32
    %select_n3A_317 = arith.select %and3A_314, %sub3A_316, %div3A_295 : i32
    %jit3A_318 = arith.constant 16 : i32
    %eq3A_319 = arith.constant 0 : i32
    %eq3A_320 = arith.cmpi eq, %jit3A_318, %eq3A_319 : i32
    %jit3A_321 = arith.constant 1 : i32
    %select_n3A_322 = arith.select %eq3A_320, %jit3A_321, %jit3A_318 : i32
    %rem3A_323 = arith.remsi %select_n3A_277, %select_n3A_322 : i32
    %ne3A_324 = arith.constant 0 : i32
    %ne3A_325 = arith.cmpi ne, %rem3A_323, %ne3A_324 : i32
    %lt3A_326 = arith.constant 0 : i32
    %lt3A_327 = arith.cmpi slt, %rem3A_323, %lt3A_326 : i32
    %lt3A_328 = arith.constant 0 : i32
    %lt3A_329 = arith.cmpi slt, %select_n3A_322, %lt3A_328 : i32
    %ne3A_330 = arith.xori %lt3A_327, %lt3A_329 : i1
    %and3A_331 = arith.andi %ne3A_330, %ne3A_325 : i1
    %add3A_332 = arith.addi %rem3A_323, %select_n3A_322 : i32
    %select_n3A_333 = arith.select %and3A_331, %add3A_332, %rem3A_323 : i32
    %mul3A_334 = arith.constant 63 : i32
    %mul3A_335 = arith.muli %select_n3A_333, %mul3A_334 : i32
    %jit3A_336 = arith.constant 15 : i32
    %div3A_337 = arith.divsi %mul3A_335, %jit3A_336 : i32
    %sign3A_338 = arith.constant 0 : i32
    %sign3A_339 = arith.cmpi sgt, %mul3A_335, %sign3A_338 : i32
    %sign3A_340 = arith.extui %sign3A_339 : i1 to i32
    %sign3A_341 = arith.constant 0 : i32
    %sign3A_342 = arith.cmpi slt, %mul3A_335, %sign3A_341 : i32
    %sign3A_343 = arith.extui %sign3A_342 : i1 to i32
    %sign3A_344 = arith.subi %sign3A_340, %sign3A_343 : i32
    %sign3A_345 = arith.constant 0 : i32
    %sign3A_346 = arith.cmpi sgt, %jit3A_336, %sign3A_345 : i32
    %sign3A_347 = arith.extui %sign3A_346 : i1 to i32
    %sign3A_348 = arith.constant 0 : i32
    %sign3A_349 = arith.cmpi slt, %jit3A_336, %sign3A_348 : i32
    %sign3A_350 = arith.extui %sign3A_349 : i1 to i32
    %sign3A_351 = arith.subi %sign3A_347, %sign3A_350 : i32
    %ne3A_352 = arith.cmpi ne, %sign3A_344, %sign3A_351 : i32
    %rem3A_353 = arith.remsi %mul3A_335, %jit3A_336 : i32
    %ne3A_354 = arith.constant 0 : i32
    %ne3A_355 = arith.cmpi ne, %rem3A_353, %ne3A_354 : i32
    %and3A_356 = arith.andi %ne3A_352, %ne3A_355 : i1
    %sub3A_357 = arith.constant 1 : i32
    %sub3A_358 = arith.subi %div3A_337, %sub3A_357 : i32
    %select_n3A_359 = arith.select %and3A_356, %sub3A_358, %div3A_337 : i32
    %mul3A_360 = arith.constant 56 : i32
    %mul3A_361 = arith.muli %select_n3A_293, %mul3A_360 : i32
    %dma_start3A_362 = arith.constant 2 : i32
    %dma_start3A_363 = arith.constant 2 : i32
    %dma_start3A_364 = arith.constant 0 : i32
    %dma_start3A_365 = arith.constant 0 : i32
    %dma_start3A_366 = tpu.memref_slice %arg4[%dma_start3A_362, %dma_start3A_364, %dma_start3A_365] : memref<4x56x224xf32, #tpu.memory_space<vmem>> -> memref<1x56x224xf32, #tpu.memory_space<vmem>>
    %dma_start3A_367 = tpu.memref_squeeze %dma_start3A_366 : memref<1x56x224xf32, #tpu.memory_space<vmem>> -> memref<56x224xf32, #tpu.memory_space<vmem>>
    %dma_start3A_368 = arith.constant 0 : i32
    %dma_start3A_369 = tpu.memref_slice %arg2[%select_n3A_317, %select_n3A_359, %mul3A_361, %dma_start3A_368] : memref<3x64x224x224xf32, #tpu.memory_space<hbm>> -> memref<1x1x56x224xf32, #tpu.memory_space<hbm>>
    %dma_start3A_370 = tpu.memref_squeeze %dma_start3A_369 : memref<1x1x56x224xf32, #tpu.memory_space<hbm>> -> memref<56x224xf32, #tpu.memory_space<hbm>>
    %dma_start3A_371 = tpu.memref_slice %arg5[%dma_start3A_363] : memref<4x!tpu.dma_semaphore, #tpu.memory_space<semaphore_mem>> -> memref<1x!tpu.dma_semaphore, #tpu.memory_space<semaphore_mem>>
    %dma_start3A_372 = tpu.memref_squeeze %dma_start3A_371 : memref<1x!tpu.dma_semaphore, #tpu.memory_space<semaphore_mem>> -> memref<!tpu.dma_semaphore, #tpu.memory_space<semaphore_mem>>
    %dma_start3A_373 = arith.constant 0 : i32
    %dma_start3A_374 = arith.constant 0 : i32
    %dma_start3A_375 = tpu.memref_slice %arg4[%dma_start3A_362, %dma_start3A_373, %dma_start3A_374] : memref<4x56x224xf32, #tpu.memory_space<vmem>> -> memref<1x56x224xf32, #tpu.memory_space<vmem>>
    %dma_start3A_376 = tpu.memref_squeeze %dma_start3A_375 : memref<1x56x224xf32, #tpu.memory_space<vmem>> -> memref<56x224xf32, #tpu.memory_space<vmem>>
    %dma_start3A_377 = arith.constant 0 : i32
    %dma_start3A_378 = tpu.memref_slice %arg2[%select_n3A_317, %select_n3A_359, %mul3A_361, %dma_start3A_377] : memref<3x64x224x224xf32, #tpu.memory_space<hbm>> -> memref<1x1x56x224xf32, #tpu.memory_space<hbm>>
    %dma_start3A_379 = tpu.memref_squeeze %dma_start3A_378 : memref<1x1x56x224xf32, #tpu.memory_space<hbm>> -> memref<56x224xf32, #tpu.memory_space<hbm>>
    tpu.enqueue_dma source(%dma_start3A_379 : memref<56x224xf32, #tpu.memory_space<hbm>>) target(%dma_start3A_376 : memref<56x224xf32, #tpu.memory_space<vmem>>) target_semaphore(%dma_start3A_372 : memref<!tpu.dma_semaphore, #tpu.memory_space<semaphore_mem>>)
    %mul3A_380 = arith.constant 6 : i32
    %mul3A_381 = arith.muli %add3A, %mul3A_380 : i32
    %add3A_382 = arith.constant 3 : i32
    %add3A_383 = arith.addi %mul3A_381, %add3A_382 : i32
    %jit3A_384 = arith.constant 4 : i32
    %div3A_385 = arith.divsi %add3A_383, %jit3A_384 : i32
    %sign3A_386 = arith.constant 0 : i32
    %sign3A_387 = arith.cmpi sgt, %add3A_383, %sign3A_386 : i32
    %sign3A_388 = arith.extui %sign3A_387 : i1 to i32
    %sign3A_389 = arith.constant 0 : i32
    %sign3A_390 = arith.cmpi slt, %add3A_383, %sign3A_389 : i32
    %sign3A_391 = arith.extui %sign3A_390 : i1 to i32
    %sign3A_392 = arith.subi %sign3A_388, %sign3A_391 : i32
    %sign3A_393 = arith.constant 0 : i32
    %sign3A_394 = arith.cmpi sgt, %jit3A_384, %sign3A_393 : i32
    %sign3A_395 = arith.extui %sign3A_394 : i1 to i32
    %sign3A_396 = arith.constant 0 : i32
    %sign3A_397 = arith.cmpi slt, %jit3A_384, %sign3A_396 : i32
    %sign3A_398 = arith.extui %sign3A_397 : i1 to i32
    %sign3A_399 = arith.subi %sign3A_395, %sign3A_398 : i32
    %ne3A_400 = arith.cmpi ne, %sign3A_392, %sign3A_399 : i32
    %rem3A_401 = arith.remsi %add3A_383, %jit3A_384 : i32
    %ne3A_402 = arith.constant 0 : i32
    %ne3A_403 = arith.cmpi ne, %rem3A_401, %ne3A_402 : i32
    %and3A_404 = arith.andi %ne3A_400, %ne3A_403 : i1
    %sub3A_405 = arith.constant 1 : i32
    %sub3A_406 = arith.subi %div3A_385, %sub3A_405 : i32
    %select_n3A_407 = arith.select %and3A_404, %sub3A_406, %div3A_385 : i32
    %jit3A_408 = arith.constant 4 : i32
    %eq3A_409 = arith.constant 0 : i32
    %eq3A_410 = arith.cmpi eq, %jit3A_408, %eq3A_409 : i32
    %jit3A_411 = arith.constant 1 : i32
    %select_n3A_412 = arith.select %eq3A_410, %jit3A_411, %jit3A_408 : i32
    %rem3A_413 = arith.remsi %add3A_383, %select_n3A_412 : i32
    %ne3A_414 = arith.constant 0 : i32
    %ne3A_415 = arith.cmpi ne, %rem3A_413, %ne3A_414 : i32
    %lt3A_416 = arith.constant 0 : i32
    %lt3A_417 = arith.cmpi slt, %rem3A_413, %lt3A_416 : i32
    %lt3A_418 = arith.constant 0 : i32
    %lt3A_419 = arith.cmpi slt, %select_n3A_412, %lt3A_418 : i32
    %ne3A_420 = arith.xori %lt3A_417, %lt3A_419 : i1
    %and3A_421 = arith.andi %ne3A_420, %ne3A_415 : i1
    %add3A_422 = arith.addi %rem3A_413, %select_n3A_412 : i32
    %select_n3A_423 = arith.select %and3A_421, %add3A_422, %rem3A_413 : i32
    %jit3A_424 = arith.constant 16 : i32
    %div3A_425 = arith.divsi %select_n3A_407, %jit3A_424 : i32
    %sign3A_426 = arith.constant 0 : i32
    %sign3A_427 = arith.cmpi sgt, %select_n3A_407, %sign3A_426 : i32
    %sign3A_428 = arith.extui %sign3A_427 : i1 to i32
    %sign3A_429 = arith.constant 0 : i32
    %sign3A_430 = arith.cmpi slt, %select_n3A_407, %sign3A_429 : i32
    %sign3A_431 = arith.extui %sign3A_430 : i1 to i32
    %sign3A_432 = arith.subi %sign3A_428, %sign3A_431 : i32
    %sign3A_433 = arith.constant 0 : i32
    %sign3A_434 = arith.cmpi sgt, %jit3A_424, %sign3A_433 : i32
    %sign3A_435 = arith.extui %sign3A_434 : i1 to i32
    %sign3A_436 = arith.constant 0 : i32
    %sign3A_437 = arith.cmpi slt, %jit3A_424, %sign3A_436 : i32
    %sign3A_438 = arith.extui %sign3A_437 : i1 to i32
    %sign3A_439 = arith.subi %sign3A_435, %sign3A_438 : i32
    %ne3A_440 = arith.cmpi ne, %sign3A_432, %sign3A_439 : i32
    %rem3A_441 = arith.remsi %select_n3A_407, %jit3A_424 : i32
    %ne3A_442 = arith.constant 0 : i32
    %ne3A_443 = arith.cmpi ne, %rem3A_441, %ne3A_442 : i32
    %and3A_444 = arith.andi %ne3A_440, %ne3A_443 : i1
    %sub3A_445 = arith.constant 1 : i32
    %sub3A_446 = arith.subi %div3A_425, %sub3A_445 : i32
    %select_n3A_447 = arith.select %and3A_444, %sub3A_446, %div3A_425 : i32
    %jit3A_448 = arith.constant 16 : i32
    %eq3A_449 = arith.constant 0 : i32
    %eq3A_450 = arith.cmpi eq, %jit3A_448, %eq3A_449 : i32
    %jit3A_451 = arith.constant 1 : i32
    %select_n3A_452 = arith.select %eq3A_450, %jit3A_451, %jit3A_448 : i32
    %rem3A_453 = arith.remsi %select_n3A_407, %select_n3A_452 : i32
    %ne3A_454 = arith.constant 0 : i32
    %ne3A_455 = arith.cmpi ne, %rem3A_453, %ne3A_454 : i32
    %lt3A_456 = arith.constant 0 : i32
    %lt3A_457 = arith.cmpi slt, %rem3A_453, %lt3A_456 : i32
    %lt3A_458 = arith.constant 0 : i32
    %lt3A_459 = arith.cmpi slt, %select_n3A_452, %lt3A_458 : i32
    %ne3A_460 = arith.xori %lt3A_457, %lt3A_459 : i1
    %and3A_461 = arith.andi %ne3A_460, %ne3A_455 : i1
    %add3A_462 = arith.addi %rem3A_453, %select_n3A_452 : i32
    %select_n3A_463 = arith.select %and3A_461, %add3A_462, %rem3A_453 : i32
    %mul3A_464 = arith.constant 63 : i32
    %mul3A_465 = arith.muli %select_n3A_463, %mul3A_464 : i32
    %jit3A_466 = arith.constant 15 : i32
    %div3A_467 = arith.divsi %mul3A_465, %jit3A_466 : i32
    %sign3A_468 = arith.constant 0 : i32
    %sign3A_469 = arith.cmpi sgt, %mul3A_465, %sign3A_468 : i32
    %sign3A_470 = arith.extui %sign3A_469 : i1 to i32
    %sign3A_471 = arith.constant 0 : i32
    %sign3A_472 = arith.cmpi slt, %mul3A_465, %sign3A_471 : i32
    %sign3A_473 = arith.extui %sign3A_472 : i1 to i32
    %sign3A_474 = arith.subi %sign3A_470, %sign3A_473 : i32
    %sign3A_475 = arith.constant 0 : i32
    %sign3A_476 = arith.cmpi sgt, %jit3A_466, %sign3A_475 : i32
    %sign3A_477 = arith.extui %sign3A_476 : i1 to i32
    %sign3A_478 = arith.constant 0 : i32
    %sign3A_479 = arith.cmpi slt, %jit3A_466, %sign3A_478 : i32
    %sign3A_480 = arith.extui %sign3A_479 : i1 to i32
    %sign3A_481 = arith.subi %sign3A_477, %sign3A_480 : i32
    %ne3A_482 = arith.cmpi ne, %sign3A_474, %sign3A_481 : i32
    %rem3A_483 = arith.remsi %mul3A_465, %jit3A_466 : i32
    %ne3A_484 = arith.constant 0 : i32
    %ne3A_485 = arith.cmpi ne, %rem3A_483, %ne3A_484 : i32
    %and3A_486 = arith.andi %ne3A_482, %ne3A_485 : i1
    %sub3A_487 = arith.constant 1 : i32
    %sub3A_488 = arith.subi %div3A_467, %sub3A_487 : i32
    %select_n3A_489 = arith.select %and3A_486, %sub3A_488, %div3A_467 : i32
    %mul3A_490 = arith.constant 56 : i32
    %mul3A_491 = arith.muli %select_n3A_423, %mul3A_490 : i32
    %dma_start3A_492 = arith.constant 3 : i32
    %dma_start3A_493 = arith.constant 3 : i32
    %dma_start3A_494 = arith.constant 0 : i32
    %dma_start3A_495 = arith.constant 0 : i32
    %dma_start3A_496 = tpu.memref_slice %arg4[%dma_start3A_492, %dma_start3A_494, %dma_start3A_495] : memref<4x56x224xf32, #tpu.memory_space<vmem>> -> memref<1x56x224xf32, #tpu.memory_space<vmem>>
    %dma_start3A_497 = tpu.memref_squeeze %dma_start3A_496 : memref<1x56x224xf32, #tpu.memory_space<vmem>> -> memref<56x224xf32, #tpu.memory_space<vmem>>
    %dma_start3A_498 = arith.constant 0 : i32
    %dma_start3A_499 = tpu.memref_slice %arg2[%select_n3A_447, %select_n3A_489, %mul3A_491, %dma_start3A_498] : memref<3x64x224x224xf32, #tpu.memory_space<hbm>> -> memref<1x1x56x224xf32, #tpu.memory_space<hbm>>
    %dma_start3A_500 = tpu.memref_squeeze %dma_start3A_499 : memref<1x1x56x224xf32, #tpu.memory_space<hbm>> -> memref<56x224xf32, #tpu.memory_space<hbm>>
    %dma_start3A_501 = tpu.memref_slice %arg5[%dma_start3A_493] : memref<4x!tpu.dma_semaphore, #tpu.memory_space<semaphore_mem>> -> memref<1x!tpu.dma_semaphore, #tpu.memory_space<semaphore_mem>>
    %dma_start3A_502 = tpu.memref_squeeze %dma_start3A_501 : memref<1x!tpu.dma_semaphore, #tpu.memory_space<semaphore_mem>> -> memref<!tpu.dma_semaphore, #tpu.memory_space<semaphore_mem>>
    %dma_start3A_503 = arith.constant 0 : i32
    %dma_start3A_504 = arith.constant 0 : i32
    %dma_start3A_505 = tpu.memref_slice %arg4[%dma_start3A_492, %dma_start3A_503, %dma_start3A_504] : memref<4x56x224xf32, #tpu.memory_space<vmem>> -> memref<1x56x224xf32, #tpu.memory_space<vmem>>
    %dma_start3A_506 = tpu.memref_squeeze %dma_start3A_505 : memref<1x56x224xf32, #tpu.memory_space<vmem>> -> memref<56x224xf32, #tpu.memory_space<vmem>>
    %dma_start3A_507 = arith.constant 0 : i32
    %dma_start3A_508 = tpu.memref_slice %arg2[%select_n3A_447, %select_n3A_489, %mul3A_491, %dma_start3A_507] : memref<3x64x224x224xf32, #tpu.memory_space<hbm>> -> memref<1x1x56x224xf32, #tpu.memory_space<hbm>>
    %dma_start3A_509 = tpu.memref_squeeze %dma_start3A_508 : memref<1x1x56x224xf32, #tpu.memory_space<hbm>> -> memref<56x224xf32, #tpu.memory_space<hbm>>
    tpu.enqueue_dma source(%dma_start3A_509 : memref<56x224xf32, #tpu.memory_space<hbm>>) target(%dma_start3A_506 : memref<56x224xf32, #tpu.memory_space<vmem>>) target_semaphore(%dma_start3A_502 : memref<!tpu.dma_semaphore, #tpu.memory_space<semaphore_mem>>)
    %mul3A_510 = arith.constant 6 : i32
    %mul3A_511 = arith.muli %add3A, %mul3A_510 : i32
    %add3A_512 = arith.constant 0 : i32
    %add3A_513 = arith.addi %mul3A_511, %add3A_512 : i32
    %jit3A_514 = arith.constant 4 : i32
    %div3A_515 = arith.divsi %add3A_513, %jit3A_514 : i32
    %sign3A_516 = arith.constant 0 : i32
    %sign3A_517 = arith.cmpi sgt, %add3A_513, %sign3A_516 : i32
    %sign3A_518 = arith.extui %sign3A_517 : i1 to i32
    %sign3A_519 = arith.constant 0 : i32
    %sign3A_520 = arith.cmpi slt, %add3A_513, %sign3A_519 : i32
    %sign3A_521 = arith.extui %sign3A_520 : i1 to i32
    %sign3A_522 = arith.subi %sign3A_518, %sign3A_521 : i32
    %sign3A_523 = arith.constant 0 : i32
    %sign3A_524 = arith.cmpi sgt, %jit3A_514, %sign3A_523 : i32
    %sign3A_525 = arith.extui %sign3A_524 : i1 to i32
    %sign3A_526 = arith.constant 0 : i32
    %sign3A_527 = arith.cmpi slt, %jit3A_514, %sign3A_526 : i32
    %sign3A_528 = arith.extui %sign3A_527 : i1 to i32
    %sign3A_529 = arith.subi %sign3A_525, %sign3A_528 : i32
    %ne3A_530 = arith.cmpi ne, %sign3A_522, %sign3A_529 : i32
    %rem3A_531 = arith.remsi %add3A_513, %jit3A_514 : i32
    %ne3A_532 = arith.constant 0 : i32
    %ne3A_533 = arith.cmpi ne, %rem3A_531, %ne3A_532 : i32
    %and3A_534 = arith.andi %ne3A_530, %ne3A_533 : i1
    %sub3A_535 = arith.constant 1 : i32
    %sub3A_536 = arith.subi %div3A_515, %sub3A_535 : i32
    %select_n3A_537 = arith.select %and3A_534, %sub3A_536, %div3A_515 : i32
    %jit3A_538 = arith.constant 4 : i32
    %eq3A_539 = arith.constant 0 : i32
    %eq3A_540 = arith.cmpi eq, %jit3A_538, %eq3A_539 : i32
    %jit3A_541 = arith.constant 1 : i32
    %select_n3A_542 = arith.select %eq3A_540, %jit3A_541, %jit3A_538 : i32
    %rem3A_543 = arith.remsi %add3A_513, %select_n3A_542 : i32
    %ne3A_544 = arith.constant 0 : i32
    %ne3A_545 = arith.cmpi ne, %rem3A_543, %ne3A_544 : i32
    %lt3A_546 = arith.constant 0 : i32
    %lt3A_547 = arith.cmpi slt, %rem3A_543, %lt3A_546 : i32
    %lt3A_548 = arith.constant 0 : i32
    %lt3A_549 = arith.cmpi slt, %select_n3A_542, %lt3A_548 : i32
    %ne3A_550 = arith.xori %lt3A_547, %lt3A_549 : i1
    %and3A_551 = arith.andi %ne3A_550, %ne3A_545 : i1
    %add3A_552 = arith.addi %rem3A_543, %select_n3A_542 : i32
    %select_n3A_553 = arith.select %and3A_551, %add3A_552, %rem3A_543 : i32
    %jit3A_554 = arith.constant 16 : i32
    %div3A_555 = arith.divsi %select_n3A_537, %jit3A_554 : i32
    %sign3A_556 = arith.constant 0 : i32
    %sign3A_557 = arith.cmpi sgt, %select_n3A_537, %sign3A_556 : i32
    %sign3A_558 = arith.extui %sign3A_557 : i1 to i32
    %sign3A_559 = arith.constant 0 : i32
    %sign3A_560 = arith.cmpi slt, %select_n3A_537, %sign3A_559 : i32
    %sign3A_561 = arith.extui %sign3A_560 : i1 to i32
    %sign3A_562 = arith.subi %sign3A_558, %sign3A_561 : i32
    %sign3A_563 = arith.constant 0 : i32
    %sign3A_564 = arith.cmpi sgt, %jit3A_554, %sign3A_563 : i32
    %sign3A_565 = arith.extui %sign3A_564 : i1 to i32
    %sign3A_566 = arith.constant 0 : i32
    %sign3A_567 = arith.cmpi slt, %jit3A_554, %sign3A_566 : i32
    %sign3A_568 = arith.extui %sign3A_567 : i1 to i32
    %sign3A_569 = arith.subi %sign3A_565, %sign3A_568 : i32
    %ne3A_570 = arith.cmpi ne, %sign3A_562, %sign3A_569 : i32
    %rem3A_571 = arith.remsi %select_n3A_537, %jit3A_554 : i32
    %ne3A_572 = arith.constant 0 : i32
    %ne3A_573 = arith.cmpi ne, %rem3A_571, %ne3A_572 : i32
    %and3A_574 = arith.andi %ne3A_570, %ne3A_573 : i1
    %sub3A_575 = arith.constant 1 : i32
    %sub3A_576 = arith.subi %div3A_555, %sub3A_575 : i32
    %select_n3A_577 = arith.select %and3A_574, %sub3A_576, %div3A_555 : i32
    %jit3A_578 = arith.constant 16 : i32
    %eq3A_579 = arith.constant 0 : i32
    %eq3A_580 = arith.cmpi eq, %jit3A_578, %eq3A_579 : i32
    %jit3A_581 = arith.constant 1 : i32
    %select_n3A_582 = arith.select %eq3A_580, %jit3A_581, %jit3A_578 : i32
    %rem3A_583 = arith.remsi %select_n3A_537, %select_n3A_582 : i32
    %ne3A_584 = arith.constant 0 : i32
    %ne3A_585 = arith.cmpi ne, %rem3A_583, %ne3A_584 : i32
    %lt3A_586 = arith.constant 0 : i32
    %lt3A_587 = arith.cmpi slt, %rem3A_583, %lt3A_586 : i32
    %lt3A_588 = arith.constant 0 : i32
    %lt3A_589 = arith.cmpi slt, %select_n3A_582, %lt3A_588 : i32
    %ne3A_590 = arith.xori %lt3A_587, %lt3A_589 : i1
    %and3A_591 = arith.andi %ne3A_590, %ne3A_585 : i1
    %add3A_592 = arith.addi %rem3A_583, %select_n3A_582 : i32
    %select_n3A_593 = arith.select %and3A_591, %add3A_592, %rem3A_583 : i32
    %mul3A_594 = arith.constant 63 : i32
    %mul3A_595 = arith.muli %select_n3A_593, %mul3A_594 : i32
    %jit3A_596 = arith.constant 15 : i32
    %div3A_597 = arith.divsi %mul3A_595, %jit3A_596 : i32
    %sign3A_598 = arith.constant 0 : i32
    %sign3A_599 = arith.cmpi sgt, %mul3A_595, %sign3A_598 : i32
    %sign3A_600 = arith.extui %sign3A_599 : i1 to i32
    %sign3A_601 = arith.constant 0 : i32
    %sign3A_602 = arith.cmpi slt, %mul3A_595, %sign3A_601 : i32
    %sign3A_603 = arith.extui %sign3A_602 : i1 to i32
    %sign3A_604 = arith.subi %sign3A_600, %sign3A_603 : i32
    %sign3A_605 = arith.constant 0 : i32
    %sign3A_606 = arith.cmpi sgt, %jit3A_596, %sign3A_605 : i32
    %sign3A_607 = arith.extui %sign3A_606 : i1 to i32
    %sign3A_608 = arith.constant 0 : i32
    %sign3A_609 = arith.cmpi slt, %jit3A_596, %sign3A_608 : i32
    %sign3A_610 = arith.extui %sign3A_609 : i1 to i32
    %sign3A_611 = arith.subi %sign3A_607, %sign3A_610 : i32
    %ne3A_612 = arith.cmpi ne, %sign3A_604, %sign3A_611 : i32
    %rem3A_613 = arith.remsi %mul3A_595, %jit3A_596 : i32
    %ne3A_614 = arith.constant 0 : i32
    %ne3A_615 = arith.cmpi ne, %rem3A_613, %ne3A_614 : i32
    %and3A_616 = arith.andi %ne3A_612, %ne3A_615 : i1
    %sub3A_617 = arith.constant 1 : i32
    %sub3A_618 = arith.subi %div3A_597, %sub3A_617 : i32
    %select_n3A_619 = arith.select %and3A_616, %sub3A_618, %div3A_597 : i32
    %mul3A_620 = arith.constant 56 : i32
    %mul3A_621 = arith.muli %select_n3A_553, %mul3A_620 : i32
    %dma_wait3A = arith.constant 0 : i32
    %dma_wait3A_622 = arith.constant 0 : i32
    %dma_wait3A_623 = arith.constant 0 : i32
    %dma_wait3A_624 = arith.constant 0 : i32
    %dma_wait3A_625 = tpu.memref_slice %arg4[%dma_wait3A, %dma_wait3A_623, %dma_wait3A_624] : memref<4x56x224xf32, #tpu.memory_space<vmem>> -> memref<1x56x224xf32, #tpu.memory_space<vmem>>
    %dma_wait3A_626 = tpu.memref_squeeze %dma_wait3A_625 : memref<1x56x224xf32, #tpu.memory_space<vmem>> -> memref<56x224xf32, #tpu.memory_space<vmem>>
    %dma_wait3A_627 = arith.constant 0 : i32
    %dma_wait3A_628 = tpu.memref_slice %arg2[%select_n3A_577, %select_n3A_619, %mul3A_621, %dma_wait3A_627] : memref<3x64x224x224xf32, #tpu.memory_space<hbm>> -> memref<1x1x56x224xf32, #tpu.memory_space<hbm>>
    %dma_wait3A_629 = tpu.memref_squeeze %dma_wait3A_628 : memref<1x1x56x224xf32, #tpu.memory_space<hbm>> -> memref<56x224xf32, #tpu.memory_space<hbm>>
    %dma_wait3A_630 = tpu.memref_slice %arg5[%dma_wait3A_622] : memref<4x!tpu.dma_semaphore, #tpu.memory_space<semaphore_mem>> -> memref<1x!tpu.dma_semaphore, #tpu.memory_space<semaphore_mem>>
    %dma_wait3A_631 = tpu.memref_squeeze %dma_wait3A_630 : memref<1x!tpu.dma_semaphore, #tpu.memory_space<semaphore_mem>> -> memref<!tpu.dma_semaphore, #tpu.memory_space<semaphore_mem>>
    %dma_wait3A_632 = arith.constant 0 : i32
    %dma_wait3A_633 = arith.constant 0 : i32
    %dma_wait3A_634 = tpu.memref_slice %arg4[%dma_wait3A, %dma_wait3A_632, %dma_wait3A_633] : memref<4x56x224xf32, #tpu.memory_space<vmem>> -> memref<1x56x224xf32, #tpu.memory_space<vmem>>
    %dma_wait3A_635 = tpu.memref_squeeze %dma_wait3A_634 : memref<1x56x224xf32, #tpu.memory_space<vmem>> -> memref<56x224xf32, #tpu.memory_space<vmem>>
    %dma_wait3A_636 = arith.constant 0 : i32
    %dma_wait3A_637 = tpu.memref_slice %arg2[%select_n3A_577, %select_n3A_619, %mul3A_621, %dma_wait3A_636] : memref<3x64x224x224xf32, #tpu.memory_space<hbm>> -> memref<1x1x56x224xf32, #tpu.memory_space<hbm>>
    %dma_wait3A_638 = tpu.memref_squeeze %dma_wait3A_637 : memref<1x1x56x224xf32, #tpu.memory_space<hbm>> -> memref<56x224xf32, #tpu.memory_space<hbm>>
    tpu.wait_dma2 semaphore(%dma_wait3A_631 : memref<!tpu.dma_semaphore, #tpu.memory_space<semaphore_mem>>) src(%dma_wait3A_638 : memref<56x224xf32, #tpu.memory_space<hbm>>) dst(%dma_wait3A_635 : memref<56x224xf32, #tpu.memory_space<vmem>>)
    %mul3A_639 = arith.constant 6 : i32
    %mul3A_640 = arith.muli %add3A, %mul3A_639 : i32
    %add3A_641 = arith.constant 0 : i32
    %add3A_642 = arith.addi %mul3A_640, %add3A_641 : i32
    %jit3A_643 = arith.constant 4 : i32
    %div3A_644 = arith.divsi %add3A_642, %jit3A_643 : i32
    %sign3A_645 = arith.constant 0 : i32
    %sign3A_646 = arith.cmpi sgt, %add3A_642, %sign3A_645 : i32
    %sign3A_647 = arith.extui %sign3A_646 : i1 to i32
    %sign3A_648 = arith.constant 0 : i32
    %sign3A_649 = arith.cmpi slt, %add3A_642, %sign3A_648 : i32
    %sign3A_650 = arith.extui %sign3A_649 : i1 to i32
    %sign3A_651 = arith.subi %sign3A_647, %sign3A_650 : i32
    %sign3A_652 = arith.constant 0 : i32
    %sign3A_653 = arith.cmpi sgt, %jit3A_643, %sign3A_652 : i32
    %sign3A_654 = arith.extui %sign3A_653 : i1 to i32
    %sign3A_655 = arith.constant 0 : i32
    %sign3A_656 = arith.cmpi slt, %jit3A_643, %sign3A_655 : i32
    %sign3A_657 = arith.extui %sign3A_656 : i1 to i32
    %sign3A_658 = arith.subi %sign3A_654, %sign3A_657 : i32
    %ne3A_659 = arith.cmpi ne, %sign3A_651, %sign3A_658 : i32
    %rem3A_660 = arith.remsi %add3A_642, %jit3A_643 : i32
    %ne3A_661 = arith.constant 0 : i32
    %ne3A_662 = arith.cmpi ne, %rem3A_660, %ne3A_661 : i32
    %and3A_663 = arith.andi %ne3A_659, %ne3A_662 : i1
    %sub3A_664 = arith.constant 1 : i32
    %sub3A_665 = arith.subi %div3A_644, %sub3A_664 : i32
    %select_n3A_666 = arith.select %and3A_663, %sub3A_665, %div3A_644 : i32
    %jit3A_667 = arith.constant 4 : i32
    %eq3A_668 = arith.constant 0 : i32
    %eq3A_669 = arith.cmpi eq, %jit3A_667, %eq3A_668 : i32
    %jit3A_670 = arith.constant 1 : i32
    %select_n3A_671 = arith.select %eq3A_669, %jit3A_670, %jit3A_667 : i32
    %rem3A_672 = arith.remsi %add3A_642, %select_n3A_671 : i32
    %ne3A_673 = arith.constant 0 : i32
    %ne3A_674 = arith.cmpi ne, %rem3A_672, %ne3A_673 : i32
    %lt3A_675 = arith.constant 0 : i32
    %lt3A_676 = arith.cmpi slt, %rem3A_672, %lt3A_675 : i32
    %lt3A_677 = arith.constant 0 : i32
    %lt3A_678 = arith.cmpi slt, %select_n3A_671, %lt3A_677 : i32
    %ne3A_679 = arith.xori %lt3A_676, %lt3A_678 : i1
    %and3A_680 = arith.andi %ne3A_679, %ne3A_674 : i1
    %add3A_681 = arith.addi %rem3A_672, %select_n3A_671 : i32
    %select_n3A_682 = arith.select %and3A_680, %add3A_681, %rem3A_672 : i32
    %jit3A_683 = arith.constant 16 : i32
    %div3A_684 = arith.divsi %select_n3A_666, %jit3A_683 : i32
    %sign3A_685 = arith.constant 0 : i32
    %sign3A_686 = arith.cmpi sgt, %select_n3A_666, %sign3A_685 : i32
    %sign3A_687 = arith.extui %sign3A_686 : i1 to i32
    %sign3A_688 = arith.constant 0 : i32
    %sign3A_689 = arith.cmpi slt, %select_n3A_666, %sign3A_688 : i32
    %sign3A_690 = arith.extui %sign3A_689 : i1 to i32
    %sign3A_691 = arith.subi %sign3A_687, %sign3A_690 : i32
    %sign3A_692 = arith.constant 0 : i32
    %sign3A_693 = arith.cmpi sgt, %jit3A_683, %sign3A_692 : i32
    %sign3A_694 = arith.extui %sign3A_693 : i1 to i32
    %sign3A_695 = arith.constant 0 : i32
    %sign3A_696 = arith.cmpi slt, %jit3A_683, %sign3A_695 : i32
    %sign3A_697 = arith.extui %sign3A_696 : i1 to i32
    %sign3A_698 = arith.subi %sign3A_694, %sign3A_697 : i32
    %ne3A_699 = arith.cmpi ne, %sign3A_691, %sign3A_698 : i32
    %rem3A_700 = arith.remsi %select_n3A_666, %jit3A_683 : i32
    %ne3A_701 = arith.constant 0 : i32
    %ne3A_702 = arith.cmpi ne, %rem3A_700, %ne3A_701 : i32
    %and3A_703 = arith.andi %ne3A_699, %ne3A_702 : i1
    %sub3A_704 = arith.constant 1 : i32
    %sub3A_705 = arith.subi %div3A_684, %sub3A_704 : i32
    %select_n3A_706 = arith.select %and3A_703, %sub3A_705, %div3A_684 : i32
    %jit3A_707 = arith.constant 16 : i32
    %eq3A_708 = arith.constant 0 : i32
    %eq3A_709 = arith.cmpi eq, %jit3A_707, %eq3A_708 : i32
    %jit3A_710 = arith.constant 1 : i32
    %select_n3A_711 = arith.select %eq3A_709, %jit3A_710, %jit3A_707 : i32
    %rem3A_712 = arith.remsi %select_n3A_666, %select_n3A_711 : i32
    %ne3A_713 = arith.constant 0 : i32
    %ne3A_714 = arith.cmpi ne, %rem3A_712, %ne3A_713 : i32
    %lt3A_715 = arith.constant 0 : i32
    %lt3A_716 = arith.cmpi slt, %rem3A_712, %lt3A_715 : i32
    %lt3A_717 = arith.constant 0 : i32
    %lt3A_718 = arith.cmpi slt, %select_n3A_711, %lt3A_717 : i32
    %ne3A_719 = arith.xori %lt3A_716, %lt3A_718 : i1
    %and3A_720 = arith.andi %ne3A_719, %ne3A_714 : i1
    %add3A_721 = arith.addi %rem3A_712, %select_n3A_711 : i32
    %select_n3A_722 = arith.select %and3A_720, %add3A_721, %rem3A_712 : i32
    %mul3A_723 = arith.constant 63 : i32
    %mul3A_724 = arith.muli %select_n3A_722, %mul3A_723 : i32
    %jit3A_725 = arith.constant 15 : i32
    %div3A_726 = arith.divsi %mul3A_724, %jit3A_725 : i32
    %sign3A_727 = arith.constant 0 : i32
    %sign3A_728 = arith.cmpi sgt, %mul3A_724, %sign3A_727 : i32
    %sign3A_729 = arith.extui %sign3A_728 : i1 to i32
    %sign3A_730 = arith.constant 0 : i32
    %sign3A_731 = arith.cmpi slt, %mul3A_724, %sign3A_730 : i32
    %sign3A_732 = arith.extui %sign3A_731 : i1 to i32
    %sign3A_733 = arith.subi %sign3A_729, %sign3A_732 : i32
    %sign3A_734 = arith.constant 0 : i32
    %sign3A_735 = arith.cmpi sgt, %jit3A_725, %sign3A_734 : i32
    %sign3A_736 = arith.extui %sign3A_735 : i1 to i32
    %sign3A_737 = arith.constant 0 : i32
    %sign3A_738 = arith.cmpi slt, %jit3A_725, %sign3A_737 : i32
    %sign3A_739 = arith.extui %sign3A_738 : i1 to i32
    %sign3A_740 = arith.subi %sign3A_736, %sign3A_739 : i32
    %ne3A_741 = arith.cmpi ne, %sign3A_733, %sign3A_740 : i32
    %rem3A_742 = arith.remsi %mul3A_724, %jit3A_725 : i32
    %ne3A_743 = arith.constant 0 : i32
    %ne3A_744 = arith.cmpi ne, %rem3A_742, %ne3A_743 : i32
    %and3A_745 = arith.andi %ne3A_741, %ne3A_744 : i1
    %sub3A_746 = arith.constant 1 : i32
    %sub3A_747 = arith.subi %div3A_726, %sub3A_746 : i32
    %select_n3A_748 = arith.select %and3A_745, %sub3A_747, %div3A_726 : i32
    %mul3A_749 = arith.constant 56 : i32
    %mul3A_750 = arith.muli %select_n3A_682, %mul3A_749 : i32
    %dma_start3A_751 = arith.constant 0 : i32
    %dma_start3A_752 = arith.constant 0 : i32
    %dma_start3A_753 = arith.constant 0 : i32
    %dma_start3A_754 = arith.constant 0 : i32
    %dma_start3A_755 = tpu.memref_slice %arg4[%dma_start3A_751, %dma_start3A_753, %dma_start3A_754] : memref<4x56x224xf32, #tpu.memory_space<vmem>> -> memref<1x56x224xf32, #tpu.memory_space<vmem>>
    %dma_start3A_756 = tpu.memref_squeeze %dma_start3A_755 : memref<1x56x224xf32, #tpu.memory_space<vmem>> -> memref<56x224xf32, #tpu.memory_space<vmem>>
    %dma_start3A_757 = arith.constant 0 : i32
    %dma_start3A_758 = tpu.memref_slice %arg3[%select_n3A_706, %select_n3A_722, %mul3A_750, %dma_start3A_757] : memref<3x16x224x224xf32, #tpu.memory_space<hbm>> -> memref<1x1x56x224xf32, #tpu.memory_space<hbm>>
    %dma_start3A_759 = tpu.memref_squeeze %dma_start3A_758 : memref<1x1x56x224xf32, #tpu.memory_space<hbm>> -> memref<56x224xf32, #tpu.memory_space<hbm>>
    %dma_start3A_760 = tpu.memref_slice %arg6[%dma_start3A_752] : memref<4x!tpu.dma_semaphore, #tpu.memory_space<semaphore_mem>> -> memref<1x!tpu.dma_semaphore, #tpu.memory_space<semaphore_mem>>
    %dma_start3A_761 = tpu.memref_squeeze %dma_start3A_760 : memref<1x!tpu.dma_semaphore, #tpu.memory_space<semaphore_mem>> -> memref<!tpu.dma_semaphore, #tpu.memory_space<semaphore_mem>>
    %dma_start3A_762 = arith.constant 0 : i32
    %dma_start3A_763 = tpu.memref_slice %arg3[%select_n3A_706, %select_n3A_722, %mul3A_750, %dma_start3A_762] : memref<3x16x224x224xf32, #tpu.memory_space<hbm>> -> memref<1x1x56x224xf32, #tpu.memory_space<hbm>>
    %dma_start3A_764 = tpu.memref_squeeze %dma_start3A_763 : memref<1x1x56x224xf32, #tpu.memory_space<hbm>> -> memref<56x224xf32, #tpu.memory_space<hbm>>
    %dma_start3A_765 = arith.constant 0 : i32
    %dma_start3A_766 = arith.constant 0 : i32
    %dma_start3A_767 = tpu.memref_slice %arg4[%dma_start3A_751, %dma_start3A_765, %dma_start3A_766] : memref<4x56x224xf32, #tpu.memory_space<vmem>> -> memref<1x56x224xf32, #tpu.memory_space<vmem>>
    %dma_start3A_768 = tpu.memref_squeeze %dma_start3A_767 : memref<1x56x224xf32, #tpu.memory_space<vmem>> -> memref<56x224xf32, #tpu.memory_space<vmem>>
    tpu.enqueue_dma source(%dma_start3A_768 : memref<56x224xf32, #tpu.memory_space<vmem>>) target(%dma_start3A_764 : memref<56x224xf32, #tpu.memory_space<hbm>>) target_semaphore(%dma_start3A_761 : memref<!tpu.dma_semaphore, #tpu.memory_space<semaphore_mem>>)
    %mul3A_769 = arith.constant 6 : i32
    %mul3A_770 = arith.muli %add3A, %mul3A_769 : i32
    %add3A_771 = arith.constant 0 : i32
    %add3A_772 = arith.addi %mul3A_770, %add3A_771 : i32
    %jit3A_773 = arith.constant 4 : i32
    %div3A_774 = arith.divsi %add3A_772, %jit3A_773 : i32
    %sign3A_775 = arith.constant 0 : i32
    %sign3A_776 = arith.cmpi sgt, %add3A_772, %sign3A_775 : i32
    %sign3A_777 = arith.extui %sign3A_776 : i1 to i32
    %sign3A_778 = arith.constant 0 : i32
    %sign3A_779 = arith.cmpi slt, %add3A_772, %sign3A_778 : i32
    %sign3A_780 = arith.extui %sign3A_779 : i1 to i32
    %sign3A_781 = arith.subi %sign3A_777, %sign3A_780 : i32
    %sign3A_782 = arith.constant 0 : i32
    %sign3A_783 = arith.cmpi sgt, %jit3A_773, %sign3A_782 : i32
    %sign3A_784 = arith.extui %sign3A_783 : i1 to i32
    %sign3A_785 = arith.constant 0 : i32
    %sign3A_786 = arith.cmpi slt, %jit3A_773, %sign3A_785 : i32
    %sign3A_787 = arith.extui %sign3A_786 : i1 to i32
    %sign3A_788 = arith.subi %sign3A_784, %sign3A_787 : i32
    %ne3A_789 = arith.cmpi ne, %sign3A_781, %sign3A_788 : i32
    %rem3A_790 = arith.remsi %add3A_772, %jit3A_773 : i32
    %ne3A_791 = arith.constant 0 : i32
    %ne3A_792 = arith.cmpi ne, %rem3A_790, %ne3A_791 : i32
    %and3A_793 = arith.andi %ne3A_789, %ne3A_792 : i1
    %sub3A_794 = arith.constant 1 : i32
    %sub3A_795 = arith.subi %div3A_774, %sub3A_794 : i32
    %select_n3A_796 = arith.select %and3A_793, %sub3A_795, %div3A_774 : i32
    %jit3A_797 = arith.constant 4 : i32
    %eq3A_798 = arith.constant 0 : i32
    %eq3A_799 = arith.cmpi eq, %jit3A_797, %eq3A_798 : i32
    %jit3A_800 = arith.constant 1 : i32
    %select_n3A_801 = arith.select %eq3A_799, %jit3A_800, %jit3A_797 : i32
    %rem3A_802 = arith.remsi %add3A_772, %select_n3A_801 : i32
    %ne3A_803 = arith.constant 0 : i32
    %ne3A_804 = arith.cmpi ne, %rem3A_802, %ne3A_803 : i32
    %lt3A_805 = arith.constant 0 : i32
    %lt3A_806 = arith.cmpi slt, %rem3A_802, %lt3A_805 : i32
    %lt3A_807 = arith.constant 0 : i32
    %lt3A_808 = arith.cmpi slt, %select_n3A_801, %lt3A_807 : i32
    %ne3A_809 = arith.xori %lt3A_806, %lt3A_808 : i1
    %and3A_810 = arith.andi %ne3A_809, %ne3A_804 : i1
    %add3A_811 = arith.addi %rem3A_802, %select_n3A_801 : i32
    %select_n3A_812 = arith.select %and3A_810, %add3A_811, %rem3A_802 : i32
    %jit3A_813 = arith.constant 16 : i32
    %div3A_814 = arith.divsi %select_n3A_796, %jit3A_813 : i32
    %sign3A_815 = arith.constant 0 : i32
    %sign3A_816 = arith.cmpi sgt, %select_n3A_796, %sign3A_815 : i32
    %sign3A_817 = arith.extui %sign3A_816 : i1 to i32
    %sign3A_818 = arith.constant 0 : i32
    %sign3A_819 = arith.cmpi slt, %select_n3A_796, %sign3A_818 : i32
    %sign3A_820 = arith.extui %sign3A_819 : i1 to i32
    %sign3A_821 = arith.subi %sign3A_817, %sign3A_820 : i32
    %sign3A_822 = arith.constant 0 : i32
    %sign3A_823 = arith.cmpi sgt, %jit3A_813, %sign3A_822 : i32
    %sign3A_824 = arith.extui %sign3A_823 : i1 to i32
    %sign3A_825 = arith.constant 0 : i32
    %sign3A_826 = arith.cmpi slt, %jit3A_813, %sign3A_825 : i32
    %sign3A_827 = arith.extui %sign3A_826 : i1 to i32
    %sign3A_828 = arith.subi %sign3A_824, %sign3A_827 : i32
    %ne3A_829 = arith.cmpi ne, %sign3A_821, %sign3A_828 : i32
    %rem3A_830 = arith.remsi %select_n3A_796, %jit3A_813 : i32
    %ne3A_831 = arith.constant 0 : i32
    %ne3A_832 = arith.cmpi ne, %rem3A_830, %ne3A_831 : i32
    %and3A_833 = arith.andi %ne3A_829, %ne3A_832 : i1
    %sub3A_834 = arith.constant 1 : i32
    %sub3A_835 = arith.subi %div3A_814, %sub3A_834 : i32
    %select_n3A_836 = arith.select %and3A_833, %sub3A_835, %div3A_814 : i32
    %jit3A_837 = arith.constant 16 : i32
    %eq3A_838 = arith.constant 0 : i32
    %eq3A_839 = arith.cmpi eq, %jit3A_837, %eq3A_838 : i32
    %jit3A_840 = arith.constant 1 : i32
    %select_n3A_841 = arith.select %eq3A_839, %jit3A_840, %jit3A_837 : i32
    %rem3A_842 = arith.remsi %select_n3A_796, %select_n3A_841 : i32
    %ne3A_843 = arith.constant 0 : i32
    %ne3A_844 = arith.cmpi ne, %rem3A_842, %ne3A_843 : i32
    %lt3A_845 = arith.constant 0 : i32
    %lt3A_846 = arith.cmpi slt, %rem3A_842, %lt3A_845 : i32
    %lt3A_847 = arith.constant 0 : i32
    %lt3A_848 = arith.cmpi slt, %select_n3A_841, %lt3A_847 : i32
    %ne3A_849 = arith.xori %lt3A_846, %lt3A_848 : i1
    %and3A_850 = arith.andi %ne3A_849, %ne3A_844 : i1
    %add3A_851 = arith.addi %rem3A_842, %select_n3A_841 : i32
    %select_n3A_852 = arith.select %and3A_850, %add3A_851, %rem3A_842 : i32
    %mul3A_853 = arith.constant 63 : i32
    %mul3A_854 = arith.muli %select_n3A_852, %mul3A_853 : i32
    %jit3A_855 = arith.constant 15 : i32
    %div3A_856 = arith.divsi %mul3A_854, %jit3A_855 : i32
    %sign3A_857 = arith.constant 0 : i32
    %sign3A_858 = arith.cmpi sgt, %mul3A_854, %sign3A_857 : i32
    %sign3A_859 = arith.extui %sign3A_858 : i1 to i32
    %sign3A_860 = arith.constant 0 : i32
    %sign3A_861 = arith.cmpi slt, %mul3A_854, %sign3A_860 : i32
    %sign3A_862 = arith.extui %sign3A_861 : i1 to i32
    %sign3A_863 = arith.subi %sign3A_859, %sign3A_862 : i32
    %sign3A_864 = arith.constant 0 : i32
    %sign3A_865 = arith.cmpi sgt, %jit3A_855, %sign3A_864 : i32
    %sign3A_866 = arith.extui %sign3A_865 : i1 to i32
    %sign3A_867 = arith.constant 0 : i32
    %sign3A_868 = arith.cmpi slt, %jit3A_855, %sign3A_867 : i32
    %sign3A_869 = arith.extui %sign3A_868 : i1 to i32
    %sign3A_870 = arith.subi %sign3A_866, %sign3A_869 : i32
    %ne3A_871 = arith.cmpi ne, %sign3A_863, %sign3A_870 : i32
    %rem3A_872 = arith.remsi %mul3A_854, %jit3A_855 : i32
    %ne3A_873 = arith.constant 0 : i32
    %ne3A_874 = arith.cmpi ne, %rem3A_872, %ne3A_873 : i32
    %and3A_875 = arith.andi %ne3A_871, %ne3A_874 : i1
    %sub3A_876 = arith.constant 1 : i32
    %sub3A_877 = arith.subi %div3A_856, %sub3A_876 : i32
    %select_n3A_878 = arith.select %and3A_875, %sub3A_877, %div3A_856 : i32
    %mul3A_879 = arith.constant 56 : i32
    %mul3A_880 = arith.muli %select_n3A_812, %mul3A_879 : i32
    %dma_wait3A_881 = arith.constant 0 : i32
    %dma_wait3A_882 = arith.constant 0 : i32
    %dma_wait3A_883 = arith.constant 0 : i32
    %dma_wait3A_884 = arith.constant 0 : i32
    %dma_wait3A_885 = tpu.memref_slice %arg4[%dma_wait3A_881, %dma_wait3A_883, %dma_wait3A_884] : memref<4x56x224xf32, #tpu.memory_space<vmem>> -> memref<1x56x224xf32, #tpu.memory_space<vmem>>
    %dma_wait3A_886 = tpu.memref_squeeze %dma_wait3A_885 : memref<1x56x224xf32, #tpu.memory_space<vmem>> -> memref<56x224xf32, #tpu.memory_space<vmem>>
    %dma_wait3A_887 = arith.constant 0 : i32
    %dma_wait3A_888 = tpu.memref_slice %arg3[%select_n3A_836, %select_n3A_852, %mul3A_880, %dma_wait3A_887] : memref<3x16x224x224xf32, #tpu.memory_space<hbm>> -> memref<1x1x56x224xf32, #tpu.memory_space<hbm>>
    %dma_wait3A_889 = tpu.memref_squeeze %dma_wait3A_888 : memref<1x1x56x224xf32, #tpu.memory_space<hbm>> -> memref<56x224xf32, #tpu.memory_space<hbm>>
    %dma_wait3A_890 = tpu.memref_slice %arg6[%dma_wait3A_882] : memref<4x!tpu.dma_semaphore, #tpu.memory_space<semaphore_mem>> -> memref<1x!tpu.dma_semaphore, #tpu.memory_space<semaphore_mem>>
    %dma_wait3A_891 = tpu.memref_squeeze %dma_wait3A_890 : memref<1x!tpu.dma_semaphore, #tpu.memory_space<semaphore_mem>> -> memref<!tpu.dma_semaphore, #tpu.memory_space<semaphore_mem>>
    %dma_wait3A_892 = arith.constant 0 : i32
    %dma_wait3A_893 = tpu.memref_slice %arg3[%select_n3A_836, %select_n3A_852, %mul3A_880, %dma_wait3A_892] : memref<3x16x224x224xf32, #tpu.memory_space<hbm>> -> memref<1x1x56x224xf32, #tpu.memory_space<hbm>>
    %dma_wait3A_894 = tpu.memref_squeeze %dma_wait3A_893 : memref<1x1x56x224xf32, #tpu.memory_space<hbm>> -> memref<56x224xf32, #tpu.memory_space<hbm>>
    %dma_wait3A_895 = arith.constant 0 : i32
    %dma_wait3A_896 = arith.constant 0 : i32
    %dma_wait3A_897 = tpu.memref_slice %arg4[%dma_wait3A_881, %dma_wait3A_895, %dma_wait3A_896] : memref<4x56x224xf32, #tpu.memory_space<vmem>> -> memref<1x56x224xf32, #tpu.memory_space<vmem>>
    %dma_wait3A_898 = tpu.memref_squeeze %dma_wait3A_897 : memref<1x56x224xf32, #tpu.memory_space<vmem>> -> memref<56x224xf32, #tpu.memory_space<vmem>>
    tpu.wait_dma2 semaphore(%dma_wait3A_891 : memref<!tpu.dma_semaphore, #tpu.memory_space<semaphore_mem>>) src(%dma_wait3A_898 : memref<56x224xf32, #tpu.memory_space<vmem>>) dst(%dma_wait3A_894 : memref<56x224xf32, #tpu.memory_space<hbm>>)
    %mul3A_899 = arith.constant 6 : i32
    %mul3A_900 = arith.muli %add3A, %mul3A_899 : i32
    %add3A_901 = arith.constant 4 : i32
    %add3A_902 = arith.addi %mul3A_900, %add3A_901 : i32
    %jit3A_903 = arith.constant 4 : i32
    %div3A_904 = arith.divsi %add3A_902, %jit3A_903 : i32
    %sign3A_905 = arith.constant 0 : i32
    %sign3A_906 = arith.cmpi sgt, %add3A_902, %sign3A_905 : i32
    %sign3A_907 = arith.extui %sign3A_906 : i1 to i32
    %sign3A_908 = arith.constant 0 : i32
    %sign3A_909 = arith.cmpi slt, %add3A_902, %sign3A_908 : i32
    %sign3A_910 = arith.extui %sign3A_909 : i1 to i32
    %sign3A_911 = arith.subi %sign3A_907, %sign3A_910 : i32
    %sign3A_912 = arith.constant 0 : i32
    %sign3A_913 = arith.cmpi sgt, %jit3A_903, %sign3A_912 : i32
    %sign3A_914 = arith.extui %sign3A_913 : i1 to i32
    %sign3A_915 = arith.constant 0 : i32
    %sign3A_916 = arith.cmpi slt, %jit3A_903, %sign3A_915 : i32
    %sign3A_917 = arith.extui %sign3A_916 : i1 to i32
    %sign3A_918 = arith.subi %sign3A_914, %sign3A_917 : i32
    %ne3A_919 = arith.cmpi ne, %sign3A_911, %sign3A_918 : i32
    %rem3A_920 = arith.remsi %add3A_902, %jit3A_903 : i32
    %ne3A_921 = arith.constant 0 : i32
    %ne3A_922 = arith.cmpi ne, %rem3A_920, %ne3A_921 : i32
    %and3A_923 = arith.andi %ne3A_919, %ne3A_922 : i1
    %sub3A_924 = arith.constant 1 : i32
    %sub3A_925 = arith.subi %div3A_904, %sub3A_924 : i32
    %select_n3A_926 = arith.select %and3A_923, %sub3A_925, %div3A_904 : i32
    %jit3A_927 = arith.constant 4 : i32
    %eq3A_928 = arith.constant 0 : i32
    %eq3A_929 = arith.cmpi eq, %jit3A_927, %eq3A_928 : i32
    %jit3A_930 = arith.constant 1 : i32
    %select_n3A_931 = arith.select %eq3A_929, %jit3A_930, %jit3A_927 : i32
    %rem3A_932 = arith.remsi %add3A_902, %select_n3A_931 : i32
    %ne3A_933 = arith.constant 0 : i32
    %ne3A_934 = arith.cmpi ne, %rem3A_932, %ne3A_933 : i32
    %lt3A_935 = arith.constant 0 : i32
    %lt3A_936 = arith.cmpi slt, %rem3A_932, %lt3A_935 : i32
    %lt3A_937 = arith.constant 0 : i32
    %lt3A_938 = arith.cmpi slt, %select_n3A_931, %lt3A_937 : i32
    %ne3A_939 = arith.xori %lt3A_936, %lt3A_938 : i1
    %and3A_940 = arith.andi %ne3A_939, %ne3A_934 : i1
    %add3A_941 = arith.addi %rem3A_932, %select_n3A_931 : i32
    %select_n3A_942 = arith.select %and3A_940, %add3A_941, %rem3A_932 : i32
    %jit3A_943 = arith.constant 16 : i32
    %div3A_944 = arith.divsi %select_n3A_926, %jit3A_943 : i32
    %sign3A_945 = arith.constant 0 : i32
    %sign3A_946 = arith.cmpi sgt, %select_n3A_926, %sign3A_945 : i32
    %sign3A_947 = arith.extui %sign3A_946 : i1 to i32
    %sign3A_948 = arith.constant 0 : i32
    %sign3A_949 = arith.cmpi slt, %select_n3A_926, %sign3A_948 : i32
    %sign3A_950 = arith.extui %sign3A_949 : i1 to i32
    %sign3A_951 = arith.subi %sign3A_947, %sign3A_950 : i32
    %sign3A_952 = arith.constant 0 : i32
    %sign3A_953 = arith.cmpi sgt, %jit3A_943, %sign3A_952 : i32
    %sign3A_954 = arith.extui %sign3A_953 : i1 to i32
    %sign3A_955 = arith.constant 0 : i32
    %sign3A_956 = arith.cmpi slt, %jit3A_943, %sign3A_955 : i32
    %sign3A_957 = arith.extui %sign3A_956 : i1 to i32
    %sign3A_958 = arith.subi %sign3A_954, %sign3A_957 : i32
    %ne3A_959 = arith.cmpi ne, %sign3A_951, %sign3A_958 : i32
    %rem3A_960 = arith.remsi %select_n3A_926, %jit3A_943 : i32
    %ne3A_961 = arith.constant 0 : i32
    %ne3A_962 = arith.cmpi ne, %rem3A_960, %ne3A_961 : i32
    %and3A_963 = arith.andi %ne3A_959, %ne3A_962 : i1
    %sub3A_964 = arith.constant 1 : i32
    %sub3A_965 = arith.subi %div3A_944, %sub3A_964 : i32
    %select_n3A_966 = arith.select %and3A_963, %sub3A_965, %div3A_944 : i32
    %jit3A_967 = arith.constant 16 : i32
    %eq3A_968 = arith.constant 0 : i32
    %eq3A_969 = arith.cmpi eq, %jit3A_967, %eq3A_968 : i32
    %jit3A_970 = arith.constant 1 : i32
    %select_n3A_971 = arith.select %eq3A_969, %jit3A_970, %jit3A_967 : i32
    %rem3A_972 = arith.remsi %select_n3A_926, %select_n3A_971 : i32
    %ne3A_973 = arith.constant 0 : i32
    %ne3A_974 = arith.cmpi ne, %rem3A_972, %ne3A_973 : i32
    %lt3A_975 = arith.constant 0 : i32
    %lt3A_976 = arith.cmpi slt, %rem3A_972, %lt3A_975 : i32
    %lt3A_977 = arith.constant 0 : i32
    %lt3A_978 = arith.cmpi slt, %select_n3A_971, %lt3A_977 : i32
    %ne3A_979 = arith.xori %lt3A_976, %lt3A_978 : i1
    %and3A_980 = arith.andi %ne3A_979, %ne3A_974 : i1
    %add3A_981 = arith.addi %rem3A_972, %select_n3A_971 : i32
    %select_n3A_982 = arith.select %and3A_980, %add3A_981, %rem3A_972 : i32
    %mul3A_983 = arith.constant 63 : i32
    %mul3A_984 = arith.muli %select_n3A_982, %mul3A_983 : i32
    %jit3A_985 = arith.constant 15 : i32
    %div3A_986 = arith.divsi %mul3A_984, %jit3A_985 : i32
    %sign3A_987 = arith.constant 0 : i32
    %sign3A_988 = arith.cmpi sgt, %mul3A_984, %sign3A_987 : i32
    %sign3A_989 = arith.extui %sign3A_988 : i1 to i32
    %sign3A_990 = arith.constant 0 : i32
    %sign3A_991 = arith.cmpi slt, %mul3A_984, %sign3A_990 : i32
    %sign3A_992 = arith.extui %sign3A_991 : i1 to i32
    %sign3A_993 = arith.subi %sign3A_989, %sign3A_992 : i32
    %sign3A_994 = arith.constant 0 : i32
    %sign3A_995 = arith.cmpi sgt, %jit3A_985, %sign3A_994 : i32
    %sign3A_996 = arith.extui %sign3A_995 : i1 to i32
    %sign3A_997 = arith.constant 0 : i32
    %sign3A_998 = arith.cmpi slt, %jit3A_985, %sign3A_997 : i32
    %sign3A_999 = arith.extui %sign3A_998 : i1 to i32
    %sign3A_1000 = arith.subi %sign3A_996, %sign3A_999 : i32
    %ne3A_1001 = arith.cmpi ne, %sign3A_993, %sign3A_1000 : i32
    %rem3A_1002 = arith.remsi %mul3A_984, %jit3A_985 : i32
    %ne3A_1003 = arith.constant 0 : i32
    %ne3A_1004 = arith.cmpi ne, %rem3A_1002, %ne3A_1003 : i32
    %and3A_1005 = arith.andi %ne3A_1001, %ne3A_1004 : i1
    %sub3A_1006 = arith.constant 1 : i32
    %sub3A_1007 = arith.subi %div3A_986, %sub3A_1006 : i32
    %select_n3A_1008 = arith.select %and3A_1005, %sub3A_1007, %div3A_986 : i32
    %mul3A_1009 = arith.constant 56 : i32
    %mul3A_1010 = arith.muli %select_n3A_942, %mul3A_1009 : i32
    %dma_start3A_1011 = arith.constant 0 : i32
    %dma_start3A_1012 = arith.constant 0 : i32
    %dma_start3A_1013 = arith.constant 0 : i32
    %dma_start3A_1014 = arith.constant 0 : i32
    %dma_start3A_1015 = tpu.memref_slice %arg4[%dma_start3A_1011, %dma_start3A_1013, %dma_start3A_1014] : memref<4x56x224xf32, #tpu.memory_space<vmem>> -> memref<1x56x224xf32, #tpu.memory_space<vmem>>
    %dma_start3A_1016 = tpu.memref_squeeze %dma_start3A_1015 : memref<1x56x224xf32, #tpu.memory_space<vmem>> -> memref<56x224xf32, #tpu.memory_space<vmem>>
    %dma_start3A_1017 = arith.constant 0 : i32
    %dma_start3A_1018 = tpu.memref_slice %arg2[%select_n3A_966, %select_n3A_1008, %mul3A_1010, %dma_start3A_1017] : memref<3x64x224x224xf32, #tpu.memory_space<hbm>> -> memref<1x1x56x224xf32, #tpu.memory_space<hbm>>
    %dma_start3A_1019 = tpu.memref_squeeze %dma_start3A_1018 : memref<1x1x56x224xf32, #tpu.memory_space<hbm>> -> memref<56x224xf32, #tpu.memory_space<hbm>>
    %dma_start3A_1020 = tpu.memref_slice %arg5[%dma_start3A_1012] : memref<4x!tpu.dma_semaphore, #tpu.memory_space<semaphore_mem>> -> memref<1x!tpu.dma_semaphore, #tpu.memory_space<semaphore_mem>>
    %dma_start3A_1021 = tpu.memref_squeeze %dma_start3A_1020 : memref<1x!tpu.dma_semaphore, #tpu.memory_space<semaphore_mem>> -> memref<!tpu.dma_semaphore, #tpu.memory_space<semaphore_mem>>
    %dma_start3A_1022 = arith.constant 0 : i32
    %dma_start3A_1023 = arith.constant 0 : i32
    %dma_start3A_1024 = tpu.memref_slice %arg4[%dma_start3A_1011, %dma_start3A_1022, %dma_start3A_1023] : memref<4x56x224xf32, #tpu.memory_space<vmem>> -> memref<1x56x224xf32, #tpu.memory_space<vmem>>
    %dma_start3A_1025 = tpu.memref_squeeze %dma_start3A_1024 : memref<1x56x224xf32, #tpu.memory_space<vmem>> -> memref<56x224xf32, #tpu.memory_space<vmem>>
    %dma_start3A_1026 = arith.constant 0 : i32
    %dma_start3A_1027 = tpu.memref_slice %arg2[%select_n3A_966, %select_n3A_1008, %mul3A_1010, %dma_start3A_1026] : memref<3x64x224x224xf32, #tpu.memory_space<hbm>> -> memref<1x1x56x224xf32, #tpu.memory_space<hbm>>
    %dma_start3A_1028 = tpu.memref_squeeze %dma_start3A_1027 : memref<1x1x56x224xf32, #tpu.memory_space<hbm>> -> memref<56x224xf32, #tpu.memory_space<hbm>>
    tpu.enqueue_dma source(%dma_start3A_1028 : memref<56x224xf32, #tpu.memory_space<hbm>>) target(%dma_start3A_1025 : memref<56x224xf32, #tpu.memory_space<vmem>>) target_semaphore(%dma_start3A_1021 : memref<!tpu.dma_semaphore, #tpu.memory_space<semaphore_mem>>)
    %mul3A_1029 = arith.constant 6 : i32
    %mul3A_1030 = arith.muli %add3A, %mul3A_1029 : i32
    %add3A_1031 = arith.constant 1 : i32
    %add3A_1032 = arith.addi %mul3A_1030, %add3A_1031 : i32
    %jit3A_1033 = arith.constant 4 : i32
    %div3A_1034 = arith.divsi %add3A_1032, %jit3A_1033 : i32
    %sign3A_1035 = arith.constant 0 : i32
    %sign3A_1036 = arith.cmpi sgt, %add3A_1032, %sign3A_1035 : i32
    %sign3A_1037 = arith.extui %sign3A_1036 : i1 to i32
    %sign3A_1038 = arith.constant 0 : i32
    %sign3A_1039 = arith.cmpi slt, %add3A_1032, %sign3A_1038 : i32
    %sign3A_1040 = arith.extui %sign3A_1039 : i1 to i32
    %sign3A_1041 = arith.subi %sign3A_1037, %sign3A_1040 : i32
    %sign3A_1042 = arith.constant 0 : i32
    %sign3A_1043 = arith.cmpi sgt, %jit3A_1033, %sign3A_1042 : i32
    %sign3A_1044 = arith.extui %sign3A_1043 : i1 to i32
    %sign3A_1045 = arith.constant 0 : i32
    %sign3A_1046 = arith.cmpi slt, %jit3A_1033, %sign3A_1045 : i32
    %sign3A_1047 = arith.extui %sign3A_1046 : i1 to i32
    %sign3A_1048 = arith.subi %sign3A_1044, %sign3A_1047 : i32
    %ne3A_1049 = arith.cmpi ne, %sign3A_1041, %sign3A_1048 : i32
    %rem3A_1050 = arith.remsi %add3A_1032, %jit3A_1033 : i32
    %ne3A_1051 = arith.constant 0 : i32
    %ne3A_1052 = arith.cmpi ne, %rem3A_1050, %ne3A_1051 : i32
    %and3A_1053 = arith.andi %ne3A_1049, %ne3A_1052 : i1
    %sub3A_1054 = arith.constant 1 : i32
    %sub3A_1055 = arith.subi %div3A_1034, %sub3A_1054 : i32
    %select_n3A_1056 = arith.select %and3A_1053, %sub3A_1055, %div3A_1034 : i32
    %jit3A_1057 = arith.constant 4 : i32
    %eq3A_1058 = arith.constant 0 : i32
    %eq3A_1059 = arith.cmpi eq, %jit3A_1057, %eq3A_1058 : i32
    %jit3A_1060 = arith.constant 1 : i32
    %select_n3A_1061 = arith.select %eq3A_1059, %jit3A_1060, %jit3A_1057 : i32
    %rem3A_1062 = arith.remsi %add3A_1032, %select_n3A_1061 : i32
    %ne3A_1063 = arith.constant 0 : i32
    %ne3A_1064 = arith.cmpi ne, %rem3A_1062, %ne3A_1063 : i32
    %lt3A_1065 = arith.constant 0 : i32
    %lt3A_1066 = arith.cmpi slt, %rem3A_1062, %lt3A_1065 : i32
    %lt3A_1067 = arith.constant 0 : i32
    %lt3A_1068 = arith.cmpi slt, %select_n3A_1061, %lt3A_1067 : i32
    %ne3A_1069 = arith.xori %lt3A_1066, %lt3A_1068 : i1
    %and3A_1070 = arith.andi %ne3A_1069, %ne3A_1064 : i1
    %add3A_1071 = arith.addi %rem3A_1062, %select_n3A_1061 : i32
    %select_n3A_1072 = arith.select %and3A_1070, %add3A_1071, %rem3A_1062 : i32
    %jit3A_1073 = arith.constant 16 : i32
    %div3A_1074 = arith.divsi %select_n3A_1056, %jit3A_1073 : i32
    %sign3A_1075 = arith.constant 0 : i32
    %sign3A_1076 = arith.cmpi sgt, %select_n3A_1056, %sign3A_1075 : i32
    %sign3A_1077 = arith.extui %sign3A_1076 : i1 to i32
    %sign3A_1078 = arith.constant 0 : i32
    %sign3A_1079 = arith.cmpi slt, %select_n3A_1056, %sign3A_1078 : i32
    %sign3A_1080 = arith.extui %sign3A_1079 : i1 to i32
    %sign3A_1081 = arith.subi %sign3A_1077, %sign3A_1080 : i32
    %sign3A_1082 = arith.constant 0 : i32
    %sign3A_1083 = arith.cmpi sgt, %jit3A_1073, %sign3A_1082 : i32
    %sign3A_1084 = arith.extui %sign3A_1083 : i1 to i32
    %sign3A_1085 = arith.constant 0 : i32
    %sign3A_1086 = arith.cmpi slt, %jit3A_1073, %sign3A_1085 : i32
    %sign3A_1087 = arith.extui %sign3A_1086 : i1 to i32
    %sign3A_1088 = arith.subi %sign3A_1084, %sign3A_1087 : i32
    %ne3A_1089 = arith.cmpi ne, %sign3A_1081, %sign3A_1088 : i32
    %rem3A_1090 = arith.remsi %select_n3A_1056, %jit3A_1073 : i32
    %ne3A_1091 = arith.constant 0 : i32
    %ne3A_1092 = arith.cmpi ne, %rem3A_1090, %ne3A_1091 : i32
    %and3A_1093 = arith.andi %ne3A_1089, %ne3A_1092 : i1
    %sub3A_1094 = arith.constant 1 : i32
    %sub3A_1095 = arith.subi %div3A_1074, %sub3A_1094 : i32
    %select_n3A_1096 = arith.select %and3A_1093, %sub3A_1095, %div3A_1074 : i32
    %jit3A_1097 = arith.constant 16 : i32
    %eq3A_1098 = arith.constant 0 : i32
    %eq3A_1099 = arith.cmpi eq, %jit3A_1097, %eq3A_1098 : i32
    %jit3A_1100 = arith.constant 1 : i32
    %select_n3A_1101 = arith.select %eq3A_1099, %jit3A_1100, %jit3A_1097 : i32
    %rem3A_1102 = arith.remsi %select_n3A_1056, %select_n3A_1101 : i32
    %ne3A_1103 = arith.constant 0 : i32
    %ne3A_1104 = arith.cmpi ne, %rem3A_1102, %ne3A_1103 : i32
    %lt3A_1105 = arith.constant 0 : i32
    %lt3A_1106 = arith.cmpi slt, %rem3A_1102, %lt3A_1105 : i32
    %lt3A_1107 = arith.constant 0 : i32
    %lt3A_1108 = arith.cmpi slt, %select_n3A_1101, %lt3A_1107 : i32
    %ne3A_1109 = arith.xori %lt3A_1106, %lt3A_1108 : i1
    %and3A_1110 = arith.andi %ne3A_1109, %ne3A_1104 : i1
    %add3A_1111 = arith.addi %rem3A_1102, %select_n3A_1101 : i32
    %select_n3A_1112 = arith.select %and3A_1110, %add3A_1111, %rem3A_1102 : i32
    %mul3A_1113 = arith.constant 63 : i32
    %mul3A_1114 = arith.muli %select_n3A_1112, %mul3A_1113 : i32
    %jit3A_1115 = arith.constant 15 : i32
    %div3A_1116 = arith.divsi %mul3A_1114, %jit3A_1115 : i32
    %sign3A_1117 = arith.constant 0 : i32
    %sign3A_1118 = arith.cmpi sgt, %mul3A_1114, %sign3A_1117 : i32
    %sign3A_1119 = arith.extui %sign3A_1118 : i1 to i32
    %sign3A_1120 = arith.constant 0 : i32
    %sign3A_1121 = arith.cmpi slt, %mul3A_1114, %sign3A_1120 : i32
    %sign3A_1122 = arith.extui %sign3A_1121 : i1 to i32
    %sign3A_1123 = arith.subi %sign3A_1119, %sign3A_1122 : i32
    %sign3A_1124 = arith.constant 0 : i32
    %sign3A_1125 = arith.cmpi sgt, %jit3A_1115, %sign3A_1124 : i32
    %sign3A_1126 = arith.extui %sign3A_1125 : i1 to i32
    %sign3A_1127 = arith.constant 0 : i32
    %sign3A_1128 = arith.cmpi slt, %jit3A_1115, %sign3A_1127 : i32
    %sign3A_1129 = arith.extui %sign3A_1128 : i1 to i32
    %sign3A_1130 = arith.subi %sign3A_1126, %sign3A_1129 : i32
    %ne3A_1131 = arith.cmpi ne, %sign3A_1123, %sign3A_1130 : i32
    %rem3A_1132 = arith.remsi %mul3A_1114, %jit3A_1115 : i32
    %ne3A_1133 = arith.constant 0 : i32
    %ne3A_1134 = arith.cmpi ne, %rem3A_1132, %ne3A_1133 : i32
    %and3A_1135 = arith.andi %ne3A_1131, %ne3A_1134 : i1
    %sub3A_1136 = arith.constant 1 : i32
    %sub3A_1137 = arith.subi %div3A_1116, %sub3A_1136 : i32
    %select_n3A_1138 = arith.select %and3A_1135, %sub3A_1137, %div3A_1116 : i32
    %mul3A_1139 = arith.constant 56 : i32
    %mul3A_1140 = arith.muli %select_n3A_1072, %mul3A_1139 : i32
    %dma_wait3A_1141 = arith.constant 1 : i32
    %dma_wait3A_1142 = arith.constant 1 : i32
    %dma_wait3A_1143 = arith.constant 0 : i32
    %dma_wait3A_1144 = arith.constant 0 : i32
    %dma_wait3A_1145 = tpu.memref_slice %arg4[%dma_wait3A_1141, %dma_wait3A_1143, %dma_wait3A_1144] : memref<4x56x224xf32, #tpu.memory_space<vmem>> -> memref<1x56x224xf32, #tpu.memory_space<vmem>>
    %dma_wait3A_1146 = tpu.memref_squeeze %dma_wait3A_1145 : memref<1x56x224xf32, #tpu.memory_space<vmem>> -> memref<56x224xf32, #tpu.memory_space<vmem>>
    %dma_wait3A_1147 = arith.constant 0 : i32
    %dma_wait3A_1148 = tpu.memref_slice %arg2[%select_n3A_1096, %select_n3A_1138, %mul3A_1140, %dma_wait3A_1147] : memref<3x64x224x224xf32, #tpu.memory_space<hbm>> -> memref<1x1x56x224xf32, #tpu.memory_space<hbm>>
    %dma_wait3A_1149 = tpu.memref_squeeze %dma_wait3A_1148 : memref<1x1x56x224xf32, #tpu.memory_space<hbm>> -> memref<56x224xf32, #tpu.memory_space<hbm>>
    %dma_wait3A_1150 = tpu.memref_slice %arg5[%dma_wait3A_1142] : memref<4x!tpu.dma_semaphore, #tpu.memory_space<semaphore_mem>> -> memref<1x!tpu.dma_semaphore, #tpu.memory_space<semaphore_mem>>
    %dma_wait3A_1151 = tpu.memref_squeeze %dma_wait3A_1150 : memref<1x!tpu.dma_semaphore, #tpu.memory_space<semaphore_mem>> -> memref<!tpu.dma_semaphore, #tpu.memory_space<semaphore_mem>>
    %dma_wait3A_1152 = arith.constant 0 : i32
    %dma_wait3A_1153 = arith.constant 0 : i32
    %dma_wait3A_1154 = tpu.memref_slice %arg4[%dma_wait3A_1141, %dma_wait3A_1152, %dma_wait3A_1153] : memref<4x56x224xf32, #tpu.memory_space<vmem>> -> memref<1x56x224xf32, #tpu.memory_space<vmem>>
    %dma_wait3A_1155 = tpu.memref_squeeze %dma_wait3A_1154 : memref<1x56x224xf32, #tpu.memory_space<vmem>> -> memref<56x224xf32, #tpu.memory_space<vmem>>
    %dma_wait3A_1156 = arith.constant 0 : i32
    %dma_wait3A_1157 = tpu.memref_slice %arg2[%select_n3A_1096, %select_n3A_1138, %mul3A_1140, %dma_wait3A_1156] : memref<3x64x224x224xf32, #tpu.memory_space<hbm>> -> memref<1x1x56x224xf32, #tpu.memory_space<hbm>>
    %dma_wait3A_1158 = tpu.memref_squeeze %dma_wait3A_1157 : memref<1x1x56x224xf32, #tpu.memory_space<hbm>> -> memref<56x224xf32, #tpu.memory_space<hbm>>
    tpu.wait_dma2 semaphore(%dma_wait3A_1151 : memref<!tpu.dma_semaphore, #tpu.memory_space<semaphore_mem>>) src(%dma_wait3A_1158 : memref<56x224xf32, #tpu.memory_space<hbm>>) dst(%dma_wait3A_1155 : memref<56x224xf32, #tpu.memory_space<vmem>>)
    %mul3A_1159 = arith.constant 6 : i32
    %mul3A_1160 = arith.muli %add3A, %mul3A_1159 : i32
    %add3A_1161 = arith.constant 1 : i32
    %add3A_1162 = arith.addi %mul3A_1160, %add3A_1161 : i32
    %jit3A_1163 = arith.constant 4 : i32
    %div3A_1164 = arith.divsi %add3A_1162, %jit3A_1163 : i32
    %sign3A_1165 = arith.constant 0 : i32
    %sign3A_1166 = arith.cmpi sgt, %add3A_1162, %sign3A_1165 : i32
    %sign3A_1167 = arith.extui %sign3A_1166 : i1 to i32
    %sign3A_1168 = arith.constant 0 : i32
    %sign3A_1169 = arith.cmpi slt, %add3A_1162, %sign3A_1168 : i32
    %sign3A_1170 = arith.extui %sign3A_1169 : i1 to i32
    %sign3A_1171 = arith.subi %sign3A_1167, %sign3A_1170 : i32
    %sign3A_1172 = arith.constant 0 : i32
    %sign3A_1173 = arith.cmpi sgt, %jit3A_1163, %sign3A_1172 : i32
    %sign3A_1174 = arith.extui %sign3A_1173 : i1 to i32
    %sign3A_1175 = arith.constant 0 : i32
    %sign3A_1176 = arith.cmpi slt, %jit3A_1163, %sign3A_1175 : i32
    %sign3A_1177 = arith.extui %sign3A_1176 : i1 to i32
    %sign3A_1178 = arith.subi %sign3A_1174, %sign3A_1177 : i32
    %ne3A_1179 = arith.cmpi ne, %sign3A_1171, %sign3A_1178 : i32
    %rem3A_1180 = arith.remsi %add3A_1162, %jit3A_1163 : i32
    %ne3A_1181 = arith.constant 0 : i32
    %ne3A_1182 = arith.cmpi ne, %rem3A_1180, %ne3A_1181 : i32
    %and3A_1183 = arith.andi %ne3A_1179, %ne3A_1182 : i1
    %sub3A_1184 = arith.constant 1 : i32
    %sub3A_1185 = arith.subi %div3A_1164, %sub3A_1184 : i32
    %select_n3A_1186 = arith.select %and3A_1183, %sub3A_1185, %div3A_1164 : i32
    %jit3A_1187 = arith.constant 4 : i32
    %eq3A_1188 = arith.constant 0 : i32
    %eq3A_1189 = arith.cmpi eq, %jit3A_1187, %eq3A_1188 : i32
    %jit3A_1190 = arith.constant 1 : i32
    %select_n3A_1191 = arith.select %eq3A_1189, %jit3A_1190, %jit3A_1187 : i32
    %rem3A_1192 = arith.remsi %add3A_1162, %select_n3A_1191 : i32
    %ne3A_1193 = arith.constant 0 : i32
    %ne3A_1194 = arith.cmpi ne, %rem3A_1192, %ne3A_1193 : i32
    %lt3A_1195 = arith.constant 0 : i32
    %lt3A_1196 = arith.cmpi slt, %rem3A_1192, %lt3A_1195 : i32
    %lt3A_1197 = arith.constant 0 : i32
    %lt3A_1198 = arith.cmpi slt, %select_n3A_1191, %lt3A_1197 : i32
    %ne3A_1199 = arith.xori %lt3A_1196, %lt3A_1198 : i1
    %and3A_1200 = arith.andi %ne3A_1199, %ne3A_1194 : i1
    %add3A_1201 = arith.addi %rem3A_1192, %select_n3A_1191 : i32
    %select_n3A_1202 = arith.select %and3A_1200, %add3A_1201, %rem3A_1192 : i32
    %jit3A_1203 = arith.constant 16 : i32
    %div3A_1204 = arith.divsi %select_n3A_1186, %jit3A_1203 : i32
    %sign3A_1205 = arith.constant 0 : i32
    %sign3A_1206 = arith.cmpi sgt, %select_n3A_1186, %sign3A_1205 : i32
    %sign3A_1207 = arith.extui %sign3A_1206 : i1 to i32
    %sign3A_1208 = arith.constant 0 : i32
    %sign3A_1209 = arith.cmpi slt, %select_n3A_1186, %sign3A_1208 : i32
    %sign3A_1210 = arith.extui %sign3A_1209 : i1 to i32
    %sign3A_1211 = arith.subi %sign3A_1207, %sign3A_1210 : i32
    %sign3A_1212 = arith.constant 0 : i32
    %sign3A_1213 = arith.cmpi sgt, %jit3A_1203, %sign3A_1212 : i32
    %sign3A_1214 = arith.extui %sign3A_1213 : i1 to i32
    %sign3A_1215 = arith.constant 0 : i32
    %sign3A_1216 = arith.cmpi slt, %jit3A_1203, %sign3A_1215 : i32
    %sign3A_1217 = arith.extui %sign3A_1216 : i1 to i32
    %sign3A_1218 = arith.subi %sign3A_1214, %sign3A_1217 : i32
    %ne3A_1219 = arith.cmpi ne, %sign3A_1211, %sign3A_1218 : i32
    %rem3A_1220 = arith.remsi %select_n3A_1186, %jit3A_1203 : i32
    %ne3A_1221 = arith.constant 0 : i32
    %ne3A_1222 = arith.cmpi ne, %rem3A_1220, %ne3A_1221 : i32
    %and3A_1223 = arith.andi %ne3A_1219, %ne3A_1222 : i1
    %sub3A_1224 = arith.constant 1 : i32
    %sub3A_1225 = arith.subi %div3A_1204, %sub3A_1224 : i32
    %select_n3A_1226 = arith.select %and3A_1223, %sub3A_1225, %div3A_1204 : i32
    %jit3A_1227 = arith.constant 16 : i32
    %eq3A_1228 = arith.constant 0 : i32
    %eq3A_1229 = arith.cmpi eq, %jit3A_1227, %eq3A_1228 : i32
    %jit3A_1230 = arith.constant 1 : i32
    %select_n3A_1231 = arith.select %eq3A_1229, %jit3A_1230, %jit3A_1227 : i32
    %rem3A_1232 = arith.remsi %select_n3A_1186, %select_n3A_1231 : i32
    %ne3A_1233 = arith.constant 0 : i32
    %ne3A_1234 = arith.cmpi ne, %rem3A_1232, %ne3A_1233 : i32
    %lt3A_1235 = arith.constant 0 : i32
    %lt3A_1236 = arith.cmpi slt, %rem3A_1232, %lt3A_1235 : i32
    %lt3A_1237 = arith.constant 0 : i32
    %lt3A_1238 = arith.cmpi slt, %select_n3A_1231, %lt3A_1237 : i32
    %ne3A_1239 = arith.xori %lt3A_1236, %lt3A_1238 : i1
    %and3A_1240 = arith.andi %ne3A_1239, %ne3A_1234 : i1
    %add3A_1241 = arith.addi %rem3A_1232, %select_n3A_1231 : i32
    %select_n3A_1242 = arith.select %and3A_1240, %add3A_1241, %rem3A_1232 : i32
    %mul3A_1243 = arith.constant 63 : i32
    %mul3A_1244 = arith.muli %select_n3A_1242, %mul3A_1243 : i32
    %jit3A_1245 = arith.constant 15 : i32
    %div3A_1246 = arith.divsi %mul3A_1244, %jit3A_1245 : i32
    %sign3A_1247 = arith.constant 0 : i32
    %sign3A_1248 = arith.cmpi sgt, %mul3A_1244, %sign3A_1247 : i32
    %sign3A_1249 = arith.extui %sign3A_1248 : i1 to i32
    %sign3A_1250 = arith.constant 0 : i32
    %sign3A_1251 = arith.cmpi slt, %mul3A_1244, %sign3A_1250 : i32
    %sign3A_1252 = arith.extui %sign3A_1251 : i1 to i32
    %sign3A_1253 = arith.subi %sign3A_1249, %sign3A_1252 : i32
    %sign3A_1254 = arith.constant 0 : i32
    %sign3A_1255 = arith.cmpi sgt, %jit3A_1245, %sign3A_1254 : i32
    %sign3A_1256 = arith.extui %sign3A_1255 : i1 to i32
    %sign3A_1257 = arith.constant 0 : i32
    %sign3A_1258 = arith.cmpi slt, %jit3A_1245, %sign3A_1257 : i32
    %sign3A_1259 = arith.extui %sign3A_1258 : i1 to i32
    %sign3A_1260 = arith.subi %sign3A_1256, %sign3A_1259 : i32
    %ne3A_1261 = arith.cmpi ne, %sign3A_1253, %sign3A_1260 : i32
    %rem3A_1262 = arith.remsi %mul3A_1244, %jit3A_1245 : i32
    %ne3A_1263 = arith.constant 0 : i32
    %ne3A_1264 = arith.cmpi ne, %rem3A_1262, %ne3A_1263 : i32
    %and3A_1265 = arith.andi %ne3A_1261, %ne3A_1264 : i1
    %sub3A_1266 = arith.constant 1 : i32
    %sub3A_1267 = arith.subi %div3A_1246, %sub3A_1266 : i32
    %select_n3A_1268 = arith.select %and3A_1265, %sub3A_1267, %div3A_1246 : i32
    %mul3A_1269 = arith.constant 56 : i32
    %mul3A_1270 = arith.muli %select_n3A_1202, %mul3A_1269 : i32
    %dma_start3A_1271 = arith.constant 1 : i32
    %dma_start3A_1272 = arith.constant 1 : i32
    %dma_start3A_1273 = arith.constant 0 : i32
    %dma_start3A_1274 = arith.constant 0 : i32
    %dma_start3A_1275 = tpu.memref_slice %arg4[%dma_start3A_1271, %dma_start3A_1273, %dma_start3A_1274] : memref<4x56x224xf32, #tpu.memory_space<vmem>> -> memref<1x56x224xf32, #tpu.memory_space<vmem>>
    %dma_start3A_1276 = tpu.memref_squeeze %dma_start3A_1275 : memref<1x56x224xf32, #tpu.memory_space<vmem>> -> memref<56x224xf32, #tpu.memory_space<vmem>>
    %dma_start3A_1277 = arith.constant 0 : i32
    %dma_start3A_1278 = tpu.memref_slice %arg3[%select_n3A_1226, %select_n3A_1242, %mul3A_1270, %dma_start3A_1277] : memref<3x16x224x224xf32, #tpu.memory_space<hbm>> -> memref<1x1x56x224xf32, #tpu.memory_space<hbm>>
    %dma_start3A_1279 = tpu.memref_squeeze %dma_start3A_1278 : memref<1x1x56x224xf32, #tpu.memory_space<hbm>> -> memref<56x224xf32, #tpu.memory_space<hbm>>
    %dma_start3A_1280 = tpu.memref_slice %arg6[%dma_start3A_1272] : memref<4x!tpu.dma_semaphore, #tpu.memory_space<semaphore_mem>> -> memref<1x!tpu.dma_semaphore, #tpu.memory_space<semaphore_mem>>
    %dma_start3A_1281 = tpu.memref_squeeze %dma_start3A_1280 : memref<1x!tpu.dma_semaphore, #tpu.memory_space<semaphore_mem>> -> memref<!tpu.dma_semaphore, #tpu.memory_space<semaphore_mem>>
    %dma_start3A_1282 = arith.constant 0 : i32
    %dma_start3A_1283 = tpu.memref_slice %arg3[%select_n3A_1226, %select_n3A_1242, %mul3A_1270, %dma_start3A_1282] : memref<3x16x224x224xf32, #tpu.memory_space<hbm>> -> memref<1x1x56x224xf32, #tpu.memory_space<hbm>>
    %dma_start3A_1284 = tpu.memref_squeeze %dma_start3A_1283 : memref<1x1x56x224xf32, #tpu.memory_space<hbm>> -> memref<56x224xf32, #tpu.memory_space<hbm>>
    %dma_start3A_1285 = arith.constant 0 : i32
    %dma_start3A_1286 = arith.constant 0 : i32
    %dma_start3A_1287 = tpu.memref_slice %arg4[%dma_start3A_1271, %dma_start3A_1285, %dma_start3A_1286] : memref<4x56x224xf32, #tpu.memory_space<vmem>> -> memref<1x56x224xf32, #tpu.memory_space<vmem>>
    %dma_start3A_1288 = tpu.memref_squeeze %dma_start3A_1287 : memref<1x56x224xf32, #tpu.memory_space<vmem>> -> memref<56x224xf32, #tpu.memory_space<vmem>>
    tpu.enqueue_dma source(%dma_start3A_1288 : memref<56x224xf32, #tpu.memory_space<vmem>>) target(%dma_start3A_1284 : memref<56x224xf32, #tpu.memory_space<hbm>>) target_semaphore(%dma_start3A_1281 : memref<!tpu.dma_semaphore, #tpu.memory_space<semaphore_mem>>)
    %mul3A_1289 = arith.constant 6 : i32
    %mul3A_1290 = arith.muli %add3A, %mul3A_1289 : i32
    %add3A_1291 = arith.constant 1 : i32
    %add3A_1292 = arith.addi %mul3A_1290, %add3A_1291 : i32
    %jit3A_1293 = arith.constant 4 : i32
    %div3A_1294 = arith.divsi %add3A_1292, %jit3A_1293 : i32
    %sign3A_1295 = arith.constant 0 : i32
    %sign3A_1296 = arith.cmpi sgt, %add3A_1292, %sign3A_1295 : i32
    %sign3A_1297 = arith.extui %sign3A_1296 : i1 to i32
    %sign3A_1298 = arith.constant 0 : i32
    %sign3A_1299 = arith.cmpi slt, %add3A_1292, %sign3A_1298 : i32
    %sign3A_1300 = arith.extui %sign3A_1299 : i1 to i32
    %sign3A_1301 = arith.subi %sign3A_1297, %sign3A_1300 : i32
    %sign3A_1302 = arith.constant 0 : i32
    %sign3A_1303 = arith.cmpi sgt, %jit3A_1293, %sign3A_1302 : i32
    %sign3A_1304 = arith.extui %sign3A_1303 : i1 to i32
    %sign3A_1305 = arith.constant 0 : i32
    %sign3A_1306 = arith.cmpi slt, %jit3A_1293, %sign3A_1305 : i32
    %sign3A_1307 = arith.extui %sign3A_1306 : i1 to i32
    %sign3A_1308 = arith.subi %sign3A_1304, %sign3A_1307 : i32
    %ne3A_1309 = arith.cmpi ne, %sign3A_1301, %sign3A_1308 : i32
    %rem3A_1310 = arith.remsi %add3A_1292, %jit3A_1293 : i32
    %ne3A_1311 = arith.constant 0 : i32
    %ne3A_1312 = arith.cmpi ne, %rem3A_1310, %ne3A_1311 : i32
    %and3A_1313 = arith.andi %ne3A_1309, %ne3A_1312 : i1
    %sub3A_1314 = arith.constant 1 : i32
    %sub3A_1315 = arith.subi %div3A_1294, %sub3A_1314 : i32
    %select_n3A_1316 = arith.select %and3A_1313, %sub3A_1315, %div3A_1294 : i32
    %jit3A_1317 = arith.constant 4 : i32
    %eq3A_1318 = arith.constant 0 : i32
    %eq3A_1319 = arith.cmpi eq, %jit3A_1317, %eq3A_1318 : i32
    %jit3A_1320 = arith.constant 1 : i32
    %select_n3A_1321 = arith.select %eq3A_1319, %jit3A_1320, %jit3A_1317 : i32
    %rem3A_1322 = arith.remsi %add3A_1292, %select_n3A_1321 : i32
    %ne3A_1323 = arith.constant 0 : i32
    %ne3A_1324 = arith.cmpi ne, %rem3A_1322, %ne3A_1323 : i32
    %lt3A_1325 = arith.constant 0 : i32
    %lt3A_1326 = arith.cmpi slt, %rem3A_1322, %lt3A_1325 : i32
    %lt3A_1327 = arith.constant 0 : i32
    %lt3A_1328 = arith.cmpi slt, %select_n3A_1321, %lt3A_1327 : i32
    %ne3A_1329 = arith.xori %lt3A_1326, %lt3A_1328 : i1
    %and3A_1330 = arith.andi %ne3A_1329, %ne3A_1324 : i1
    %add3A_1331 = arith.addi %rem3A_1322, %select_n3A_1321 : i32
    %select_n3A_1332 = arith.select %and3A_1330, %add3A_1331, %rem3A_1322 : i32
    %jit3A_1333 = arith.constant 16 : i32
    %div3A_1334 = arith.divsi %select_n3A_1316, %jit3A_1333 : i32
    %sign3A_1335 = arith.constant 0 : i32
    %sign3A_1336 = arith.cmpi sgt, %select_n3A_1316, %sign3A_1335 : i32
    %sign3A_1337 = arith.extui %sign3A_1336 : i1 to i32
    %sign3A_1338 = arith.constant 0 : i32
    %sign3A_1339 = arith.cmpi slt, %select_n3A_1316, %sign3A_1338 : i32
    %sign3A_1340 = arith.extui %sign3A_1339 : i1 to i32
    %sign3A_1341 = arith.subi %sign3A_1337, %sign3A_1340 : i32
    %sign3A_1342 = arith.constant 0 : i32
    %sign3A_1343 = arith.cmpi sgt, %jit3A_1333, %sign3A_1342 : i32
    %sign3A_1344 = arith.extui %sign3A_1343 : i1 to i32
    %sign3A_1345 = arith.constant 0 : i32
    %sign3A_1346 = arith.cmpi slt, %jit3A_1333, %sign3A_1345 : i32
    %sign3A_1347 = arith.extui %sign3A_1346 : i1 to i32
    %sign3A_1348 = arith.subi %sign3A_1344, %sign3A_1347 : i32
    %ne3A_1349 = arith.cmpi ne, %sign3A_1341, %sign3A_1348 : i32
    %rem3A_1350 = arith.remsi %select_n3A_1316, %jit3A_1333 : i32
    %ne3A_1351 = arith.constant 0 : i32
    %ne3A_1352 = arith.cmpi ne, %rem3A_1350, %ne3A_1351 : i32
    %and3A_1353 = arith.andi %ne3A_1349, %ne3A_1352 : i1
    %sub3A_1354 = arith.constant 1 : i32
    %sub3A_1355 = arith.subi %div3A_1334, %sub3A_1354 : i32
    %select_n3A_1356 = arith.select %and3A_1353, %sub3A_1355, %div3A_1334 : i32
    %jit3A_1357 = arith.constant 16 : i32
    %eq3A_1358 = arith.constant 0 : i32
    %eq3A_1359 = arith.cmpi eq, %jit3A_1357, %eq3A_1358 : i32
    %jit3A_1360 = arith.constant 1 : i32
    %select_n3A_1361 = arith.select %eq3A_1359, %jit3A_1360, %jit3A_1357 : i32
    %rem3A_1362 = arith.remsi %select_n3A_1316, %select_n3A_1361 : i32
    %ne3A_1363 = arith.constant 0 : i32
    %ne3A_1364 = arith.cmpi ne, %rem3A_1362, %ne3A_1363 : i32
    %lt3A_1365 = arith.constant 0 : i32
    %lt3A_1366 = arith.cmpi slt, %rem3A_1362, %lt3A_1365 : i32
    %lt3A_1367 = arith.constant 0 : i32
    %lt3A_1368 = arith.cmpi slt, %select_n3A_1361, %lt3A_1367 : i32
    %ne3A_1369 = arith.xori %lt3A_1366, %lt3A_1368 : i1
    %and3A_1370 = arith.andi %ne3A_1369, %ne3A_1364 : i1
    %add3A_1371 = arith.addi %rem3A_1362, %select_n3A_1361 : i32
    %select_n3A_1372 = arith.select %and3A_1370, %add3A_1371, %rem3A_1362 : i32
    %mul3A_1373 = arith.constant 63 : i32
    %mul3A_1374 = arith.muli %select_n3A_1372, %mul3A_1373 : i32
    %jit3A_1375 = arith.constant 15 : i32
    %div3A_1376 = arith.divsi %mul3A_1374, %jit3A_1375 : i32
    %sign3A_1377 = arith.constant 0 : i32
    %sign3A_1378 = arith.cmpi sgt, %mul3A_1374, %sign3A_1377 : i32
    %sign3A_1379 = arith.extui %sign3A_1378 : i1 to i32
    %sign3A_1380 = arith.constant 0 : i32
    %sign3A_1381 = arith.cmpi slt, %mul3A_1374, %sign3A_1380 : i32
    %sign3A_1382 = arith.extui %sign3A_1381 : i1 to i32
    %sign3A_1383 = arith.subi %sign3A_1379, %sign3A_1382 : i32
    %sign3A_1384 = arith.constant 0 : i32
    %sign3A_1385 = arith.cmpi sgt, %jit3A_1375, %sign3A_1384 : i32
    %sign3A_1386 = arith.extui %sign3A_1385 : i1 to i32
    %sign3A_1387 = arith.constant 0 : i32
    %sign3A_1388 = arith.cmpi slt, %jit3A_1375, %sign3A_1387 : i32
    %sign3A_1389 = arith.extui %sign3A_1388 : i1 to i32
    %sign3A_1390 = arith.subi %sign3A_1386, %sign3A_1389 : i32
    %ne3A_1391 = arith.cmpi ne, %sign3A_1383, %sign3A_1390 : i32
    %rem3A_1392 = arith.remsi %mul3A_1374, %jit3A_1375 : i32
    %ne3A_1393 = arith.constant 0 : i32
    %ne3A_1394 = arith.cmpi ne, %rem3A_1392, %ne3A_1393 : i32
    %and3A_1395 = arith.andi %ne3A_1391, %ne3A_1394 : i1
    %sub3A_1396 = arith.constant 1 : i32
    %sub3A_1397 = arith.subi %div3A_1376, %sub3A_1396 : i32
    %select_n3A_1398 = arith.select %and3A_1395, %sub3A_1397, %div3A_1376 : i32
    %mul3A_1399 = arith.constant 56 : i32
    %mul3A_1400 = arith.muli %select_n3A_1332, %mul3A_1399 : i32
    %dma_wait3A_1401 = arith.constant 1 : i32
    %dma_wait3A_1402 = arith.constant 1 : i32
    %dma_wait3A_1403 = arith.constant 0 : i32
    %dma_wait3A_1404 = arith.constant 0 : i32
    %dma_wait3A_1405 = tpu.memref_slice %arg4[%dma_wait3A_1401, %dma_wait3A_1403, %dma_wait3A_1404] : memref<4x56x224xf32, #tpu.memory_space<vmem>> -> memref<1x56x224xf32, #tpu.memory_space<vmem>>
    %dma_wait3A_1406 = tpu.memref_squeeze %dma_wait3A_1405 : memref<1x56x224xf32, #tpu.memory_space<vmem>> -> memref<56x224xf32, #tpu.memory_space<vmem>>
    %dma_wait3A_1407 = arith.constant 0 : i32
    %dma_wait3A_1408 = tpu.memref_slice %arg3[%select_n3A_1356, %select_n3A_1372, %mul3A_1400, %dma_wait3A_1407] : memref<3x16x224x224xf32, #tpu.memory_space<hbm>> -> memref<1x1x56x224xf32, #tpu.memory_space<hbm>>
    %dma_wait3A_1409 = tpu.memref_squeeze %dma_wait3A_1408 : memref<1x1x56x224xf32, #tpu.memory_space<hbm>> -> memref<56x224xf32, #tpu.memory_space<hbm>>
    %dma_wait3A_1410 = tpu.memref_slice %arg6[%dma_wait3A_1402] : memref<4x!tpu.dma_semaphore, #tpu.memory_space<semaphore_mem>> -> memref<1x!tpu.dma_semaphore, #tpu.memory_space<semaphore_mem>>
    %dma_wait3A_1411 = tpu.memref_squeeze %dma_wait3A_1410 : memref<1x!tpu.dma_semaphore, #tpu.memory_space<semaphore_mem>> -> memref<!tpu.dma_semaphore, #tpu.memory_space<semaphore_mem>>
    %dma_wait3A_1412 = arith.constant 0 : i32
    %dma_wait3A_1413 = tpu.memref_slice %arg3[%select_n3A_1356, %select_n3A_1372, %mul3A_1400, %dma_wait3A_1412] : memref<3x16x224x224xf32, #tpu.memory_space<hbm>> -> memref<1x1x56x224xf32, #tpu.memory_space<hbm>>
    %dma_wait3A_1414 = tpu.memref_squeeze %dma_wait3A_1413 : memref<1x1x56x224xf32, #tpu.memory_space<hbm>> -> memref<56x224xf32, #tpu.memory_space<hbm>>
    %dma_wait3A_1415 = arith.constant 0 : i32
    %dma_wait3A_1416 = arith.constant 0 : i32
    %dma_wait3A_1417 = tpu.memref_slice %arg4[%dma_wait3A_1401, %dma_wait3A_1415, %dma_wait3A_1416] : memref<4x56x224xf32, #tpu.memory_space<vmem>> -> memref<1x56x224xf32, #tpu.memory_space<vmem>>
    %dma_wait3A_1418 = tpu.memref_squeeze %dma_wait3A_1417 : memref<1x56x224xf32, #tpu.memory_space<vmem>> -> memref<56x224xf32, #tpu.memory_space<vmem>>
    tpu.wait_dma2 semaphore(%dma_wait3A_1411 : memref<!tpu.dma_semaphore, #tpu.memory_space<semaphore_mem>>) src(%dma_wait3A_1418 : memref<56x224xf32, #tpu.memory_space<vmem>>) dst(%dma_wait3A_1414 : memref<56x224xf32, #tpu.memory_space<hbm>>)
    %mul3A_1419 = arith.constant 6 : i32
    %mul3A_1420 = arith.muli %add3A, %mul3A_1419 : i32
    %add3A_1421 = arith.constant 5 : i32
    %add3A_1422 = arith.addi %mul3A_1420, %add3A_1421 : i32
    %jit3A_1423 = arith.constant 4 : i32
    %div3A_1424 = arith.divsi %add3A_1422, %jit3A_1423 : i32
    %sign3A_1425 = arith.constant 0 : i32
    %sign3A_1426 = arith.cmpi sgt, %add3A_1422, %sign3A_1425 : i32
    %sign3A_1427 = arith.extui %sign3A_1426 : i1 to i32
    %sign3A_1428 = arith.constant 0 : i32
    %sign3A_1429 = arith.cmpi slt, %add3A_1422, %sign3A_1428 : i32
    %sign3A_1430 = arith.extui %sign3A_1429 : i1 to i32
    %sign3A_1431 = arith.subi %sign3A_1427, %sign3A_1430 : i32
    %sign3A_1432 = arith.constant 0 : i32
    %sign3A_1433 = arith.cmpi sgt, %jit3A_1423, %sign3A_1432 : i32
    %sign3A_1434 = arith.extui %sign3A_1433 : i1 to i32
    %sign3A_1435 = arith.constant 0 : i32
    %sign3A_1436 = arith.cmpi slt, %jit3A_1423, %sign3A_1435 : i32
    %sign3A_1437 = arith.extui %sign3A_1436 : i1 to i32
    %sign3A_1438 = arith.subi %sign3A_1434, %sign3A_1437 : i32
    %ne3A_1439 = arith.cmpi ne, %sign3A_1431, %sign3A_1438 : i32
    %rem3A_1440 = arith.remsi %add3A_1422, %jit3A_1423 : i32
    %ne3A_1441 = arith.constant 0 : i32
    %ne3A_1442 = arith.cmpi ne, %rem3A_1440, %ne3A_1441 : i32
    %and3A_1443 = arith.andi %ne3A_1439, %ne3A_1442 : i1
    %sub3A_1444 = arith.constant 1 : i32
    %sub3A_1445 = arith.subi %div3A_1424, %sub3A_1444 : i32
    %select_n3A_1446 = arith.select %and3A_1443, %sub3A_1445, %div3A_1424 : i32
    %jit3A_1447 = arith.constant 4 : i32
    %eq3A_1448 = arith.constant 0 : i32
    %eq3A_1449 = arith.cmpi eq, %jit3A_1447, %eq3A_1448 : i32
    %jit3A_1450 = arith.constant 1 : i32
    %select_n3A_1451 = arith.select %eq3A_1449, %jit3A_1450, %jit3A_1447 : i32
    %rem3A_1452 = arith.remsi %add3A_1422, %select_n3A_1451 : i32
    %ne3A_1453 = arith.constant 0 : i32
    %ne3A_1454 = arith.cmpi ne, %rem3A_1452, %ne3A_1453 : i32
    %lt3A_1455 = arith.constant 0 : i32
    %lt3A_1456 = arith.cmpi slt, %rem3A_1452, %lt3A_1455 : i32
    %lt3A_1457 = arith.constant 0 : i32
    %lt3A_1458 = arith.cmpi slt, %select_n3A_1451, %lt3A_1457 : i32
    %ne3A_1459 = arith.xori %lt3A_1456, %lt3A_1458 : i1
    %and3A_1460 = arith.andi %ne3A_1459, %ne3A_1454 : i1
    %add3A_1461 = arith.addi %rem3A_1452, %select_n3A_1451 : i32
    %select_n3A_1462 = arith.select %and3A_1460, %add3A_1461, %rem3A_1452 : i32
    %jit3A_1463 = arith.constant 16 : i32
    %div3A_1464 = arith.divsi %select_n3A_1446, %jit3A_1463 : i32
    %sign3A_1465 = arith.constant 0 : i32
    %sign3A_1466 = arith.cmpi sgt, %select_n3A_1446, %sign3A_1465 : i32
    %sign3A_1467 = arith.extui %sign3A_1466 : i1 to i32
    %sign3A_1468 = arith.constant 0 : i32
    %sign3A_1469 = arith.cmpi slt, %select_n3A_1446, %sign3A_1468 : i32
    %sign3A_1470 = arith.extui %sign3A_1469 : i1 to i32
    %sign3A_1471 = arith.subi %sign3A_1467, %sign3A_1470 : i32
    %sign3A_1472 = arith.constant 0 : i32
    %sign3A_1473 = arith.cmpi sgt, %jit3A_1463, %sign3A_1472 : i32
    %sign3A_1474 = arith.extui %sign3A_1473 : i1 to i32
    %sign3A_1475 = arith.constant 0 : i32
    %sign3A_1476 = arith.cmpi slt, %jit3A_1463, %sign3A_1475 : i32
    %sign3A_1477 = arith.extui %sign3A_1476 : i1 to i32
    %sign3A_1478 = arith.subi %sign3A_1474, %sign3A_1477 : i32
    %ne3A_1479 = arith.cmpi ne, %sign3A_1471, %sign3A_1478 : i32
    %rem3A_1480 = arith.remsi %select_n3A_1446, %jit3A_1463 : i32
    %ne3A_1481 = arith.constant 0 : i32
    %ne3A_1482 = arith.cmpi ne, %rem3A_1480, %ne3A_1481 : i32
    %and3A_1483 = arith.andi %ne3A_1479, %ne3A_1482 : i1
    %sub3A_1484 = arith.constant 1 : i32
    %sub3A_1485 = arith.subi %div3A_1464, %sub3A_1484 : i32
    %select_n3A_1486 = arith.select %and3A_1483, %sub3A_1485, %div3A_1464 : i32
    %jit3A_1487 = arith.constant 16 : i32
    %eq3A_1488 = arith.constant 0 : i32
    %eq3A_1489 = arith.cmpi eq, %jit3A_1487, %eq3A_1488 : i32
    %jit3A_1490 = arith.constant 1 : i32
    %select_n3A_1491 = arith.select %eq3A_1489, %jit3A_1490, %jit3A_1487 : i32
    %rem3A_1492 = arith.remsi %select_n3A_1446, %select_n3A_1491 : i32
    %ne3A_1493 = arith.constant 0 : i32
    %ne3A_1494 = arith.cmpi ne, %rem3A_1492, %ne3A_1493 : i32
    %lt3A_1495 = arith.constant 0 : i32
    %lt3A_1496 = arith.cmpi slt, %rem3A_1492, %lt3A_1495 : i32
    %lt3A_1497 = arith.constant 0 : i32
    %lt3A_1498 = arith.cmpi slt, %select_n3A_1491, %lt3A_1497 : i32
    %ne3A_1499 = arith.xori %lt3A_1496, %lt3A_1498 : i1
    %and3A_1500 = arith.andi %ne3A_1499, %ne3A_1494 : i1
    %add3A_1501 = arith.addi %rem3A_1492, %select_n3A_1491 : i32
    %select_n3A_1502 = arith.select %and3A_1500, %add3A_1501, %rem3A_1492 : i32
    %mul3A_1503 = arith.constant 63 : i32
    %mul3A_1504 = arith.muli %select_n3A_1502, %mul3A_1503 : i32
    %jit3A_1505 = arith.constant 15 : i32
    %div3A_1506 = arith.divsi %mul3A_1504, %jit3A_1505 : i32
    %sign3A_1507 = arith.constant 0 : i32
    %sign3A_1508 = arith.cmpi sgt, %mul3A_1504, %sign3A_1507 : i32
    %sign3A_1509 = arith.extui %sign3A_1508 : i1 to i32
    %sign3A_1510 = arith.constant 0 : i32
    %sign3A_1511 = arith.cmpi slt, %mul3A_1504, %sign3A_1510 : i32
    %sign3A_1512 = arith.extui %sign3A_1511 : i1 to i32
    %sign3A_1513 = arith.subi %sign3A_1509, %sign3A_1512 : i32
    %sign3A_1514 = arith.constant 0 : i32
    %sign3A_1515 = arith.cmpi sgt, %jit3A_1505, %sign3A_1514 : i32
    %sign3A_1516 = arith.extui %sign3A_1515 : i1 to i32
    %sign3A_1517 = arith.constant 0 : i32
    %sign3A_1518 = arith.cmpi slt, %jit3A_1505, %sign3A_1517 : i32
    %sign3A_1519 = arith.extui %sign3A_1518 : i1 to i32
    %sign3A_1520 = arith.subi %sign3A_1516, %sign3A_1519 : i32
    %ne3A_1521 = arith.cmpi ne, %sign3A_1513, %sign3A_1520 : i32
    %rem3A_1522 = arith.remsi %mul3A_1504, %jit3A_1505 : i32
    %ne3A_1523 = arith.constant 0 : i32
    %ne3A_1524 = arith.cmpi ne, %rem3A_1522, %ne3A_1523 : i32
    %and3A_1525 = arith.andi %ne3A_1521, %ne3A_1524 : i1
    %sub3A_1526 = arith.constant 1 : i32
    %sub3A_1527 = arith.subi %div3A_1506, %sub3A_1526 : i32
    %select_n3A_1528 = arith.select %and3A_1525, %sub3A_1527, %div3A_1506 : i32
    %mul3A_1529 = arith.constant 56 : i32
    %mul3A_1530 = arith.muli %select_n3A_1462, %mul3A_1529 : i32
    %dma_start3A_1531 = arith.constant 1 : i32
    %dma_start3A_1532 = arith.constant 1 : i32
    %dma_start3A_1533 = arith.constant 0 : i32
    %dma_start3A_1534 = arith.constant 0 : i32
    %dma_start3A_1535 = tpu.memref_slice %arg4[%dma_start3A_1531, %dma_start3A_1533, %dma_start3A_1534] : memref<4x56x224xf32, #tpu.memory_space<vmem>> -> memref<1x56x224xf32, #tpu.memory_space<vmem>>
    %dma_start3A_1536 = tpu.memref_squeeze %dma_start3A_1535 : memref<1x56x224xf32, #tpu.memory_space<vmem>> -> memref<56x224xf32, #tpu.memory_space<vmem>>
    %dma_start3A_1537 = arith.constant 0 : i32
    %dma_start3A_1538 = tpu.memref_slice %arg2[%select_n3A_1486, %select_n3A_1528, %mul3A_1530, %dma_start3A_1537] : memref<3x64x224x224xf32, #tpu.memory_space<hbm>> -> memref<1x1x56x224xf32, #tpu.memory_space<hbm>>
    %dma_start3A_1539 = tpu.memref_squeeze %dma_start3A_1538 : memref<1x1x56x224xf32, #tpu.memory_space<hbm>> -> memref<56x224xf32, #tpu.memory_space<hbm>>
    %dma_start3A_1540 = tpu.memref_slice %arg5[%dma_start3A_1532] : memref<4x!tpu.dma_semaphore, #tpu.memory_space<semaphore_mem>> -> memref<1x!tpu.dma_semaphore, #tpu.memory_space<semaphore_mem>>
    %dma_start3A_1541 = tpu.memref_squeeze %dma_start3A_1540 : memref<1x!tpu.dma_semaphore, #tpu.memory_space<semaphore_mem>> -> memref<!tpu.dma_semaphore, #tpu.memory_space<semaphore_mem>>
    %dma_start3A_1542 = arith.constant 0 : i32
    %dma_start3A_1543 = arith.constant 0 : i32
    %dma_start3A_1544 = tpu.memref_slice %arg4[%dma_start3A_1531, %dma_start3A_1542, %dma_start3A_1543] : memref<4x56x224xf32, #tpu.memory_space<vmem>> -> memref<1x56x224xf32, #tpu.memory_space<vmem>>
    %dma_start3A_1545 = tpu.memref_squeeze %dma_start3A_1544 : memref<1x56x224xf32, #tpu.memory_space<vmem>> -> memref<56x224xf32, #tpu.memory_space<vmem>>
    %dma_start3A_1546 = arith.constant 0 : i32
    %dma_start3A_1547 = tpu.memref_slice %arg2[%select_n3A_1486, %select_n3A_1528, %mul3A_1530, %dma_start3A_1546] : memref<3x64x224x224xf32, #tpu.memory_space<hbm>> -> memref<1x1x56x224xf32, #tpu.memory_space<hbm>>
    %dma_start3A_1548 = tpu.memref_squeeze %dma_start3A_1547 : memref<1x1x56x224xf32, #tpu.memory_space<hbm>> -> memref<56x224xf32, #tpu.memory_space<hbm>>
    tpu.enqueue_dma source(%dma_start3A_1548 : memref<56x224xf32, #tpu.memory_space<hbm>>) target(%dma_start3A_1545 : memref<56x224xf32, #tpu.memory_space<vmem>>) target_semaphore(%dma_start3A_1541 : memref<!tpu.dma_semaphore, #tpu.memory_space<semaphore_mem>>)
    %mul3A_1549 = arith.constant 6 : i32
    %mul3A_1550 = arith.muli %add3A, %mul3A_1549 : i32
    %add3A_1551 = arith.constant 2 : i32
    %add3A_1552 = arith.addi %mul3A_1550, %add3A_1551 : i32
    %jit3A_1553 = arith.constant 4 : i32
    %div3A_1554 = arith.divsi %add3A_1552, %jit3A_1553 : i32
    %sign3A_1555 = arith.constant 0 : i32
    %sign3A_1556 = arith.cmpi sgt, %add3A_1552, %sign3A_1555 : i32
    %sign3A_1557 = arith.extui %sign3A_1556 : i1 to i32
    %sign3A_1558 = arith.constant 0 : i32
    %sign3A_1559 = arith.cmpi slt, %add3A_1552, %sign3A_1558 : i32
    %sign3A_1560 = arith.extui %sign3A_1559 : i1 to i32
    %sign3A_1561 = arith.subi %sign3A_1557, %sign3A_1560 : i32
    %sign3A_1562 = arith.constant 0 : i32
    %sign3A_1563 = arith.cmpi sgt, %jit3A_1553, %sign3A_1562 : i32
    %sign3A_1564 = arith.extui %sign3A_1563 : i1 to i32
    %sign3A_1565 = arith.constant 0 : i32
    %sign3A_1566 = arith.cmpi slt, %jit3A_1553, %sign3A_1565 : i32
    %sign3A_1567 = arith.extui %sign3A_1566 : i1 to i32
    %sign3A_1568 = arith.subi %sign3A_1564, %sign3A_1567 : i32
    %ne3A_1569 = arith.cmpi ne, %sign3A_1561, %sign3A_1568 : i32
    %rem3A_1570 = arith.remsi %add3A_1552, %jit3A_1553 : i32
    %ne3A_1571 = arith.constant 0 : i32
    %ne3A_1572 = arith.cmpi ne, %rem3A_1570, %ne3A_1571 : i32
    %and3A_1573 = arith.andi %ne3A_1569, %ne3A_1572 : i1
    %sub3A_1574 = arith.constant 1 : i32
    %sub3A_1575 = arith.subi %div3A_1554, %sub3A_1574 : i32
    %select_n3A_1576 = arith.select %and3A_1573, %sub3A_1575, %div3A_1554 : i32
    %jit3A_1577 = arith.constant 4 : i32
    %eq3A_1578 = arith.constant 0 : i32
    %eq3A_1579 = arith.cmpi eq, %jit3A_1577, %eq3A_1578 : i32
    %jit3A_1580 = arith.constant 1 : i32
    %select_n3A_1581 = arith.select %eq3A_1579, %jit3A_1580, %jit3A_1577 : i32
    %rem3A_1582 = arith.remsi %add3A_1552, %select_n3A_1581 : i32
    %ne3A_1583 = arith.constant 0 : i32
    %ne3A_1584 = arith.cmpi ne, %rem3A_1582, %ne3A_1583 : i32
    %lt3A_1585 = arith.constant 0 : i32
    %lt3A_1586 = arith.cmpi slt, %rem3A_1582, %lt3A_1585 : i32
    %lt3A_1587 = arith.constant 0 : i32
    %lt3A_1588 = arith.cmpi slt, %select_n3A_1581, %lt3A_1587 : i32
    %ne3A_1589 = arith.xori %lt3A_1586, %lt3A_1588 : i1
    %and3A_1590 = arith.andi %ne3A_1589, %ne3A_1584 : i1
    %add3A_1591 = arith.addi %rem3A_1582, %select_n3A_1581 : i32
    %select_n3A_1592 = arith.select %and3A_1590, %add3A_1591, %rem3A_1582 : i32
    %jit3A_1593 = arith.constant 16 : i32
    %div3A_1594 = arith.divsi %select_n3A_1576, %jit3A_1593 : i32
    %sign3A_1595 = arith.constant 0 : i32
    %sign3A_1596 = arith.cmpi sgt, %select_n3A_1576, %sign3A_1595 : i32
    %sign3A_1597 = arith.extui %sign3A_1596 : i1 to i32
    %sign3A_1598 = arith.constant 0 : i32
    %sign3A_1599 = arith.cmpi slt, %select_n3A_1576, %sign3A_1598 : i32
    %sign3A_1600 = arith.extui %sign3A_1599 : i1 to i32
    %sign3A_1601 = arith.subi %sign3A_1597, %sign3A_1600 : i32
    %sign3A_1602 = arith.constant 0 : i32
    %sign3A_1603 = arith.cmpi sgt, %jit3A_1593, %sign3A_1602 : i32
    %sign3A_1604 = arith.extui %sign3A_1603 : i1 to i32
    %sign3A_1605 = arith.constant 0 : i32
    %sign3A_1606 = arith.cmpi slt, %jit3A_1593, %sign3A_1605 : i32
    %sign3A_1607 = arith.extui %sign3A_1606 : i1 to i32
    %sign3A_1608 = arith.subi %sign3A_1604, %sign3A_1607 : i32
    %ne3A_1609 = arith.cmpi ne, %sign3A_1601, %sign3A_1608 : i32
    %rem3A_1610 = arith.remsi %select_n3A_1576, %jit3A_1593 : i32
    %ne3A_1611 = arith.constant 0 : i32
    %ne3A_1612 = arith.cmpi ne, %rem3A_1610, %ne3A_1611 : i32
    %and3A_1613 = arith.andi %ne3A_1609, %ne3A_1612 : i1
    %sub3A_1614 = arith.constant 1 : i32
    %sub3A_1615 = arith.subi %div3A_1594, %sub3A_1614 : i32
    %select_n3A_1616 = arith.select %and3A_1613, %sub3A_1615, %div3A_1594 : i32
    %jit3A_1617 = arith.constant 16 : i32
    %eq3A_1618 = arith.constant 0 : i32
    %eq3A_1619 = arith.cmpi eq, %jit3A_1617, %eq3A_1618 : i32
    %jit3A_1620 = arith.constant 1 : i32
    %select_n3A_1621 = arith.select %eq3A_1619, %jit3A_1620, %jit3A_1617 : i32
    %rem3A_1622 = arith.remsi %select_n3A_1576, %select_n3A_1621 : i32
    %ne3A_1623 = arith.constant 0 : i32
    %ne3A_1624 = arith.cmpi ne, %rem3A_1622, %ne3A_1623 : i32
    %lt3A_1625 = arith.constant 0 : i32
    %lt3A_1626 = arith.cmpi slt, %rem3A_1622, %lt3A_1625 : i32
    %lt3A_1627 = arith.constant 0 : i32
    %lt3A_1628 = arith.cmpi slt, %select_n3A_1621, %lt3A_1627 : i32
    %ne3A_1629 = arith.xori %lt3A_1626, %lt3A_1628 : i1
    %and3A_1630 = arith.andi %ne3A_1629, %ne3A_1624 : i1
    %add3A_1631 = arith.addi %rem3A_1622, %select_n3A_1621 : i32
    %select_n3A_1632 = arith.select %and3A_1630, %add3A_1631, %rem3A_1622 : i32
    %mul3A_1633 = arith.constant 63 : i32
    %mul3A_1634 = arith.muli %select_n3A_1632, %mul3A_1633 : i32
    %jit3A_1635 = arith.constant 15 : i32
    %div3A_1636 = arith.divsi %mul3A_1634, %jit3A_1635 : i32
    %sign3A_1637 = arith.constant 0 : i32
    %sign3A_1638 = arith.cmpi sgt, %mul3A_1634, %sign3A_1637 : i32
    %sign3A_1639 = arith.extui %sign3A_1638 : i1 to i32
    %sign3A_1640 = arith.constant 0 : i32
    %sign3A_1641 = arith.cmpi slt, %mul3A_1634, %sign3A_1640 : i32
    %sign3A_1642 = arith.extui %sign3A_1641 : i1 to i32
    %sign3A_1643 = arith.subi %sign3A_1639, %sign3A_1642 : i32
    %sign3A_1644 = arith.constant 0 : i32
    %sign3A_1645 = arith.cmpi sgt, %jit3A_1635, %sign3A_1644 : i32
    %sign3A_1646 = arith.extui %sign3A_1645 : i1 to i32
    %sign3A_1647 = arith.constant 0 : i32
    %sign3A_1648 = arith.cmpi slt, %jit3A_1635, %sign3A_1647 : i32
    %sign3A_1649 = arith.extui %sign3A_1648 : i1 to i32
    %sign3A_1650 = arith.subi %sign3A_1646, %sign3A_1649 : i32
    %ne3A_1651 = arith.cmpi ne, %sign3A_1643, %sign3A_1650 : i32
    %rem3A_1652 = arith.remsi %mul3A_1634, %jit3A_1635 : i32
    %ne3A_1653 = arith.constant 0 : i32
    %ne3A_1654 = arith.cmpi ne, %rem3A_1652, %ne3A_1653 : i32
    %and3A_1655 = arith.andi %ne3A_1651, %ne3A_1654 : i1
    %sub3A_1656 = arith.constant 1 : i32
    %sub3A_1657 = arith.subi %div3A_1636, %sub3A_1656 : i32
    %select_n3A_1658 = arith.select %and3A_1655, %sub3A_1657, %div3A_1636 : i32
    %mul3A_1659 = arith.constant 56 : i32
    %mul3A_1660 = arith.muli %select_n3A_1592, %mul3A_1659 : i32
    %dma_wait3A_1661 = arith.constant 2 : i32
    %dma_wait3A_1662 = arith.constant 2 : i32
    %dma_wait3A_1663 = arith.constant 0 : i32
    %dma_wait3A_1664 = arith.constant 0 : i32
    %dma_wait3A_1665 = tpu.memref_slice %arg4[%dma_wait3A_1661, %dma_wait3A_1663, %dma_wait3A_1664] : memref<4x56x224xf32, #tpu.memory_space<vmem>> -> memref<1x56x224xf32, #tpu.memory_space<vmem>>
    %dma_wait3A_1666 = tpu.memref_squeeze %dma_wait3A_1665 : memref<1x56x224xf32, #tpu.memory_space<vmem>> -> memref<56x224xf32, #tpu.memory_space<vmem>>
    %dma_wait3A_1667 = arith.constant 0 : i32
    %dma_wait3A_1668 = tpu.memref_slice %arg2[%select_n3A_1616, %select_n3A_1658, %mul3A_1660, %dma_wait3A_1667] : memref<3x64x224x224xf32, #tpu.memory_space<hbm>> -> memref<1x1x56x224xf32, #tpu.memory_space<hbm>>
    %dma_wait3A_1669 = tpu.memref_squeeze %dma_wait3A_1668 : memref<1x1x56x224xf32, #tpu.memory_space<hbm>> -> memref<56x224xf32, #tpu.memory_space<hbm>>
    %dma_wait3A_1670 = tpu.memref_slice %arg5[%dma_wait3A_1662] : memref<4x!tpu.dma_semaphore, #tpu.memory_space<semaphore_mem>> -> memref<1x!tpu.dma_semaphore, #tpu.memory_space<semaphore_mem>>
    %dma_wait3A_1671 = tpu.memref_squeeze %dma_wait3A_1670 : memref<1x!tpu.dma_semaphore, #tpu.memory_space<semaphore_mem>> -> memref<!tpu.dma_semaphore, #tpu.memory_space<semaphore_mem>>
    %dma_wait3A_1672 = arith.constant 0 : i32
    %dma_wait3A_1673 = arith.constant 0 : i32
    %dma_wait3A_1674 = tpu.memref_slice %arg4[%dma_wait3A_1661, %dma_wait3A_1672, %dma_wait3A_1673] : memref<4x56x224xf32, #tpu.memory_space<vmem>> -> memref<1x56x224xf32, #tpu.memory_space<vmem>>
    %dma_wait3A_1675 = tpu.memref_squeeze %dma_wait3A_1674 : memref<1x56x224xf32, #tpu.memory_space<vmem>> -> memref<56x224xf32, #tpu.memory_space<vmem>>
    %dma_wait3A_1676 = arith.constant 0 : i32
    %dma_wait3A_1677 = tpu.memref_slice %arg2[%select_n3A_1616, %select_n3A_1658, %mul3A_1660, %dma_wait3A_1676] : memref<3x64x224x224xf32, #tpu.memory_space<hbm>> -> memref<1x1x56x224xf32, #tpu.memory_space<hbm>>
    %dma_wait3A_1678 = tpu.memref_squeeze %dma_wait3A_1677 : memref<1x1x56x224xf32, #tpu.memory_space<hbm>> -> memref<56x224xf32, #tpu.memory_space<hbm>>
    tpu.wait_dma2 semaphore(%dma_wait3A_1671 : memref<!tpu.dma_semaphore, #tpu.memory_space<semaphore_mem>>) src(%dma_wait3A_1678 : memref<56x224xf32, #tpu.memory_space<hbm>>) dst(%dma_wait3A_1675 : memref<56x224xf32, #tpu.memory_space<vmem>>)
    %mul3A_1679 = arith.constant 6 : i32
    %mul3A_1680 = arith.muli %add3A, %mul3A_1679 : i32
    %add3A_1681 = arith.constant 2 : i32
    %add3A_1682 = arith.addi %mul3A_1680, %add3A_1681 : i32
    %jit3A_1683 = arith.constant 4 : i32
    %div3A_1684 = arith.divsi %add3A_1682, %jit3A_1683 : i32
    %sign3A_1685 = arith.constant 0 : i32
    %sign3A_1686 = arith.cmpi sgt, %add3A_1682, %sign3A_1685 : i32
    %sign3A_1687 = arith.extui %sign3A_1686 : i1 to i32
    %sign3A_1688 = arith.constant 0 : i32
    %sign3A_1689 = arith.cmpi slt, %add3A_1682, %sign3A_1688 : i32
    %sign3A_1690 = arith.extui %sign3A_1689 : i1 to i32
    %sign3A_1691 = arith.subi %sign3A_1687, %sign3A_1690 : i32
    %sign3A_1692 = arith.constant 0 : i32
    %sign3A_1693 = arith.cmpi sgt, %jit3A_1683, %sign3A_1692 : i32
    %sign3A_1694 = arith.extui %sign3A_1693 : i1 to i32
    %sign3A_1695 = arith.constant 0 : i32
    %sign3A_1696 = arith.cmpi slt, %jit3A_1683, %sign3A_1695 : i32
    %sign3A_1697 = arith.extui %sign3A_1696 : i1 to i32
    %sign3A_1698 = arith.subi %sign3A_1694, %sign3A_1697 : i32
    %ne3A_1699 = arith.cmpi ne, %sign3A_1691, %sign3A_1698 : i32
    %rem3A_1700 = arith.remsi %add3A_1682, %jit3A_1683 : i32
    %ne3A_1701 = arith.constant 0 : i32
    %ne3A_1702 = arith.cmpi ne, %rem3A_1700, %ne3A_1701 : i32
    %and3A_1703 = arith.andi %ne3A_1699, %ne3A_1702 : i1
    %sub3A_1704 = arith.constant 1 : i32
    %sub3A_1705 = arith.subi %div3A_1684, %sub3A_1704 : i32
    %select_n3A_1706 = arith.select %and3A_1703, %sub3A_1705, %div3A_1684 : i32
    %jit3A_1707 = arith.constant 4 : i32
    %eq3A_1708 = arith.constant 0 : i32
    %eq3A_1709 = arith.cmpi eq, %jit3A_1707, %eq3A_1708 : i32
    %jit3A_1710 = arith.constant 1 : i32
    %select_n3A_1711 = arith.select %eq3A_1709, %jit3A_1710, %jit3A_1707 : i32
    %rem3A_1712 = arith.remsi %add3A_1682, %select_n3A_1711 : i32
    %ne3A_1713 = arith.constant 0 : i32
    %ne3A_1714 = arith.cmpi ne, %rem3A_1712, %ne3A_1713 : i32
    %lt3A_1715 = arith.constant 0 : i32
    %lt3A_1716 = arith.cmpi slt, %rem3A_1712, %lt3A_1715 : i32
    %lt3A_1717 = arith.constant 0 : i32
    %lt3A_1718 = arith.cmpi slt, %select_n3A_1711, %lt3A_1717 : i32
    %ne3A_1719 = arith.xori %lt3A_1716, %lt3A_1718 : i1
    %and3A_1720 = arith.andi %ne3A_1719, %ne3A_1714 : i1
    %add3A_1721 = arith.addi %rem3A_1712, %select_n3A_1711 : i32
    %select_n3A_1722 = arith.select %and3A_1720, %add3A_1721, %rem3A_1712 : i32
    %jit3A_1723 = arith.constant 16 : i32
    %div3A_1724 = arith.divsi %select_n3A_1706, %jit3A_1723 : i32
    %sign3A_1725 = arith.constant 0 : i32
    %sign3A_1726 = arith.cmpi sgt, %select_n3A_1706, %sign3A_1725 : i32
    %sign3A_1727 = arith.extui %sign3A_1726 : i1 to i32
    %sign3A_1728 = arith.constant 0 : i32
    %sign3A_1729 = arith.cmpi slt, %select_n3A_1706, %sign3A_1728 : i32
    %sign3A_1730 = arith.extui %sign3A_1729 : i1 to i32
    %sign3A_1731 = arith.subi %sign3A_1727, %sign3A_1730 : i32
    %sign3A_1732 = arith.constant 0 : i32
    %sign3A_1733 = arith.cmpi sgt, %jit3A_1723, %sign3A_1732 : i32
    %sign3A_1734 = arith.extui %sign3A_1733 : i1 to i32
    %sign3A_1735 = arith.constant 0 : i32
    %sign3A_1736 = arith.cmpi slt, %jit3A_1723, %sign3A_1735 : i32
    %sign3A_1737 = arith.extui %sign3A_1736 : i1 to i32
    %sign3A_1738 = arith.subi %sign3A_1734, %sign3A_1737 : i32
    %ne3A_1739 = arith.cmpi ne, %sign3A_1731, %sign3A_1738 : i32
    %rem3A_1740 = arith.remsi %select_n3A_1706, %jit3A_1723 : i32
    %ne3A_1741 = arith.constant 0 : i32
    %ne3A_1742 = arith.cmpi ne, %rem3A_1740, %ne3A_1741 : i32
    %and3A_1743 = arith.andi %ne3A_1739, %ne3A_1742 : i1
    %sub3A_1744 = arith.constant 1 : i32
    %sub3A_1745 = arith.subi %div3A_1724, %sub3A_1744 : i32
    %select_n3A_1746 = arith.select %and3A_1743, %sub3A_1745, %div3A_1724 : i32
    %jit3A_1747 = arith.constant 16 : i32
    %eq3A_1748 = arith.constant 0 : i32
    %eq3A_1749 = arith.cmpi eq, %jit3A_1747, %eq3A_1748 : i32
    %jit3A_1750 = arith.constant 1 : i32
    %select_n3A_1751 = arith.select %eq3A_1749, %jit3A_1750, %jit3A_1747 : i32
    %rem3A_1752 = arith.remsi %select_n3A_1706, %select_n3A_1751 : i32
    %ne3A_1753 = arith.constant 0 : i32
    %ne3A_1754 = arith.cmpi ne, %rem3A_1752, %ne3A_1753 : i32
    %lt3A_1755 = arith.constant 0 : i32
    %lt3A_1756 = arith.cmpi slt, %rem3A_1752, %lt3A_1755 : i32
    %lt3A_1757 = arith.constant 0 : i32
    %lt3A_1758 = arith.cmpi slt, %select_n3A_1751, %lt3A_1757 : i32
    %ne3A_1759 = arith.xori %lt3A_1756, %lt3A_1758 : i1
    %and3A_1760 = arith.andi %ne3A_1759, %ne3A_1754 : i1
    %add3A_1761 = arith.addi %rem3A_1752, %select_n3A_1751 : i32
    %select_n3A_1762 = arith.select %and3A_1760, %add3A_1761, %rem3A_1752 : i32
    %mul3A_1763 = arith.constant 63 : i32
    %mul3A_1764 = arith.muli %select_n3A_1762, %mul3A_1763 : i32
    %jit3A_1765 = arith.constant 15 : i32
    %div3A_1766 = arith.divsi %mul3A_1764, %jit3A_1765 : i32
    %sign3A_1767 = arith.constant 0 : i32
    %sign3A_1768 = arith.cmpi sgt, %mul3A_1764, %sign3A_1767 : i32
    %sign3A_1769 = arith.extui %sign3A_1768 : i1 to i32
    %sign3A_1770 = arith.constant 0 : i32
    %sign3A_1771 = arith.cmpi slt, %mul3A_1764, %sign3A_1770 : i32
    %sign3A_1772 = arith.extui %sign3A_1771 : i1 to i32
    %sign3A_1773 = arith.subi %sign3A_1769, %sign3A_1772 : i32
    %sign3A_1774 = arith.constant 0 : i32
    %sign3A_1775 = arith.cmpi sgt, %jit3A_1765, %sign3A_1774 : i32
    %sign3A_1776 = arith.extui %sign3A_1775 : i1 to i32
    %sign3A_1777 = arith.constant 0 : i32
    %sign3A_1778 = arith.cmpi slt, %jit3A_1765, %sign3A_1777 : i32
    %sign3A_1779 = arith.extui %sign3A_1778 : i1 to i32
    %sign3A_1780 = arith.subi %sign3A_1776, %sign3A_1779 : i32
    %ne3A_1781 = arith.cmpi ne, %sign3A_1773, %sign3A_1780 : i32
    %rem3A_1782 = arith.remsi %mul3A_1764, %jit3A_1765 : i32
    %ne3A_1783 = arith.constant 0 : i32
    %ne3A_1784 = arith.cmpi ne, %rem3A_1782, %ne3A_1783 : i32
    %and3A_1785 = arith.andi %ne3A_1781, %ne3A_1784 : i1
    %sub3A_1786 = arith.constant 1 : i32
    %sub3A_1787 = arith.subi %div3A_1766, %sub3A_1786 : i32
    %select_n3A_1788 = arith.select %and3A_1785, %sub3A_1787, %div3A_1766 : i32
    %mul3A_1789 = arith.constant 56 : i32
    %mul3A_1790 = arith.muli %select_n3A_1722, %mul3A_1789 : i32
    %dma_start3A_1791 = arith.constant 2 : i32
    %dma_start3A_1792 = arith.constant 2 : i32
    %dma_start3A_1793 = arith.constant 0 : i32
    %dma_start3A_1794 = arith.constant 0 : i32
    %dma_start3A_1795 = tpu.memref_slice %arg4[%dma_start3A_1791, %dma_start3A_1793, %dma_start3A_1794] : memref<4x56x224xf32, #tpu.memory_space<vmem>> -> memref<1x56x224xf32, #tpu.memory_space<vmem>>
    %dma_start3A_1796 = tpu.memref_squeeze %dma_start3A_1795 : memref<1x56x224xf32, #tpu.memory_space<vmem>> -> memref<56x224xf32, #tpu.memory_space<vmem>>
    %dma_start3A_1797 = arith.constant 0 : i32
    %dma_start3A_1798 = tpu.memref_slice %arg3[%select_n3A_1746, %select_n3A_1762, %mul3A_1790, %dma_start3A_1797] : memref<3x16x224x224xf32, #tpu.memory_space<hbm>> -> memref<1x1x56x224xf32, #tpu.memory_space<hbm>>
    %dma_start3A_1799 = tpu.memref_squeeze %dma_start3A_1798 : memref<1x1x56x224xf32, #tpu.memory_space<hbm>> -> memref<56x224xf32, #tpu.memory_space<hbm>>
    %dma_start3A_1800 = tpu.memref_slice %arg6[%dma_start3A_1792] : memref<4x!tpu.dma_semaphore, #tpu.memory_space<semaphore_mem>> -> memref<1x!tpu.dma_semaphore, #tpu.memory_space<semaphore_mem>>
    %dma_start3A_1801 = tpu.memref_squeeze %dma_start3A_1800 : memref<1x!tpu.dma_semaphore, #tpu.memory_space<semaphore_mem>> -> memref<!tpu.dma_semaphore, #tpu.memory_space<semaphore_mem>>
    %dma_start3A_1802 = arith.constant 0 : i32
    %dma_start3A_1803 = tpu.memref_slice %arg3[%select_n3A_1746, %select_n3A_1762, %mul3A_1790, %dma_start3A_1802] : memref<3x16x224x224xf32, #tpu.memory_space<hbm>> -> memref<1x1x56x224xf32, #tpu.memory_space<hbm>>
    %dma_start3A_1804 = tpu.memref_squeeze %dma_start3A_1803 : memref<1x1x56x224xf32, #tpu.memory_space<hbm>> -> memref<56x224xf32, #tpu.memory_space<hbm>>
    %dma_start3A_1805 = arith.constant 0 : i32
    %dma_start3A_1806 = arith.constant 0 : i32
    %dma_start3A_1807 = tpu.memref_slice %arg4[%dma_start3A_1791, %dma_start3A_1805, %dma_start3A_1806] : memref<4x56x224xf32, #tpu.memory_space<vmem>> -> memref<1x56x224xf32, #tpu.memory_space<vmem>>
    %dma_start3A_1808 = tpu.memref_squeeze %dma_start3A_1807 : memref<1x56x224xf32, #tpu.memory_space<vmem>> -> memref<56x224xf32, #tpu.memory_space<vmem>>
    tpu.enqueue_dma source(%dma_start3A_1808 : memref<56x224xf32, #tpu.memory_space<vmem>>) target(%dma_start3A_1804 : memref<56x224xf32, #tpu.memory_space<hbm>>) target_semaphore(%dma_start3A_1801 : memref<!tpu.dma_semaphore, #tpu.memory_space<semaphore_mem>>)
    %mul3A_1809 = arith.constant 6 : i32
    %mul3A_1810 = arith.muli %add3A, %mul3A_1809 : i32
    %add3A_1811 = arith.constant 3 : i32
    %add3A_1812 = arith.addi %mul3A_1810, %add3A_1811 : i32
    %jit3A_1813 = arith.constant 4 : i32
    %div3A_1814 = arith.divsi %add3A_1812, %jit3A_1813 : i32
    %sign3A_1815 = arith.constant 0 : i32
    %sign3A_1816 = arith.cmpi sgt, %add3A_1812, %sign3A_1815 : i32
    %sign3A_1817 = arith.extui %sign3A_1816 : i1 to i32
    %sign3A_1818 = arith.constant 0 : i32
    %sign3A_1819 = arith.cmpi slt, %add3A_1812, %sign3A_1818 : i32
    %sign3A_1820 = arith.extui %sign3A_1819 : i1 to i32
    %sign3A_1821 = arith.subi %sign3A_1817, %sign3A_1820 : i32
    %sign3A_1822 = arith.constant 0 : i32
    %sign3A_1823 = arith.cmpi sgt, %jit3A_1813, %sign3A_1822 : i32
    %sign3A_1824 = arith.extui %sign3A_1823 : i1 to i32
    %sign3A_1825 = arith.constant 0 : i32
    %sign3A_1826 = arith.cmpi slt, %jit3A_1813, %sign3A_1825 : i32
    %sign3A_1827 = arith.extui %sign3A_1826 : i1 to i32
    %sign3A_1828 = arith.subi %sign3A_1824, %sign3A_1827 : i32
    %ne3A_1829 = arith.cmpi ne, %sign3A_1821, %sign3A_1828 : i32
    %rem3A_1830 = arith.remsi %add3A_1812, %jit3A_1813 : i32
    %ne3A_1831 = arith.constant 0 : i32
    %ne3A_1832 = arith.cmpi ne, %rem3A_1830, %ne3A_1831 : i32
    %and3A_1833 = arith.andi %ne3A_1829, %ne3A_1832 : i1
    %sub3A_1834 = arith.constant 1 : i32
    %sub3A_1835 = arith.subi %div3A_1814, %sub3A_1834 : i32
    %select_n3A_1836 = arith.select %and3A_1833, %sub3A_1835, %div3A_1814 : i32
    %jit3A_1837 = arith.constant 4 : i32
    %eq3A_1838 = arith.constant 0 : i32
    %eq3A_1839 = arith.cmpi eq, %jit3A_1837, %eq3A_1838 : i32
    %jit3A_1840 = arith.constant 1 : i32
    %select_n3A_1841 = arith.select %eq3A_1839, %jit3A_1840, %jit3A_1837 : i32
    %rem3A_1842 = arith.remsi %add3A_1812, %select_n3A_1841 : i32
    %ne3A_1843 = arith.constant 0 : i32
    %ne3A_1844 = arith.cmpi ne, %rem3A_1842, %ne3A_1843 : i32
    %lt3A_1845 = arith.constant 0 : i32
    %lt3A_1846 = arith.cmpi slt, %rem3A_1842, %lt3A_1845 : i32
    %lt3A_1847 = arith.constant 0 : i32
    %lt3A_1848 = arith.cmpi slt, %select_n3A_1841, %lt3A_1847 : i32
    %ne3A_1849 = arith.xori %lt3A_1846, %lt3A_1848 : i1
    %and3A_1850 = arith.andi %ne3A_1849, %ne3A_1844 : i1
    %add3A_1851 = arith.addi %rem3A_1842, %select_n3A_1841 : i32
    %select_n3A_1852 = arith.select %and3A_1850, %add3A_1851, %rem3A_1842 : i32
    %jit3A_1853 = arith.constant 16 : i32
    %div3A_1854 = arith.divsi %select_n3A_1836, %jit3A_1853 : i32
    %sign3A_1855 = arith.constant 0 : i32
    %sign3A_1856 = arith.cmpi sgt, %select_n3A_1836, %sign3A_1855 : i32
    %sign3A_1857 = arith.extui %sign3A_1856 : i1 to i32
    %sign3A_1858 = arith.constant 0 : i32
    %sign3A_1859 = arith.cmpi slt, %select_n3A_1836, %sign3A_1858 : i32
    %sign3A_1860 = arith.extui %sign3A_1859 : i1 to i32
    %sign3A_1861 = arith.subi %sign3A_1857, %sign3A_1860 : i32
    %sign3A_1862 = arith.constant 0 : i32
    %sign3A_1863 = arith.cmpi sgt, %jit3A_1853, %sign3A_1862 : i32
    %sign3A_1864 = arith.extui %sign3A_1863 : i1 to i32
    %sign3A_1865 = arith.constant 0 : i32
    %sign3A_1866 = arith.cmpi slt, %jit3A_1853, %sign3A_1865 : i32
    %sign3A_1867 = arith.extui %sign3A_1866 : i1 to i32
    %sign3A_1868 = arith.subi %sign3A_1864, %sign3A_1867 : i32
    %ne3A_1869 = arith.cmpi ne, %sign3A_1861, %sign3A_1868 : i32
    %rem3A_1870 = arith.remsi %select_n3A_1836, %jit3A_1853 : i32
    %ne3A_1871 = arith.constant 0 : i32
    %ne3A_1872 = arith.cmpi ne, %rem3A_1870, %ne3A_1871 : i32
    %and3A_1873 = arith.andi %ne3A_1869, %ne3A_1872 : i1
    %sub3A_1874 = arith.constant 1 : i32
    %sub3A_1875 = arith.subi %div3A_1854, %sub3A_1874 : i32
    %select_n3A_1876 = arith.select %and3A_1873, %sub3A_1875, %div3A_1854 : i32
    %jit3A_1877 = arith.constant 16 : i32
    %eq3A_1878 = arith.constant 0 : i32
    %eq3A_1879 = arith.cmpi eq, %jit3A_1877, %eq3A_1878 : i32
    %jit3A_1880 = arith.constant 1 : i32
    %select_n3A_1881 = arith.select %eq3A_1879, %jit3A_1880, %jit3A_1877 : i32
    %rem3A_1882 = arith.remsi %select_n3A_1836, %select_n3A_1881 : i32
    %ne3A_1883 = arith.constant 0 : i32
    %ne3A_1884 = arith.cmpi ne, %rem3A_1882, %ne3A_1883 : i32
    %lt3A_1885 = arith.constant 0 : i32
    %lt3A_1886 = arith.cmpi slt, %rem3A_1882, %lt3A_1885 : i32
    %lt3A_1887 = arith.constant 0 : i32
    %lt3A_1888 = arith.cmpi slt, %select_n3A_1881, %lt3A_1887 : i32
    %ne3A_1889 = arith.xori %lt3A_1886, %lt3A_1888 : i1
    %and3A_1890 = arith.andi %ne3A_1889, %ne3A_1884 : i1
    %add3A_1891 = arith.addi %rem3A_1882, %select_n3A_1881 : i32
    %select_n3A_1892 = arith.select %and3A_1890, %add3A_1891, %rem3A_1882 : i32
    %mul3A_1893 = arith.constant 63 : i32
    %mul3A_1894 = arith.muli %select_n3A_1892, %mul3A_1893 : i32
    %jit3A_1895 = arith.constant 15 : i32
    %div3A_1896 = arith.divsi %mul3A_1894, %jit3A_1895 : i32
    %sign3A_1897 = arith.constant 0 : i32
    %sign3A_1898 = arith.cmpi sgt, %mul3A_1894, %sign3A_1897 : i32
    %sign3A_1899 = arith.extui %sign3A_1898 : i1 to i32
    %sign3A_1900 = arith.constant 0 : i32
    %sign3A_1901 = arith.cmpi slt, %mul3A_1894, %sign3A_1900 : i32
    %sign3A_1902 = arith.extui %sign3A_1901 : i1 to i32
    %sign3A_1903 = arith.subi %sign3A_1899, %sign3A_1902 : i32
    %sign3A_1904 = arith.constant 0 : i32
    %sign3A_1905 = arith.cmpi sgt, %jit3A_1895, %sign3A_1904 : i32
    %sign3A_1906 = arith.extui %sign3A_1905 : i1 to i32
    %sign3A_1907 = arith.constant 0 : i32
    %sign3A_1908 = arith.cmpi slt, %jit3A_1895, %sign3A_1907 : i32
    %sign3A_1909 = arith.extui %sign3A_1908 : i1 to i32
    %sign3A_1910 = arith.subi %sign3A_1906, %sign3A_1909 : i32
    %ne3A_1911 = arith.cmpi ne, %sign3A_1903, %sign3A_1910 : i32
    %rem3A_1912 = arith.remsi %mul3A_1894, %jit3A_1895 : i32
    %ne3A_1913 = arith.constant 0 : i32
    %ne3A_1914 = arith.cmpi ne, %rem3A_1912, %ne3A_1913 : i32
    %and3A_1915 = arith.andi %ne3A_1911, %ne3A_1914 : i1
    %sub3A_1916 = arith.constant 1 : i32
    %sub3A_1917 = arith.subi %div3A_1896, %sub3A_1916 : i32
    %select_n3A_1918 = arith.select %and3A_1915, %sub3A_1917, %div3A_1896 : i32
    %mul3A_1919 = arith.constant 56 : i32
    %mul3A_1920 = arith.muli %select_n3A_1852, %mul3A_1919 : i32
    %dma_wait3A_1921 = arith.constant 3 : i32
    %dma_wait3A_1922 = arith.constant 3 : i32
    %dma_wait3A_1923 = arith.constant 0 : i32
    %dma_wait3A_1924 = arith.constant 0 : i32
    %dma_wait3A_1925 = tpu.memref_slice %arg4[%dma_wait3A_1921, %dma_wait3A_1923, %dma_wait3A_1924] : memref<4x56x224xf32, #tpu.memory_space<vmem>> -> memref<1x56x224xf32, #tpu.memory_space<vmem>>
    %dma_wait3A_1926 = tpu.memref_squeeze %dma_wait3A_1925 : memref<1x56x224xf32, #tpu.memory_space<vmem>> -> memref<56x224xf32, #tpu.memory_space<vmem>>
    %dma_wait3A_1927 = arith.constant 0 : i32
    %dma_wait3A_1928 = tpu.memref_slice %arg2[%select_n3A_1876, %select_n3A_1918, %mul3A_1920, %dma_wait3A_1927] : memref<3x64x224x224xf32, #tpu.memory_space<hbm>> -> memref<1x1x56x224xf32, #tpu.memory_space<hbm>>
    %dma_wait3A_1929 = tpu.memref_squeeze %dma_wait3A_1928 : memref<1x1x56x224xf32, #tpu.memory_space<hbm>> -> memref<56x224xf32, #tpu.memory_space<hbm>>
    %dma_wait3A_1930 = tpu.memref_slice %arg5[%dma_wait3A_1922] : memref<4x!tpu.dma_semaphore, #tpu.memory_space<semaphore_mem>> -> memref<1x!tpu.dma_semaphore, #tpu.memory_space<semaphore_mem>>
    %dma_wait3A_1931 = tpu.memref_squeeze %dma_wait3A_1930 : memref<1x!tpu.dma_semaphore, #tpu.memory_space<semaphore_mem>> -> memref<!tpu.dma_semaphore, #tpu.memory_space<semaphore_mem>>
    %dma_wait3A_1932 = arith.constant 0 : i32
    %dma_wait3A_1933 = arith.constant 0 : i32
    %dma_wait3A_1934 = tpu.memref_slice %arg4[%dma_wait3A_1921, %dma_wait3A_1932, %dma_wait3A_1933] : memref<4x56x224xf32, #tpu.memory_space<vmem>> -> memref<1x56x224xf32, #tpu.memory_space<vmem>>
    %dma_wait3A_1935 = tpu.memref_squeeze %dma_wait3A_1934 : memref<1x56x224xf32, #tpu.memory_space<vmem>> -> memref<56x224xf32, #tpu.memory_space<vmem>>
    %dma_wait3A_1936 = arith.constant 0 : i32
    %dma_wait3A_1937 = tpu.memref_slice %arg2[%select_n3A_1876, %select_n3A_1918, %mul3A_1920, %dma_wait3A_1936] : memref<3x64x224x224xf32, #tpu.memory_space<hbm>> -> memref<1x1x56x224xf32, #tpu.memory_space<hbm>>
    %dma_wait3A_1938 = tpu.memref_squeeze %dma_wait3A_1937 : memref<1x1x56x224xf32, #tpu.memory_space<hbm>> -> memref<56x224xf32, #tpu.memory_space<hbm>>
    tpu.wait_dma2 semaphore(%dma_wait3A_1931 : memref<!tpu.dma_semaphore, #tpu.memory_space<semaphore_mem>>) src(%dma_wait3A_1938 : memref<56x224xf32, #tpu.memory_space<hbm>>) dst(%dma_wait3A_1935 : memref<56x224xf32, #tpu.memory_space<vmem>>)
    %mul3A_1939 = arith.constant 6 : i32
    %mul3A_1940 = arith.muli %add3A, %mul3A_1939 : i32
    %add3A_1941 = arith.constant 3 : i32
    %add3A_1942 = arith.addi %mul3A_1940, %add3A_1941 : i32
    %jit3A_1943 = arith.constant 4 : i32
    %div3A_1944 = arith.divsi %add3A_1942, %jit3A_1943 : i32
    %sign3A_1945 = arith.constant 0 : i32
    %sign3A_1946 = arith.cmpi sgt, %add3A_1942, %sign3A_1945 : i32
    %sign3A_1947 = arith.extui %sign3A_1946 : i1 to i32
    %sign3A_1948 = arith.constant 0 : i32
    %sign3A_1949 = arith.cmpi slt, %add3A_1942, %sign3A_1948 : i32
    %sign3A_1950 = arith.extui %sign3A_1949 : i1 to i32
    %sign3A_1951 = arith.subi %sign3A_1947, %sign3A_1950 : i32
    %sign3A_1952 = arith.constant 0 : i32
    %sign3A_1953 = arith.cmpi sgt, %jit3A_1943, %sign3A_1952 : i32
    %sign3A_1954 = arith.extui %sign3A_1953 : i1 to i32
    %sign3A_1955 = arith.constant 0 : i32
    %sign3A_1956 = arith.cmpi slt, %jit3A_1943, %sign3A_1955 : i32
    %sign3A_1957 = arith.extui %sign3A_1956 : i1 to i32
    %sign3A_1958 = arith.subi %sign3A_1954, %sign3A_1957 : i32
    %ne3A_1959 = arith.cmpi ne, %sign3A_1951, %sign3A_1958 : i32
    %rem3A_1960 = arith.remsi %add3A_1942, %jit3A_1943 : i32
    %ne3A_1961 = arith.constant 0 : i32
    %ne3A_1962 = arith.cmpi ne, %rem3A_1960, %ne3A_1961 : i32
    %and3A_1963 = arith.andi %ne3A_1959, %ne3A_1962 : i1
    %sub3A_1964 = arith.constant 1 : i32
    %sub3A_1965 = arith.subi %div3A_1944, %sub3A_1964 : i32
    %select_n3A_1966 = arith.select %and3A_1963, %sub3A_1965, %div3A_1944 : i32
    %jit3A_1967 = arith.constant 4 : i32
    %eq3A_1968 = arith.constant 0 : i32
    %eq3A_1969 = arith.cmpi eq, %jit3A_1967, %eq3A_1968 : i32
    %jit3A_1970 = arith.constant 1 : i32
    %select_n3A_1971 = arith.select %eq3A_1969, %jit3A_1970, %jit3A_1967 : i32
    %rem3A_1972 = arith.remsi %add3A_1942, %select_n3A_1971 : i32
    %ne3A_1973 = arith.constant 0 : i32
    %ne3A_1974 = arith.cmpi ne, %rem3A_1972, %ne3A_1973 : i32
    %lt3A_1975 = arith.constant 0 : i32
    %lt3A_1976 = arith.cmpi slt, %rem3A_1972, %lt3A_1975 : i32
    %lt3A_1977 = arith.constant 0 : i32
    %lt3A_1978 = arith.cmpi slt, %select_n3A_1971, %lt3A_1977 : i32
    %ne3A_1979 = arith.xori %lt3A_1976, %lt3A_1978 : i1
    %and3A_1980 = arith.andi %ne3A_1979, %ne3A_1974 : i1
    %add3A_1981 = arith.addi %rem3A_1972, %select_n3A_1971 : i32
    %select_n3A_1982 = arith.select %and3A_1980, %add3A_1981, %rem3A_1972 : i32
    %jit3A_1983 = arith.constant 16 : i32
    %div3A_1984 = arith.divsi %select_n3A_1966, %jit3A_1983 : i32
    %sign3A_1985 = arith.constant 0 : i32
    %sign3A_1986 = arith.cmpi sgt, %select_n3A_1966, %sign3A_1985 : i32
    %sign3A_1987 = arith.extui %sign3A_1986 : i1 to i32
    %sign3A_1988 = arith.constant 0 : i32
    %sign3A_1989 = arith.cmpi slt, %select_n3A_1966, %sign3A_1988 : i32
    %sign3A_1990 = arith.extui %sign3A_1989 : i1 to i32
    %sign3A_1991 = arith.subi %sign3A_1987, %sign3A_1990 : i32
    %sign3A_1992 = arith.constant 0 : i32
    %sign3A_1993 = arith.cmpi sgt, %jit3A_1983, %sign3A_1992 : i32
    %sign3A_1994 = arith.extui %sign3A_1993 : i1 to i32
    %sign3A_1995 = arith.constant 0 : i32
    %sign3A_1996 = arith.cmpi slt, %jit3A_1983, %sign3A_1995 : i32
    %sign3A_1997 = arith.extui %sign3A_1996 : i1 to i32
    %sign3A_1998 = arith.subi %sign3A_1994, %sign3A_1997 : i32
    %ne3A_1999 = arith.cmpi ne, %sign3A_1991, %sign3A_1998 : i32
    %rem3A_2000 = arith.remsi %select_n3A_1966, %jit3A_1983 : i32
    %ne3A_2001 = arith.constant 0 : i32
    %ne3A_2002 = arith.cmpi ne, %rem3A_2000, %ne3A_2001 : i32
    %and3A_2003 = arith.andi %ne3A_1999, %ne3A_2002 : i1
    %sub3A_2004 = arith.constant 1 : i32
    %sub3A_2005 = arith.subi %div3A_1984, %sub3A_2004 : i32
    %select_n3A_2006 = arith.select %and3A_2003, %sub3A_2005, %div3A_1984 : i32
    %jit3A_2007 = arith.constant 16 : i32
    %eq3A_2008 = arith.constant 0 : i32
    %eq3A_2009 = arith.cmpi eq, %jit3A_2007, %eq3A_2008 : i32
    %jit3A_2010 = arith.constant 1 : i32
    %select_n3A_2011 = arith.select %eq3A_2009, %jit3A_2010, %jit3A_2007 : i32
    %rem3A_2012 = arith.remsi %select_n3A_1966, %select_n3A_2011 : i32
    %ne3A_2013 = arith.constant 0 : i32
    %ne3A_2014 = arith.cmpi ne, %rem3A_2012, %ne3A_2013 : i32
    %lt3A_2015 = arith.constant 0 : i32
    %lt3A_2016 = arith.cmpi slt, %rem3A_2012, %lt3A_2015 : i32
    %lt3A_2017 = arith.constant 0 : i32
    %lt3A_2018 = arith.cmpi slt, %select_n3A_2011, %lt3A_2017 : i32
    %ne3A_2019 = arith.xori %lt3A_2016, %lt3A_2018 : i1
    %and3A_2020 = arith.andi %ne3A_2019, %ne3A_2014 : i1
    %add3A_2021 = arith.addi %rem3A_2012, %select_n3A_2011 : i32
    %select_n3A_2022 = arith.select %and3A_2020, %add3A_2021, %rem3A_2012 : i32
    %mul3A_2023 = arith.constant 63 : i32
    %mul3A_2024 = arith.muli %select_n3A_2022, %mul3A_2023 : i32
    %jit3A_2025 = arith.constant 15 : i32
    %div3A_2026 = arith.divsi %mul3A_2024, %jit3A_2025 : i32
    %sign3A_2027 = arith.constant 0 : i32
    %sign3A_2028 = arith.cmpi sgt, %mul3A_2024, %sign3A_2027 : i32
    %sign3A_2029 = arith.extui %sign3A_2028 : i1 to i32
    %sign3A_2030 = arith.constant 0 : i32
    %sign3A_2031 = arith.cmpi slt, %mul3A_2024, %sign3A_2030 : i32
    %sign3A_2032 = arith.extui %sign3A_2031 : i1 to i32
    %sign3A_2033 = arith.subi %sign3A_2029, %sign3A_2032 : i32
    %sign3A_2034 = arith.constant 0 : i32
    %sign3A_2035 = arith.cmpi sgt, %jit3A_2025, %sign3A_2034 : i32
    %sign3A_2036 = arith.extui %sign3A_2035 : i1 to i32
    %sign3A_2037 = arith.constant 0 : i32
    %sign3A_2038 = arith.cmpi slt, %jit3A_2025, %sign3A_2037 : i32
    %sign3A_2039 = arith.extui %sign3A_2038 : i1 to i32
    %sign3A_2040 = arith.subi %sign3A_2036, %sign3A_2039 : i32
    %ne3A_2041 = arith.cmpi ne, %sign3A_2033, %sign3A_2040 : i32
    %rem3A_2042 = arith.remsi %mul3A_2024, %jit3A_2025 : i32
    %ne3A_2043 = arith.constant 0 : i32
    %ne3A_2044 = arith.cmpi ne, %rem3A_2042, %ne3A_2043 : i32
    %and3A_2045 = arith.andi %ne3A_2041, %ne3A_2044 : i1
    %sub3A_2046 = arith.constant 1 : i32
    %sub3A_2047 = arith.subi %div3A_2026, %sub3A_2046 : i32
    %select_n3A_2048 = arith.select %and3A_2045, %sub3A_2047, %div3A_2026 : i32
    %mul3A_2049 = arith.constant 56 : i32
    %mul3A_2050 = arith.muli %select_n3A_1982, %mul3A_2049 : i32
    %dma_start3A_2051 = arith.constant 3 : i32
    %dma_start3A_2052 = arith.constant 3 : i32
    %dma_start3A_2053 = arith.constant 0 : i32
    %dma_start3A_2054 = arith.constant 0 : i32
    %dma_start3A_2055 = tpu.memref_slice %arg4[%dma_start3A_2051, %dma_start3A_2053, %dma_start3A_2054] : memref<4x56x224xf32, #tpu.memory_space<vmem>> -> memref<1x56x224xf32, #tpu.memory_space<vmem>>
    %dma_start3A_2056 = tpu.memref_squeeze %dma_start3A_2055 : memref<1x56x224xf32, #tpu.memory_space<vmem>> -> memref<56x224xf32, #tpu.memory_space<vmem>>
    %dma_start3A_2057 = arith.constant 0 : i32
    %dma_start3A_2058 = tpu.memref_slice %arg3[%select_n3A_2006, %select_n3A_2022, %mul3A_2050, %dma_start3A_2057] : memref<3x16x224x224xf32, #tpu.memory_space<hbm>> -> memref<1x1x56x224xf32, #tpu.memory_space<hbm>>
    %dma_start3A_2059 = tpu.memref_squeeze %dma_start3A_2058 : memref<1x1x56x224xf32, #tpu.memory_space<hbm>> -> memref<56x224xf32, #tpu.memory_space<hbm>>
    %dma_start3A_2060 = tpu.memref_slice %arg6[%dma_start3A_2052] : memref<4x!tpu.dma_semaphore, #tpu.memory_space<semaphore_mem>> -> memref<1x!tpu.dma_semaphore, #tpu.memory_space<semaphore_mem>>
    %dma_start3A_2061 = tpu.memref_squeeze %dma_start3A_2060 : memref<1x!tpu.dma_semaphore, #tpu.memory_space<semaphore_mem>> -> memref<!tpu.dma_semaphore, #tpu.memory_space<semaphore_mem>>
    %dma_start3A_2062 = arith.constant 0 : i32
    %dma_start3A_2063 = tpu.memref_slice %arg3[%select_n3A_2006, %select_n3A_2022, %mul3A_2050, %dma_start3A_2062] : memref<3x16x224x224xf32, #tpu.memory_space<hbm>> -> memref<1x1x56x224xf32, #tpu.memory_space<hbm>>
    %dma_start3A_2064 = tpu.memref_squeeze %dma_start3A_2063 : memref<1x1x56x224xf32, #tpu.memory_space<hbm>> -> memref<56x224xf32, #tpu.memory_space<hbm>>
    %dma_start3A_2065 = arith.constant 0 : i32
    %dma_start3A_2066 = arith.constant 0 : i32
    %dma_start3A_2067 = tpu.memref_slice %arg4[%dma_start3A_2051, %dma_start3A_2065, %dma_start3A_2066] : memref<4x56x224xf32, #tpu.memory_space<vmem>> -> memref<1x56x224xf32, #tpu.memory_space<vmem>>
    %dma_start3A_2068 = tpu.memref_squeeze %dma_start3A_2067 : memref<1x56x224xf32, #tpu.memory_space<vmem>> -> memref<56x224xf32, #tpu.memory_space<vmem>>
    tpu.enqueue_dma source(%dma_start3A_2068 : memref<56x224xf32, #tpu.memory_space<vmem>>) target(%dma_start3A_2064 : memref<56x224xf32, #tpu.memory_space<hbm>>) target_semaphore(%dma_start3A_2061 : memref<!tpu.dma_semaphore, #tpu.memory_space<semaphore_mem>>)
    %mul3A_2069 = arith.constant 6 : i32
    %mul3A_2070 = arith.muli %add3A, %mul3A_2069 : i32
    %add3A_2071 = arith.constant 4 : i32
    %add3A_2072 = arith.addi %mul3A_2070, %add3A_2071 : i32
    %jit3A_2073 = arith.constant 4 : i32
    %div3A_2074 = arith.divsi %add3A_2072, %jit3A_2073 : i32
    %sign3A_2075 = arith.constant 0 : i32
    %sign3A_2076 = arith.cmpi sgt, %add3A_2072, %sign3A_2075 : i32
    %sign3A_2077 = arith.extui %sign3A_2076 : i1 to i32
    %sign3A_2078 = arith.constant 0 : i32
    %sign3A_2079 = arith.cmpi slt, %add3A_2072, %sign3A_2078 : i32
    %sign3A_2080 = arith.extui %sign3A_2079 : i1 to i32
    %sign3A_2081 = arith.subi %sign3A_2077, %sign3A_2080 : i32
    %sign3A_2082 = arith.constant 0 : i32
    %sign3A_2083 = arith.cmpi sgt, %jit3A_2073, %sign3A_2082 : i32
    %sign3A_2084 = arith.extui %sign3A_2083 : i1 to i32
    %sign3A_2085 = arith.constant 0 : i32
    %sign3A_2086 = arith.cmpi slt, %jit3A_2073, %sign3A_2085 : i32
    %sign3A_2087 = arith.extui %sign3A_2086 : i1 to i32
    %sign3A_2088 = arith.subi %sign3A_2084, %sign3A_2087 : i32
    %ne3A_2089 = arith.cmpi ne, %sign3A_2081, %sign3A_2088 : i32
    %rem3A_2090 = arith.remsi %add3A_2072, %jit3A_2073 : i32
    %ne3A_2091 = arith.constant 0 : i32
    %ne3A_2092 = arith.cmpi ne, %rem3A_2090, %ne3A_2091 : i32
    %and3A_2093 = arith.andi %ne3A_2089, %ne3A_2092 : i1
    %sub3A_2094 = arith.constant 1 : i32
    %sub3A_2095 = arith.subi %div3A_2074, %sub3A_2094 : i32
    %select_n3A_2096 = arith.select %and3A_2093, %sub3A_2095, %div3A_2074 : i32
    %jit3A_2097 = arith.constant 4 : i32
    %eq3A_2098 = arith.constant 0 : i32
    %eq3A_2099 = arith.cmpi eq, %jit3A_2097, %eq3A_2098 : i32
    %jit3A_2100 = arith.constant 1 : i32
    %select_n3A_2101 = arith.select %eq3A_2099, %jit3A_2100, %jit3A_2097 : i32
    %rem3A_2102 = arith.remsi %add3A_2072, %select_n3A_2101 : i32
    %ne3A_2103 = arith.constant 0 : i32
    %ne3A_2104 = arith.cmpi ne, %rem3A_2102, %ne3A_2103 : i32
    %lt3A_2105 = arith.constant 0 : i32
    %lt3A_2106 = arith.cmpi slt, %rem3A_2102, %lt3A_2105 : i32
    %lt3A_2107 = arith.constant 0 : i32
    %lt3A_2108 = arith.cmpi slt, %select_n3A_2101, %lt3A_2107 : i32
    %ne3A_2109 = arith.xori %lt3A_2106, %lt3A_2108 : i1
    %and3A_2110 = arith.andi %ne3A_2109, %ne3A_2104 : i1
    %add3A_2111 = arith.addi %rem3A_2102, %select_n3A_2101 : i32
    %select_n3A_2112 = arith.select %and3A_2110, %add3A_2111, %rem3A_2102 : i32
    %jit3A_2113 = arith.constant 16 : i32
    %div3A_2114 = arith.divsi %select_n3A_2096, %jit3A_2113 : i32
    %sign3A_2115 = arith.constant 0 : i32
    %sign3A_2116 = arith.cmpi sgt, %select_n3A_2096, %sign3A_2115 : i32
    %sign3A_2117 = arith.extui %sign3A_2116 : i1 to i32
    %sign3A_2118 = arith.constant 0 : i32
    %sign3A_2119 = arith.cmpi slt, %select_n3A_2096, %sign3A_2118 : i32
    %sign3A_2120 = arith.extui %sign3A_2119 : i1 to i32
    %sign3A_2121 = arith.subi %sign3A_2117, %sign3A_2120 : i32
    %sign3A_2122 = arith.constant 0 : i32
    %sign3A_2123 = arith.cmpi sgt, %jit3A_2113, %sign3A_2122 : i32
    %sign3A_2124 = arith.extui %sign3A_2123 : i1 to i32
    %sign3A_2125 = arith.constant 0 : i32
    %sign3A_2126 = arith.cmpi slt, %jit3A_2113, %sign3A_2125 : i32
    %sign3A_2127 = arith.extui %sign3A_2126 : i1 to i32
    %sign3A_2128 = arith.subi %sign3A_2124, %sign3A_2127 : i32
    %ne3A_2129 = arith.cmpi ne, %sign3A_2121, %sign3A_2128 : i32
    %rem3A_2130 = arith.remsi %select_n3A_2096, %jit3A_2113 : i32
    %ne3A_2131 = arith.constant 0 : i32
    %ne3A_2132 = arith.cmpi ne, %rem3A_2130, %ne3A_2131 : i32
    %and3A_2133 = arith.andi %ne3A_2129, %ne3A_2132 : i1
    %sub3A_2134 = arith.constant 1 : i32
    %sub3A_2135 = arith.subi %div3A_2114, %sub3A_2134 : i32
    %select_n3A_2136 = arith.select %and3A_2133, %sub3A_2135, %div3A_2114 : i32
    %jit3A_2137 = arith.constant 16 : i32
    %eq3A_2138 = arith.constant 0 : i32
    %eq3A_2139 = arith.cmpi eq, %jit3A_2137, %eq3A_2138 : i32
    %jit3A_2140 = arith.constant 1 : i32
    %select_n3A_2141 = arith.select %eq3A_2139, %jit3A_2140, %jit3A_2137 : i32
    %rem3A_2142 = arith.remsi %select_n3A_2096, %select_n3A_2141 : i32
    %ne3A_2143 = arith.constant 0 : i32
    %ne3A_2144 = arith.cmpi ne, %rem3A_2142, %ne3A_2143 : i32
    %lt3A_2145 = arith.constant 0 : i32
    %lt3A_2146 = arith.cmpi slt, %rem3A_2142, %lt3A_2145 : i32
    %lt3A_2147 = arith.constant 0 : i32
    %lt3A_2148 = arith.cmpi slt, %select_n3A_2141, %lt3A_2147 : i32
    %ne3A_2149 = arith.xori %lt3A_2146, %lt3A_2148 : i1
    %and3A_2150 = arith.andi %ne3A_2149, %ne3A_2144 : i1
    %add3A_2151 = arith.addi %rem3A_2142, %select_n3A_2141 : i32
    %select_n3A_2152 = arith.select %and3A_2150, %add3A_2151, %rem3A_2142 : i32
    %mul3A_2153 = arith.constant 63 : i32
    %mul3A_2154 = arith.muli %select_n3A_2152, %mul3A_2153 : i32
    %jit3A_2155 = arith.constant 15 : i32
    %div3A_2156 = arith.divsi %mul3A_2154, %jit3A_2155 : i32
    %sign3A_2157 = arith.constant 0 : i32
    %sign3A_2158 = arith.cmpi sgt, %mul3A_2154, %sign3A_2157 : i32
    %sign3A_2159 = arith.extui %sign3A_2158 : i1 to i32
    %sign3A_2160 = arith.constant 0 : i32
    %sign3A_2161 = arith.cmpi slt, %mul3A_2154, %sign3A_2160 : i32
    %sign3A_2162 = arith.extui %sign3A_2161 : i1 to i32
    %sign3A_2163 = arith.subi %sign3A_2159, %sign3A_2162 : i32
    %sign3A_2164 = arith.constant 0 : i32
    %sign3A_2165 = arith.cmpi sgt, %jit3A_2155, %sign3A_2164 : i32
    %sign3A_2166 = arith.extui %sign3A_2165 : i1 to i32
    %sign3A_2167 = arith.constant 0 : i32
    %sign3A_2168 = arith.cmpi slt, %jit3A_2155, %sign3A_2167 : i32
    %sign3A_2169 = arith.extui %sign3A_2168 : i1 to i32
    %sign3A_2170 = arith.subi %sign3A_2166, %sign3A_2169 : i32
    %ne3A_2171 = arith.cmpi ne, %sign3A_2163, %sign3A_2170 : i32
    %rem3A_2172 = arith.remsi %mul3A_2154, %jit3A_2155 : i32
    %ne3A_2173 = arith.constant 0 : i32
    %ne3A_2174 = arith.cmpi ne, %rem3A_2172, %ne3A_2173 : i32
    %and3A_2175 = arith.andi %ne3A_2171, %ne3A_2174 : i1
    %sub3A_2176 = arith.constant 1 : i32
    %sub3A_2177 = arith.subi %div3A_2156, %sub3A_2176 : i32
    %select_n3A_2178 = arith.select %and3A_2175, %sub3A_2177, %div3A_2156 : i32
    %mul3A_2179 = arith.constant 56 : i32
    %mul3A_2180 = arith.muli %select_n3A_2112, %mul3A_2179 : i32
    %dma_wait3A_2181 = arith.constant 0 : i32
    %dma_wait3A_2182 = arith.constant 0 : i32
    %dma_wait3A_2183 = arith.constant 0 : i32
    %dma_wait3A_2184 = arith.constant 0 : i32
    %dma_wait3A_2185 = tpu.memref_slice %arg4[%dma_wait3A_2181, %dma_wait3A_2183, %dma_wait3A_2184] : memref<4x56x224xf32, #tpu.memory_space<vmem>> -> memref<1x56x224xf32, #tpu.memory_space<vmem>>
    %dma_wait3A_2186 = tpu.memref_squeeze %dma_wait3A_2185 : memref<1x56x224xf32, #tpu.memory_space<vmem>> -> memref<56x224xf32, #tpu.memory_space<vmem>>
    %dma_wait3A_2187 = arith.constant 0 : i32
    %dma_wait3A_2188 = tpu.memref_slice %arg2[%select_n3A_2136, %select_n3A_2178, %mul3A_2180, %dma_wait3A_2187] : memref<3x64x224x224xf32, #tpu.memory_space<hbm>> -> memref<1x1x56x224xf32, #tpu.memory_space<hbm>>
    %dma_wait3A_2189 = tpu.memref_squeeze %dma_wait3A_2188 : memref<1x1x56x224xf32, #tpu.memory_space<hbm>> -> memref<56x224xf32, #tpu.memory_space<hbm>>
    %dma_wait3A_2190 = tpu.memref_slice %arg5[%dma_wait3A_2182] : memref<4x!tpu.dma_semaphore, #tpu.memory_space<semaphore_mem>> -> memref<1x!tpu.dma_semaphore, #tpu.memory_space<semaphore_mem>>
    %dma_wait3A_2191 = tpu.memref_squeeze %dma_wait3A_2190 : memref<1x!tpu.dma_semaphore, #tpu.memory_space<semaphore_mem>> -> memref<!tpu.dma_semaphore, #tpu.memory_space<semaphore_mem>>
    %dma_wait3A_2192 = arith.constant 0 : i32
    %dma_wait3A_2193 = arith.constant 0 : i32
    %dma_wait3A_2194 = tpu.memref_slice %arg4[%dma_wait3A_2181, %dma_wait3A_2192, %dma_wait3A_2193] : memref<4x56x224xf32, #tpu.memory_space<vmem>> -> memref<1x56x224xf32, #tpu.memory_space<vmem>>
    %dma_wait3A_2195 = tpu.memref_squeeze %dma_wait3A_2194 : memref<1x56x224xf32, #tpu.memory_space<vmem>> -> memref<56x224xf32, #tpu.memory_space<vmem>>
    %dma_wait3A_2196 = arith.constant 0 : i32
    %dma_wait3A_2197 = tpu.memref_slice %arg2[%select_n3A_2136, %select_n3A_2178, %mul3A_2180, %dma_wait3A_2196] : memref<3x64x224x224xf32, #tpu.memory_space<hbm>> -> memref<1x1x56x224xf32, #tpu.memory_space<hbm>>
    %dma_wait3A_2198 = tpu.memref_squeeze %dma_wait3A_2197 : memref<1x1x56x224xf32, #tpu.memory_space<hbm>> -> memref<56x224xf32, #tpu.memory_space<hbm>>
    tpu.wait_dma2 semaphore(%dma_wait3A_2191 : memref<!tpu.dma_semaphore, #tpu.memory_space<semaphore_mem>>) src(%dma_wait3A_2198 : memref<56x224xf32, #tpu.memory_space<hbm>>) dst(%dma_wait3A_2195 : memref<56x224xf32, #tpu.memory_space<vmem>>)
    %mul3A_2199 = arith.constant 6 : i32
    %mul3A_2200 = arith.muli %add3A, %mul3A_2199 : i32
    %add3A_2201 = arith.constant 4 : i32
    %add3A_2202 = arith.addi %mul3A_2200, %add3A_2201 : i32
    %jit3A_2203 = arith.constant 4 : i32
    %div3A_2204 = arith.divsi %add3A_2202, %jit3A_2203 : i32
    %sign3A_2205 = arith.constant 0 : i32
    %sign3A_2206 = arith.cmpi sgt, %add3A_2202, %sign3A_2205 : i32
    %sign3A_2207 = arith.extui %sign3A_2206 : i1 to i32
    %sign3A_2208 = arith.constant 0 : i32
    %sign3A_2209 = arith.cmpi slt, %add3A_2202, %sign3A_2208 : i32
    %sign3A_2210 = arith.extui %sign3A_2209 : i1 to i32
    %sign3A_2211 = arith.subi %sign3A_2207, %sign3A_2210 : i32
    %sign3A_2212 = arith.constant 0 : i32
    %sign3A_2213 = arith.cmpi sgt, %jit3A_2203, %sign3A_2212 : i32
    %sign3A_2214 = arith.extui %sign3A_2213 : i1 to i32
    %sign3A_2215 = arith.constant 0 : i32
    %sign3A_2216 = arith.cmpi slt, %jit3A_2203, %sign3A_2215 : i32
    %sign3A_2217 = arith.extui %sign3A_2216 : i1 to i32
    %sign3A_2218 = arith.subi %sign3A_2214, %sign3A_2217 : i32
    %ne3A_2219 = arith.cmpi ne, %sign3A_2211, %sign3A_2218 : i32
    %rem3A_2220 = arith.remsi %add3A_2202, %jit3A_2203 : i32
    %ne3A_2221 = arith.constant 0 : i32
    %ne3A_2222 = arith.cmpi ne, %rem3A_2220, %ne3A_2221 : i32
    %and3A_2223 = arith.andi %ne3A_2219, %ne3A_2222 : i1
    %sub3A_2224 = arith.constant 1 : i32
    %sub3A_2225 = arith.subi %div3A_2204, %sub3A_2224 : i32
    %select_n3A_2226 = arith.select %and3A_2223, %sub3A_2225, %div3A_2204 : i32
    %jit3A_2227 = arith.constant 4 : i32
    %eq3A_2228 = arith.constant 0 : i32
    %eq3A_2229 = arith.cmpi eq, %jit3A_2227, %eq3A_2228 : i32
    %jit3A_2230 = arith.constant 1 : i32
    %select_n3A_2231 = arith.select %eq3A_2229, %jit3A_2230, %jit3A_2227 : i32
    %rem3A_2232 = arith.remsi %add3A_2202, %select_n3A_2231 : i32
    %ne3A_2233 = arith.constant 0 : i32
    %ne3A_2234 = arith.cmpi ne, %rem3A_2232, %ne3A_2233 : i32
    %lt3A_2235 = arith.constant 0 : i32
    %lt3A_2236 = arith.cmpi slt, %rem3A_2232, %lt3A_2235 : i32
    %lt3A_2237 = arith.constant 0 : i32
    %lt3A_2238 = arith.cmpi slt, %select_n3A_2231, %lt3A_2237 : i32
    %ne3A_2239 = arith.xori %lt3A_2236, %lt3A_2238 : i1
    %and3A_2240 = arith.andi %ne3A_2239, %ne3A_2234 : i1
    %add3A_2241 = arith.addi %rem3A_2232, %select_n3A_2231 : i32
    %select_n3A_2242 = arith.select %and3A_2240, %add3A_2241, %rem3A_2232 : i32
    %jit3A_2243 = arith.constant 16 : i32
    %div3A_2244 = arith.divsi %select_n3A_2226, %jit3A_2243 : i32
    %sign3A_2245 = arith.constant 0 : i32
    %sign3A_2246 = arith.cmpi sgt, %select_n3A_2226, %sign3A_2245 : i32
    %sign3A_2247 = arith.extui %sign3A_2246 : i1 to i32
    %sign3A_2248 = arith.constant 0 : i32
    %sign3A_2249 = arith.cmpi slt, %select_n3A_2226, %sign3A_2248 : i32
    %sign3A_2250 = arith.extui %sign3A_2249 : i1 to i32
    %sign3A_2251 = arith.subi %sign3A_2247, %sign3A_2250 : i32
    %sign3A_2252 = arith.constant 0 : i32
    %sign3A_2253 = arith.cmpi sgt, %jit3A_2243, %sign3A_2252 : i32
    %sign3A_2254 = arith.extui %sign3A_2253 : i1 to i32
    %sign3A_2255 = arith.constant 0 : i32
    %sign3A_2256 = arith.cmpi slt, %jit3A_2243, %sign3A_2255 : i32
    %sign3A_2257 = arith.extui %sign3A_2256 : i1 to i32
    %sign3A_2258 = arith.subi %sign3A_2254, %sign3A_2257 : i32
    %ne3A_2259 = arith.cmpi ne, %sign3A_2251, %sign3A_2258 : i32
    %rem3A_2260 = arith.remsi %select_n3A_2226, %jit3A_2243 : i32
    %ne3A_2261 = arith.constant 0 : i32
    %ne3A_2262 = arith.cmpi ne, %rem3A_2260, %ne3A_2261 : i32
    %and3A_2263 = arith.andi %ne3A_2259, %ne3A_2262 : i1
    %sub3A_2264 = arith.constant 1 : i32
    %sub3A_2265 = arith.subi %div3A_2244, %sub3A_2264 : i32
    %select_n3A_2266 = arith.select %and3A_2263, %sub3A_2265, %div3A_2244 : i32
    %jit3A_2267 = arith.constant 16 : i32
    %eq3A_2268 = arith.constant 0 : i32
    %eq3A_2269 = arith.cmpi eq, %jit3A_2267, %eq3A_2268 : i32
    %jit3A_2270 = arith.constant 1 : i32
    %select_n3A_2271 = arith.select %eq3A_2269, %jit3A_2270, %jit3A_2267 : i32
    %rem3A_2272 = arith.remsi %select_n3A_2226, %select_n3A_2271 : i32
    %ne3A_2273 = arith.constant 0 : i32
    %ne3A_2274 = arith.cmpi ne, %rem3A_2272, %ne3A_2273 : i32
    %lt3A_2275 = arith.constant 0 : i32
    %lt3A_2276 = arith.cmpi slt, %rem3A_2272, %lt3A_2275 : i32
    %lt3A_2277 = arith.constant 0 : i32
    %lt3A_2278 = arith.cmpi slt, %select_n3A_2271, %lt3A_2277 : i32
    %ne3A_2279 = arith.xori %lt3A_2276, %lt3A_2278 : i1
    %and3A_2280 = arith.andi %ne3A_2279, %ne3A_2274 : i1
    %add3A_2281 = arith.addi %rem3A_2272, %select_n3A_2271 : i32
    %select_n3A_2282 = arith.select %and3A_2280, %add3A_2281, %rem3A_2272 : i32
    %mul3A_2283 = arith.constant 63 : i32
    %mul3A_2284 = arith.muli %select_n3A_2282, %mul3A_2283 : i32
    %jit3A_2285 = arith.constant 15 : i32
    %div3A_2286 = arith.divsi %mul3A_2284, %jit3A_2285 : i32
    %sign3A_2287 = arith.constant 0 : i32
    %sign3A_2288 = arith.cmpi sgt, %mul3A_2284, %sign3A_2287 : i32
    %sign3A_2289 = arith.extui %sign3A_2288 : i1 to i32
    %sign3A_2290 = arith.constant 0 : i32
    %sign3A_2291 = arith.cmpi slt, %mul3A_2284, %sign3A_2290 : i32
    %sign3A_2292 = arith.extui %sign3A_2291 : i1 to i32
    %sign3A_2293 = arith.subi %sign3A_2289, %sign3A_2292 : i32
    %sign3A_2294 = arith.constant 0 : i32
    %sign3A_2295 = arith.cmpi sgt, %jit3A_2285, %sign3A_2294 : i32
    %sign3A_2296 = arith.extui %sign3A_2295 : i1 to i32
    %sign3A_2297 = arith.constant 0 : i32
    %sign3A_2298 = arith.cmpi slt, %jit3A_2285, %sign3A_2297 : i32
    %sign3A_2299 = arith.extui %sign3A_2298 : i1 to i32
    %sign3A_2300 = arith.subi %sign3A_2296, %sign3A_2299 : i32
    %ne3A_2301 = arith.cmpi ne, %sign3A_2293, %sign3A_2300 : i32
    %rem3A_2302 = arith.remsi %mul3A_2284, %jit3A_2285 : i32
    %ne3A_2303 = arith.constant 0 : i32
    %ne3A_2304 = arith.cmpi ne, %rem3A_2302, %ne3A_2303 : i32
    %and3A_2305 = arith.andi %ne3A_2301, %ne3A_2304 : i1
    %sub3A_2306 = arith.constant 1 : i32
    %sub3A_2307 = arith.subi %div3A_2286, %sub3A_2306 : i32
    %select_n3A_2308 = arith.select %and3A_2305, %sub3A_2307, %div3A_2286 : i32
    %mul3A_2309 = arith.constant 56 : i32
    %mul3A_2310 = arith.muli %select_n3A_2242, %mul3A_2309 : i32
    %dma_start3A_2311 = arith.constant 0 : i32
    %dma_start3A_2312 = arith.constant 0 : i32
    %dma_start3A_2313 = arith.constant 0 : i32
    %dma_start3A_2314 = arith.constant 0 : i32
    %dma_start3A_2315 = tpu.memref_slice %arg4[%dma_start3A_2311, %dma_start3A_2313, %dma_start3A_2314] : memref<4x56x224xf32, #tpu.memory_space<vmem>> -> memref<1x56x224xf32, #tpu.memory_space<vmem>>
    %dma_start3A_2316 = tpu.memref_squeeze %dma_start3A_2315 : memref<1x56x224xf32, #tpu.memory_space<vmem>> -> memref<56x224xf32, #tpu.memory_space<vmem>>
    %dma_start3A_2317 = arith.constant 0 : i32
    %dma_start3A_2318 = tpu.memref_slice %arg3[%select_n3A_2266, %select_n3A_2282, %mul3A_2310, %dma_start3A_2317] : memref<3x16x224x224xf32, #tpu.memory_space<hbm>> -> memref<1x1x56x224xf32, #tpu.memory_space<hbm>>
    %dma_start3A_2319 = tpu.memref_squeeze %dma_start3A_2318 : memref<1x1x56x224xf32, #tpu.memory_space<hbm>> -> memref<56x224xf32, #tpu.memory_space<hbm>>
    %dma_start3A_2320 = tpu.memref_slice %arg6[%dma_start3A_2312] : memref<4x!tpu.dma_semaphore, #tpu.memory_space<semaphore_mem>> -> memref<1x!tpu.dma_semaphore, #tpu.memory_space<semaphore_mem>>
    %dma_start3A_2321 = tpu.memref_squeeze %dma_start3A_2320 : memref<1x!tpu.dma_semaphore, #tpu.memory_space<semaphore_mem>> -> memref<!tpu.dma_semaphore, #tpu.memory_space<semaphore_mem>>
    %dma_start3A_2322 = arith.constant 0 : i32
    %dma_start3A_2323 = tpu.memref_slice %arg3[%select_n3A_2266, %select_n3A_2282, %mul3A_2310, %dma_start3A_2322] : memref<3x16x224x224xf32, #tpu.memory_space<hbm>> -> memref<1x1x56x224xf32, #tpu.memory_space<hbm>>
    %dma_start3A_2324 = tpu.memref_squeeze %dma_start3A_2323 : memref<1x1x56x224xf32, #tpu.memory_space<hbm>> -> memref<56x224xf32, #tpu.memory_space<hbm>>
    %dma_start3A_2325 = arith.constant 0 : i32
    %dma_start3A_2326 = arith.constant 0 : i32
    %dma_start3A_2327 = tpu.memref_slice %arg4[%dma_start3A_2311, %dma_start3A_2325, %dma_start3A_2326] : memref<4x56x224xf32, #tpu.memory_space<vmem>> -> memref<1x56x224xf32, #tpu.memory_space<vmem>>
    %dma_start3A_2328 = tpu.memref_squeeze %dma_start3A_2327 : memref<1x56x224xf32, #tpu.memory_space<vmem>> -> memref<56x224xf32, #tpu.memory_space<vmem>>
    tpu.enqueue_dma source(%dma_start3A_2328 : memref<56x224xf32, #tpu.memory_space<vmem>>) target(%dma_start3A_2324 : memref<56x224xf32, #tpu.memory_space<hbm>>) target_semaphore(%dma_start3A_2321 : memref<!tpu.dma_semaphore, #tpu.memory_space<semaphore_mem>>)
    %mul3A_2329 = arith.constant 6 : i32
    %mul3A_2330 = arith.muli %add3A, %mul3A_2329 : i32
    %add3A_2331 = arith.constant 5 : i32
    %add3A_2332 = arith.addi %mul3A_2330, %add3A_2331 : i32
    %jit3A_2333 = arith.constant 4 : i32
    %div3A_2334 = arith.divsi %add3A_2332, %jit3A_2333 : i32
    %sign3A_2335 = arith.constant 0 : i32
    %sign3A_2336 = arith.cmpi sgt, %add3A_2332, %sign3A_2335 : i32
    %sign3A_2337 = arith.extui %sign3A_2336 : i1 to i32
    %sign3A_2338 = arith.constant 0 : i32
    %sign3A_2339 = arith.cmpi slt, %add3A_2332, %sign3A_2338 : i32
    %sign3A_2340 = arith.extui %sign3A_2339 : i1 to i32
    %sign3A_2341 = arith.subi %sign3A_2337, %sign3A_2340 : i32
    %sign3A_2342 = arith.constant 0 : i32
    %sign3A_2343 = arith.cmpi sgt, %jit3A_2333, %sign3A_2342 : i32
    %sign3A_2344 = arith.extui %sign3A_2343 : i1 to i32
    %sign3A_2345 = arith.constant 0 : i32
    %sign3A_2346 = arith.cmpi slt, %jit3A_2333, %sign3A_2345 : i32
    %sign3A_2347 = arith.extui %sign3A_2346 : i1 to i32
    %sign3A_2348 = arith.subi %sign3A_2344, %sign3A_2347 : i32
    %ne3A_2349 = arith.cmpi ne, %sign3A_2341, %sign3A_2348 : i32
    %rem3A_2350 = arith.remsi %add3A_2332, %jit3A_2333 : i32
    %ne3A_2351 = arith.constant 0 : i32
    %ne3A_2352 = arith.cmpi ne, %rem3A_2350, %ne3A_2351 : i32
    %and3A_2353 = arith.andi %ne3A_2349, %ne3A_2352 : i1
    %sub3A_2354 = arith.constant 1 : i32
    %sub3A_2355 = arith.subi %div3A_2334, %sub3A_2354 : i32
    %select_n3A_2356 = arith.select %and3A_2353, %sub3A_2355, %div3A_2334 : i32
    %jit3A_2357 = arith.constant 4 : i32
    %eq3A_2358 = arith.constant 0 : i32
    %eq3A_2359 = arith.cmpi eq, %jit3A_2357, %eq3A_2358 : i32
    %jit3A_2360 = arith.constant 1 : i32
    %select_n3A_2361 = arith.select %eq3A_2359, %jit3A_2360, %jit3A_2357 : i32
    %rem3A_2362 = arith.remsi %add3A_2332, %select_n3A_2361 : i32
    %ne3A_2363 = arith.constant 0 : i32
    %ne3A_2364 = arith.cmpi ne, %rem3A_2362, %ne3A_2363 : i32
    %lt3A_2365 = arith.constant 0 : i32
    %lt3A_2366 = arith.cmpi slt, %rem3A_2362, %lt3A_2365 : i32
    %lt3A_2367 = arith.constant 0 : i32
    %lt3A_2368 = arith.cmpi slt, %select_n3A_2361, %lt3A_2367 : i32
    %ne3A_2369 = arith.xori %lt3A_2366, %lt3A_2368 : i1
    %and3A_2370 = arith.andi %ne3A_2369, %ne3A_2364 : i1
    %add3A_2371 = arith.addi %rem3A_2362, %select_n3A_2361 : i32
    %select_n3A_2372 = arith.select %and3A_2370, %add3A_2371, %rem3A_2362 : i32
    %jit3A_2373 = arith.constant 16 : i32
    %div3A_2374 = arith.divsi %select_n3A_2356, %jit3A_2373 : i32
    %sign3A_2375 = arith.constant 0 : i32
    %sign3A_2376 = arith.cmpi sgt, %select_n3A_2356, %sign3A_2375 : i32
    %sign3A_2377 = arith.extui %sign3A_2376 : i1 to i32
    %sign3A_2378 = arith.constant 0 : i32
    %sign3A_2379 = arith.cmpi slt, %select_n3A_2356, %sign3A_2378 : i32
    %sign3A_2380 = arith.extui %sign3A_2379 : i1 to i32
    %sign3A_2381 = arith.subi %sign3A_2377, %sign3A_2380 : i32
    %sign3A_2382 = arith.constant 0 : i32
    %sign3A_2383 = arith.cmpi sgt, %jit3A_2373, %sign3A_2382 : i32
    %sign3A_2384 = arith.extui %sign3A_2383 : i1 to i32
    %sign3A_2385 = arith.constant 0 : i32
    %sign3A_2386 = arith.cmpi slt, %jit3A_2373, %sign3A_2385 : i32
    %sign3A_2387 = arith.extui %sign3A_2386 : i1 to i32
    %sign3A_2388 = arith.subi %sign3A_2384, %sign3A_2387 : i32
    %ne3A_2389 = arith.cmpi ne, %sign3A_2381, %sign3A_2388 : i32
    %rem3A_2390 = arith.remsi %select_n3A_2356, %jit3A_2373 : i32
    %ne3A_2391 = arith.constant 0 : i32
    %ne3A_2392 = arith.cmpi ne, %rem3A_2390, %ne3A_2391 : i32
    %and3A_2393 = arith.andi %ne3A_2389, %ne3A_2392 : i1
    %sub3A_2394 = arith.constant 1 : i32
    %sub3A_2395 = arith.subi %div3A_2374, %sub3A_2394 : i32
    %select_n3A_2396 = arith.select %and3A_2393, %sub3A_2395, %div3A_2374 : i32
    %jit3A_2397 = arith.constant 16 : i32
    %eq3A_2398 = arith.constant 0 : i32
    %eq3A_2399 = arith.cmpi eq, %jit3A_2397, %eq3A_2398 : i32
    %jit3A_2400 = arith.constant 1 : i32
    %select_n3A_2401 = arith.select %eq3A_2399, %jit3A_2400, %jit3A_2397 : i32
    %rem3A_2402 = arith.remsi %select_n3A_2356, %select_n3A_2401 : i32
    %ne3A_2403 = arith.constant 0 : i32
    %ne3A_2404 = arith.cmpi ne, %rem3A_2402, %ne3A_2403 : i32
    %lt3A_2405 = arith.constant 0 : i32
    %lt3A_2406 = arith.cmpi slt, %rem3A_2402, %lt3A_2405 : i32
    %lt3A_2407 = arith.constant 0 : i32
    %lt3A_2408 = arith.cmpi slt, %select_n3A_2401, %lt3A_2407 : i32
    %ne3A_2409 = arith.xori %lt3A_2406, %lt3A_2408 : i1
    %and3A_2410 = arith.andi %ne3A_2409, %ne3A_2404 : i1
    %add3A_2411 = arith.addi %rem3A_2402, %select_n3A_2401 : i32
    %select_n3A_2412 = arith.select %and3A_2410, %add3A_2411, %rem3A_2402 : i32
    %mul3A_2413 = arith.constant 63 : i32
    %mul3A_2414 = arith.muli %select_n3A_2412, %mul3A_2413 : i32
    %jit3A_2415 = arith.constant 15 : i32
    %div3A_2416 = arith.divsi %mul3A_2414, %jit3A_2415 : i32
    %sign3A_2417 = arith.constant 0 : i32
    %sign3A_2418 = arith.cmpi sgt, %mul3A_2414, %sign3A_2417 : i32
    %sign3A_2419 = arith.extui %sign3A_2418 : i1 to i32
    %sign3A_2420 = arith.constant 0 : i32
    %sign3A_2421 = arith.cmpi slt, %mul3A_2414, %sign3A_2420 : i32
    %sign3A_2422 = arith.extui %sign3A_2421 : i1 to i32
    %sign3A_2423 = arith.subi %sign3A_2419, %sign3A_2422 : i32
    %sign3A_2424 = arith.constant 0 : i32
    %sign3A_2425 = arith.cmpi sgt, %jit3A_2415, %sign3A_2424 : i32
    %sign3A_2426 = arith.extui %sign3A_2425 : i1 to i32
    %sign3A_2427 = arith.constant 0 : i32
    %sign3A_2428 = arith.cmpi slt, %jit3A_2415, %sign3A_2427 : i32
    %sign3A_2429 = arith.extui %sign3A_2428 : i1 to i32
    %sign3A_2430 = arith.subi %sign3A_2426, %sign3A_2429 : i32
    %ne3A_2431 = arith.cmpi ne, %sign3A_2423, %sign3A_2430 : i32
    %rem3A_2432 = arith.remsi %mul3A_2414, %jit3A_2415 : i32
    %ne3A_2433 = arith.constant 0 : i32
    %ne3A_2434 = arith.cmpi ne, %rem3A_2432, %ne3A_2433 : i32
    %and3A_2435 = arith.andi %ne3A_2431, %ne3A_2434 : i1
    %sub3A_2436 = arith.constant 1 : i32
    %sub3A_2437 = arith.subi %div3A_2416, %sub3A_2436 : i32
    %select_n3A_2438 = arith.select %and3A_2435, %sub3A_2437, %div3A_2416 : i32
    %mul3A_2439 = arith.constant 56 : i32
    %mul3A_2440 = arith.muli %select_n3A_2372, %mul3A_2439 : i32
    %dma_wait3A_2441 = arith.constant 1 : i32
    %dma_wait3A_2442 = arith.constant 1 : i32
    %dma_wait3A_2443 = arith.constant 0 : i32
    %dma_wait3A_2444 = arith.constant 0 : i32
    %dma_wait3A_2445 = tpu.memref_slice %arg4[%dma_wait3A_2441, %dma_wait3A_2443, %dma_wait3A_2444] : memref<4x56x224xf32, #tpu.memory_space<vmem>> -> memref<1x56x224xf32, #tpu.memory_space<vmem>>
    %dma_wait3A_2446 = tpu.memref_squeeze %dma_wait3A_2445 : memref<1x56x224xf32, #tpu.memory_space<vmem>> -> memref<56x224xf32, #tpu.memory_space<vmem>>
    %dma_wait3A_2447 = arith.constant 0 : i32
    %dma_wait3A_2448 = tpu.memref_slice %arg2[%select_n3A_2396, %select_n3A_2438, %mul3A_2440, %dma_wait3A_2447] : memref<3x64x224x224xf32, #tpu.memory_space<hbm>> -> memref<1x1x56x224xf32, #tpu.memory_space<hbm>>
    %dma_wait3A_2449 = tpu.memref_squeeze %dma_wait3A_2448 : memref<1x1x56x224xf32, #tpu.memory_space<hbm>> -> memref<56x224xf32, #tpu.memory_space<hbm>>
    %dma_wait3A_2450 = tpu.memref_slice %arg5[%dma_wait3A_2442] : memref<4x!tpu.dma_semaphore, #tpu.memory_space<semaphore_mem>> -> memref<1x!tpu.dma_semaphore, #tpu.memory_space<semaphore_mem>>
    %dma_wait3A_2451 = tpu.memref_squeeze %dma_wait3A_2450 : memref<1x!tpu.dma_semaphore, #tpu.memory_space<semaphore_mem>> -> memref<!tpu.dma_semaphore, #tpu.memory_space<semaphore_mem>>
    %dma_wait3A_2452 = arith.constant 0 : i32
    %dma_wait3A_2453 = arith.constant 0 : i32
    %dma_wait3A_2454 = tpu.memref_slice %arg4[%dma_wait3A_2441, %dma_wait3A_2452, %dma_wait3A_2453] : memref<4x56x224xf32, #tpu.memory_space<vmem>> -> memref<1x56x224xf32, #tpu.memory_space<vmem>>
    %dma_wait3A_2455 = tpu.memref_squeeze %dma_wait3A_2454 : memref<1x56x224xf32, #tpu.memory_space<vmem>> -> memref<56x224xf32, #tpu.memory_space<vmem>>
    %dma_wait3A_2456 = arith.constant 0 : i32
    %dma_wait3A_2457 = tpu.memref_slice %arg2[%select_n3A_2396, %select_n3A_2438, %mul3A_2440, %dma_wait3A_2456] : memref<3x64x224x224xf32, #tpu.memory_space<hbm>> -> memref<1x1x56x224xf32, #tpu.memory_space<hbm>>
    %dma_wait3A_2458 = tpu.memref_squeeze %dma_wait3A_2457 : memref<1x1x56x224xf32, #tpu.memory_space<hbm>> -> memref<56x224xf32, #tpu.memory_space<hbm>>
    tpu.wait_dma2 semaphore(%dma_wait3A_2451 : memref<!tpu.dma_semaphore, #tpu.memory_space<semaphore_mem>>) src(%dma_wait3A_2458 : memref<56x224xf32, #tpu.memory_space<hbm>>) dst(%dma_wait3A_2455 : memref<56x224xf32, #tpu.memory_space<vmem>>)
    %mul3A_2459 = arith.constant 6 : i32
    %mul3A_2460 = arith.muli %add3A, %mul3A_2459 : i32
    %add3A_2461 = arith.constant 5 : i32
    %add3A_2462 = arith.addi %mul3A_2460, %add3A_2461 : i32
    %jit3A_2463 = arith.constant 4 : i32
    %div3A_2464 = arith.divsi %add3A_2462, %jit3A_2463 : i32
    %sign3A_2465 = arith.constant 0 : i32
    %sign3A_2466 = arith.cmpi sgt, %add3A_2462, %sign3A_2465 : i32
    %sign3A_2467 = arith.extui %sign3A_2466 : i1 to i32
    %sign3A_2468 = arith.constant 0 : i32
    %sign3A_2469 = arith.cmpi slt, %add3A_2462, %sign3A_2468 : i32
    %sign3A_2470 = arith.extui %sign3A_2469 : i1 to i32
    %sign3A_2471 = arith.subi %sign3A_2467, %sign3A_2470 : i32
    %sign3A_2472 = arith.constant 0 : i32
    %sign3A_2473 = arith.cmpi sgt, %jit3A_2463, %sign3A_2472 : i32
    %sign3A_2474 = arith.extui %sign3A_2473 : i1 to i32
    %sign3A_2475 = arith.constant 0 : i32
    %sign3A_2476 = arith.cmpi slt, %jit3A_2463, %sign3A_2475 : i32
    %sign3A_2477 = arith.extui %sign3A_2476 : i1 to i32
    %sign3A_2478 = arith.subi %sign3A_2474, %sign3A_2477 : i32
    %ne3A_2479 = arith.cmpi ne, %sign3A_2471, %sign3A_2478 : i32
    %rem3A_2480 = arith.remsi %add3A_2462, %jit3A_2463 : i32
    %ne3A_2481 = arith.constant 0 : i32
    %ne3A_2482 = arith.cmpi ne, %rem3A_2480, %ne3A_2481 : i32
    %and3A_2483 = arith.andi %ne3A_2479, %ne3A_2482 : i1
    %sub3A_2484 = arith.constant 1 : i32
    %sub3A_2485 = arith.subi %div3A_2464, %sub3A_2484 : i32
    %select_n3A_2486 = arith.select %and3A_2483, %sub3A_2485, %div3A_2464 : i32
    %jit3A_2487 = arith.constant 4 : i32
    %eq3A_2488 = arith.constant 0 : i32
    %eq3A_2489 = arith.cmpi eq, %jit3A_2487, %eq3A_2488 : i32
    %jit3A_2490 = arith.constant 1 : i32
    %select_n3A_2491 = arith.select %eq3A_2489, %jit3A_2490, %jit3A_2487 : i32
    %rem3A_2492 = arith.remsi %add3A_2462, %select_n3A_2491 : i32
    %ne3A_2493 = arith.constant 0 : i32
    %ne3A_2494 = arith.cmpi ne, %rem3A_2492, %ne3A_2493 : i32
    %lt3A_2495 = arith.constant 0 : i32
    %lt3A_2496 = arith.cmpi slt, %rem3A_2492, %lt3A_2495 : i32
    %lt3A_2497 = arith.constant 0 : i32
    %lt3A_2498 = arith.cmpi slt, %select_n3A_2491, %lt3A_2497 : i32
    %ne3A_2499 = arith.xori %lt3A_2496, %lt3A_2498 : i1
    %and3A_2500 = arith.andi %ne3A_2499, %ne3A_2494 : i1
    %add3A_2501 = arith.addi %rem3A_2492, %select_n3A_2491 : i32
    %select_n3A_2502 = arith.select %and3A_2500, %add3A_2501, %rem3A_2492 : i32
    %jit3A_2503 = arith.constant 16 : i32
    %div3A_2504 = arith.divsi %select_n3A_2486, %jit3A_2503 : i32
    %sign3A_2505 = arith.constant 0 : i32
    %sign3A_2506 = arith.cmpi sgt, %select_n3A_2486, %sign3A_2505 : i32
    %sign3A_2507 = arith.extui %sign3A_2506 : i1 to i32
    %sign3A_2508 = arith.constant 0 : i32
    %sign3A_2509 = arith.cmpi slt, %select_n3A_2486, %sign3A_2508 : i32
    %sign3A_2510 = arith.extui %sign3A_2509 : i1 to i32
    %sign3A_2511 = arith.subi %sign3A_2507, %sign3A_2510 : i32
    %sign3A_2512 = arith.constant 0 : i32
    %sign3A_2513 = arith.cmpi sgt, %jit3A_2503, %sign3A_2512 : i32
    %sign3A_2514 = arith.extui %sign3A_2513 : i1 to i32
    %sign3A_2515 = arith.constant 0 : i32
    %sign3A_2516 = arith.cmpi slt, %jit3A_2503, %sign3A_2515 : i32
    %sign3A_2517 = arith.extui %sign3A_2516 : i1 to i32
    %sign3A_2518 = arith.subi %sign3A_2514, %sign3A_2517 : i32
    %ne3A_2519 = arith.cmpi ne, %sign3A_2511, %sign3A_2518 : i32
    %rem3A_2520 = arith.remsi %select_n3A_2486, %jit3A_2503 : i32
    %ne3A_2521 = arith.constant 0 : i32
    %ne3A_2522 = arith.cmpi ne, %rem3A_2520, %ne3A_2521 : i32
    %and3A_2523 = arith.andi %ne3A_2519, %ne3A_2522 : i1
    %sub3A_2524 = arith.constant 1 : i32
    %sub3A_2525 = arith.subi %div3A_2504, %sub3A_2524 : i32
    %select_n3A_2526 = arith.select %and3A_2523, %sub3A_2525, %div3A_2504 : i32
    %jit3A_2527 = arith.constant 16 : i32
    %eq3A_2528 = arith.constant 0 : i32
    %eq3A_2529 = arith.cmpi eq, %jit3A_2527, %eq3A_2528 : i32
    %jit3A_2530 = arith.constant 1 : i32
    %select_n3A_2531 = arith.select %eq3A_2529, %jit3A_2530, %jit3A_2527 : i32
    %rem3A_2532 = arith.remsi %select_n3A_2486, %select_n3A_2531 : i32
    %ne3A_2533 = arith.constant 0 : i32
    %ne3A_2534 = arith.cmpi ne, %rem3A_2532, %ne3A_2533 : i32
    %lt3A_2535 = arith.constant 0 : i32
    %lt3A_2536 = arith.cmpi slt, %rem3A_2532, %lt3A_2535 : i32
    %lt3A_2537 = arith.constant 0 : i32
    %lt3A_2538 = arith.cmpi slt, %select_n3A_2531, %lt3A_2537 : i32
    %ne3A_2539 = arith.xori %lt3A_2536, %lt3A_2538 : i1
    %and3A_2540 = arith.andi %ne3A_2539, %ne3A_2534 : i1
    %add3A_2541 = arith.addi %rem3A_2532, %select_n3A_2531 : i32
    %select_n3A_2542 = arith.select %and3A_2540, %add3A_2541, %rem3A_2532 : i32
    %mul3A_2543 = arith.constant 63 : i32
    %mul3A_2544 = arith.muli %select_n3A_2542, %mul3A_2543 : i32
    %jit3A_2545 = arith.constant 15 : i32
    %div3A_2546 = arith.divsi %mul3A_2544, %jit3A_2545 : i32
    %sign3A_2547 = arith.constant 0 : i32
    %sign3A_2548 = arith.cmpi sgt, %mul3A_2544, %sign3A_2547 : i32
    %sign3A_2549 = arith.extui %sign3A_2548 : i1 to i32
    %sign3A_2550 = arith.constant 0 : i32
    %sign3A_2551 = arith.cmpi slt, %mul3A_2544, %sign3A_2550 : i32
    %sign3A_2552 = arith.extui %sign3A_2551 : i1 to i32
    %sign3A_2553 = arith.subi %sign3A_2549, %sign3A_2552 : i32
    %sign3A_2554 = arith.constant 0 : i32
    %sign3A_2555 = arith.cmpi sgt, %jit3A_2545, %sign3A_2554 : i32
    %sign3A_2556 = arith.extui %sign3A_2555 : i1 to i32
    %sign3A_2557 = arith.constant 0 : i32
    %sign3A_2558 = arith.cmpi slt, %jit3A_2545, %sign3A_2557 : i32
    %sign3A_2559 = arith.extui %sign3A_2558 : i1 to i32
    %sign3A_2560 = arith.subi %sign3A_2556, %sign3A_2559 : i32
    %ne3A_2561 = arith.cmpi ne, %sign3A_2553, %sign3A_2560 : i32
    %rem3A_2562 = arith.remsi %mul3A_2544, %jit3A_2545 : i32
    %ne3A_2563 = arith.constant 0 : i32
    %ne3A_2564 = arith.cmpi ne, %rem3A_2562, %ne3A_2563 : i32
    %and3A_2565 = arith.andi %ne3A_2561, %ne3A_2564 : i1
    %sub3A_2566 = arith.constant 1 : i32
    %sub3A_2567 = arith.subi %div3A_2546, %sub3A_2566 : i32
    %select_n3A_2568 = arith.select %and3A_2565, %sub3A_2567, %div3A_2546 : i32
    %mul3A_2569 = arith.constant 56 : i32
    %mul3A_2570 = arith.muli %select_n3A_2502, %mul3A_2569 : i32
    %dma_start3A_2571 = arith.constant 1 : i32
    %dma_start3A_2572 = arith.constant 1 : i32
    %dma_start3A_2573 = arith.constant 0 : i32
    %dma_start3A_2574 = arith.constant 0 : i32
    %dma_start3A_2575 = tpu.memref_slice %arg4[%dma_start3A_2571, %dma_start3A_2573, %dma_start3A_2574] : memref<4x56x224xf32, #tpu.memory_space<vmem>> -> memref<1x56x224xf32, #tpu.memory_space<vmem>>
    %dma_start3A_2576 = tpu.memref_squeeze %dma_start3A_2575 : memref<1x56x224xf32, #tpu.memory_space<vmem>> -> memref<56x224xf32, #tpu.memory_space<vmem>>
    %dma_start3A_2577 = arith.constant 0 : i32
    %dma_start3A_2578 = tpu.memref_slice %arg3[%select_n3A_2526, %select_n3A_2542, %mul3A_2570, %dma_start3A_2577] : memref<3x16x224x224xf32, #tpu.memory_space<hbm>> -> memref<1x1x56x224xf32, #tpu.memory_space<hbm>>
    %dma_start3A_2579 = tpu.memref_squeeze %dma_start3A_2578 : memref<1x1x56x224xf32, #tpu.memory_space<hbm>> -> memref<56x224xf32, #tpu.memory_space<hbm>>
    %dma_start3A_2580 = tpu.memref_slice %arg6[%dma_start3A_2572] : memref<4x!tpu.dma_semaphore, #tpu.memory_space<semaphore_mem>> -> memref<1x!tpu.dma_semaphore, #tpu.memory_space<semaphore_mem>>
    %dma_start3A_2581 = tpu.memref_squeeze %dma_start3A_2580 : memref<1x!tpu.dma_semaphore, #tpu.memory_space<semaphore_mem>> -> memref<!tpu.dma_semaphore, #tpu.memory_space<semaphore_mem>>
    %dma_start3A_2582 = arith.constant 0 : i32
    %dma_start3A_2583 = tpu.memref_slice %arg3[%select_n3A_2526, %select_n3A_2542, %mul3A_2570, %dma_start3A_2582] : memref<3x16x224x224xf32, #tpu.memory_space<hbm>> -> memref<1x1x56x224xf32, #tpu.memory_space<hbm>>
    %dma_start3A_2584 = tpu.memref_squeeze %dma_start3A_2583 : memref<1x1x56x224xf32, #tpu.memory_space<hbm>> -> memref<56x224xf32, #tpu.memory_space<hbm>>
    %dma_start3A_2585 = arith.constant 0 : i32
    %dma_start3A_2586 = arith.constant 0 : i32
    %dma_start3A_2587 = tpu.memref_slice %arg4[%dma_start3A_2571, %dma_start3A_2585, %dma_start3A_2586] : memref<4x56x224xf32, #tpu.memory_space<vmem>> -> memref<1x56x224xf32, #tpu.memory_space<vmem>>
    %dma_start3A_2588 = tpu.memref_squeeze %dma_start3A_2587 : memref<1x56x224xf32, #tpu.memory_space<vmem>> -> memref<56x224xf32, #tpu.memory_space<vmem>>
    tpu.enqueue_dma source(%dma_start3A_2588 : memref<56x224xf32, #tpu.memory_space<vmem>>) target(%dma_start3A_2584 : memref<56x224xf32, #tpu.memory_space<hbm>>) target_semaphore(%dma_start3A_2581 : memref<!tpu.dma_semaphore, #tpu.memory_space<semaphore_mem>>)
    %mul3A_2589 = arith.constant 6 : i32
    %mul3A_2590 = arith.muli %add3A, %mul3A_2589 : i32
    %add3A_2591 = arith.constant 2 : i32
    %add3A_2592 = arith.addi %mul3A_2590, %add3A_2591 : i32
    %jit3A_2593 = arith.constant 4 : i32
    %div3A_2594 = arith.divsi %add3A_2592, %jit3A_2593 : i32
    %sign3A_2595 = arith.constant 0 : i32
    %sign3A_2596 = arith.cmpi sgt, %add3A_2592, %sign3A_2595 : i32
    %sign3A_2597 = arith.extui %sign3A_2596 : i1 to i32
    %sign3A_2598 = arith.constant 0 : i32
    %sign3A_2599 = arith.cmpi slt, %add3A_2592, %sign3A_2598 : i32
    %sign3A_2600 = arith.extui %sign3A_2599 : i1 to i32
    %sign3A_2601 = arith.subi %sign3A_2597, %sign3A_2600 : i32
    %sign3A_2602 = arith.constant 0 : i32
    %sign3A_2603 = arith.cmpi sgt, %jit3A_2593, %sign3A_2602 : i32
    %sign3A_2604 = arith.extui %sign3A_2603 : i1 to i32
    %sign3A_2605 = arith.constant 0 : i32
    %sign3A_2606 = arith.cmpi slt, %jit3A_2593, %sign3A_2605 : i32
    %sign3A_2607 = arith.extui %sign3A_2606 : i1 to i32
    %sign3A_2608 = arith.subi %sign3A_2604, %sign3A_2607 : i32
    %ne3A_2609 = arith.cmpi ne, %sign3A_2601, %sign3A_2608 : i32
    %rem3A_2610 = arith.remsi %add3A_2592, %jit3A_2593 : i32
    %ne3A_2611 = arith.constant 0 : i32
    %ne3A_2612 = arith.cmpi ne, %rem3A_2610, %ne3A_2611 : i32
    %and3A_2613 = arith.andi %ne3A_2609, %ne3A_2612 : i1
    %sub3A_2614 = arith.constant 1 : i32
    %sub3A_2615 = arith.subi %div3A_2594, %sub3A_2614 : i32
    %select_n3A_2616 = arith.select %and3A_2613, %sub3A_2615, %div3A_2594 : i32
    %jit3A_2617 = arith.constant 4 : i32
    %eq3A_2618 = arith.constant 0 : i32
    %eq3A_2619 = arith.cmpi eq, %jit3A_2617, %eq3A_2618 : i32
    %jit3A_2620 = arith.constant 1 : i32
    %select_n3A_2621 = arith.select %eq3A_2619, %jit3A_2620, %jit3A_2617 : i32
    %rem3A_2622 = arith.remsi %add3A_2592, %select_n3A_2621 : i32
    %ne3A_2623 = arith.constant 0 : i32
    %ne3A_2624 = arith.cmpi ne, %rem3A_2622, %ne3A_2623 : i32
    %lt3A_2625 = arith.constant 0 : i32
    %lt3A_2626 = arith.cmpi slt, %rem3A_2622, %lt3A_2625 : i32
    %lt3A_2627 = arith.constant 0 : i32
    %lt3A_2628 = arith.cmpi slt, %select_n3A_2621, %lt3A_2627 : i32
    %ne3A_2629 = arith.xori %lt3A_2626, %lt3A_2628 : i1
    %and3A_2630 = arith.andi %ne3A_2629, %ne3A_2624 : i1
    %add3A_2631 = arith.addi %rem3A_2622, %select_n3A_2621 : i32
    %select_n3A_2632 = arith.select %and3A_2630, %add3A_2631, %rem3A_2622 : i32
    %jit3A_2633 = arith.constant 16 : i32
    %div3A_2634 = arith.divsi %select_n3A_2616, %jit3A_2633 : i32
    %sign3A_2635 = arith.constant 0 : i32
    %sign3A_2636 = arith.cmpi sgt, %select_n3A_2616, %sign3A_2635 : i32
    %sign3A_2637 = arith.extui %sign3A_2636 : i1 to i32
    %sign3A_2638 = arith.constant 0 : i32
    %sign3A_2639 = arith.cmpi slt, %select_n3A_2616, %sign3A_2638 : i32
    %sign3A_2640 = arith.extui %sign3A_2639 : i1 to i32
    %sign3A_2641 = arith.subi %sign3A_2637, %sign3A_2640 : i32
    %sign3A_2642 = arith.constant 0 : i32
    %sign3A_2643 = arith.cmpi sgt, %jit3A_2633, %sign3A_2642 : i32
    %sign3A_2644 = arith.extui %sign3A_2643 : i1 to i32
    %sign3A_2645 = arith.constant 0 : i32
    %sign3A_2646 = arith.cmpi slt, %jit3A_2633, %sign3A_2645 : i32
    %sign3A_2647 = arith.extui %sign3A_2646 : i1 to i32
    %sign3A_2648 = arith.subi %sign3A_2644, %sign3A_2647 : i32
    %ne3A_2649 = arith.cmpi ne, %sign3A_2641, %sign3A_2648 : i32
    %rem3A_2650 = arith.remsi %select_n3A_2616, %jit3A_2633 : i32
    %ne3A_2651 = arith.constant 0 : i32
    %ne3A_2652 = arith.cmpi ne, %rem3A_2650, %ne3A_2651 : i32
    %and3A_2653 = arith.andi %ne3A_2649, %ne3A_2652 : i1
    %sub3A_2654 = arith.constant 1 : i32
    %sub3A_2655 = arith.subi %div3A_2634, %sub3A_2654 : i32
    %select_n3A_2656 = arith.select %and3A_2653, %sub3A_2655, %div3A_2634 : i32
    %jit3A_2657 = arith.constant 16 : i32
    %eq3A_2658 = arith.constant 0 : i32
    %eq3A_2659 = arith.cmpi eq, %jit3A_2657, %eq3A_2658 : i32
    %jit3A_2660 = arith.constant 1 : i32
    %select_n3A_2661 = arith.select %eq3A_2659, %jit3A_2660, %jit3A_2657 : i32
    %rem3A_2662 = arith.remsi %select_n3A_2616, %select_n3A_2661 : i32
    %ne3A_2663 = arith.constant 0 : i32
    %ne3A_2664 = arith.cmpi ne, %rem3A_2662, %ne3A_2663 : i32
    %lt3A_2665 = arith.constant 0 : i32
    %lt3A_2666 = arith.cmpi slt, %rem3A_2662, %lt3A_2665 : i32
    %lt3A_2667 = arith.constant 0 : i32
    %lt3A_2668 = arith.cmpi slt, %select_n3A_2661, %lt3A_2667 : i32
    %ne3A_2669 = arith.xori %lt3A_2666, %lt3A_2668 : i1
    %and3A_2670 = arith.andi %ne3A_2669, %ne3A_2664 : i1
    %add3A_2671 = arith.addi %rem3A_2662, %select_n3A_2661 : i32
    %select_n3A_2672 = arith.select %and3A_2670, %add3A_2671, %rem3A_2662 : i32
    %mul3A_2673 = arith.constant 63 : i32
    %mul3A_2674 = arith.muli %select_n3A_2672, %mul3A_2673 : i32
    %jit3A_2675 = arith.constant 15 : i32
    %div3A_2676 = arith.divsi %mul3A_2674, %jit3A_2675 : i32
    %sign3A_2677 = arith.constant 0 : i32
    %sign3A_2678 = arith.cmpi sgt, %mul3A_2674, %sign3A_2677 : i32
    %sign3A_2679 = arith.extui %sign3A_2678 : i1 to i32
    %sign3A_2680 = arith.constant 0 : i32
    %sign3A_2681 = arith.cmpi slt, %mul3A_2674, %sign3A_2680 : i32
    %sign3A_2682 = arith.extui %sign3A_2681 : i1 to i32
    %sign3A_2683 = arith.subi %sign3A_2679, %sign3A_2682 : i32
    %sign3A_2684 = arith.constant 0 : i32
    %sign3A_2685 = arith.cmpi sgt, %jit3A_2675, %sign3A_2684 : i32
    %sign3A_2686 = arith.extui %sign3A_2685 : i1 to i32
    %sign3A_2687 = arith.constant 0 : i32
    %sign3A_2688 = arith.cmpi slt, %jit3A_2675, %sign3A_2687 : i32
    %sign3A_2689 = arith.extui %sign3A_2688 : i1 to i32
    %sign3A_2690 = arith.subi %sign3A_2686, %sign3A_2689 : i32
    %ne3A_2691 = arith.cmpi ne, %sign3A_2683, %sign3A_2690 : i32
    %rem3A_2692 = arith.remsi %mul3A_2674, %jit3A_2675 : i32
    %ne3A_2693 = arith.constant 0 : i32
    %ne3A_2694 = arith.cmpi ne, %rem3A_2692, %ne3A_2693 : i32
    %and3A_2695 = arith.andi %ne3A_2691, %ne3A_2694 : i1
    %sub3A_2696 = arith.constant 1 : i32
    %sub3A_2697 = arith.subi %div3A_2676, %sub3A_2696 : i32
    %select_n3A_2698 = arith.select %and3A_2695, %sub3A_2697, %div3A_2676 : i32
    %mul3A_2699 = arith.constant 56 : i32
    %mul3A_2700 = arith.muli %select_n3A_2632, %mul3A_2699 : i32
    %dma_wait3A_2701 = arith.constant 2 : i32
    %dma_wait3A_2702 = arith.constant 2 : i32
    %dma_wait3A_2703 = arith.constant 0 : i32
    %dma_wait3A_2704 = arith.constant 0 : i32
    %dma_wait3A_2705 = tpu.memref_slice %arg4[%dma_wait3A_2701, %dma_wait3A_2703, %dma_wait3A_2704] : memref<4x56x224xf32, #tpu.memory_space<vmem>> -> memref<1x56x224xf32, #tpu.memory_space<vmem>>
    %dma_wait3A_2706 = tpu.memref_squeeze %dma_wait3A_2705 : memref<1x56x224xf32, #tpu.memory_space<vmem>> -> memref<56x224xf32, #tpu.memory_space<vmem>>
    %dma_wait3A_2707 = arith.constant 0 : i32
    %dma_wait3A_2708 = tpu.memref_slice %arg3[%select_n3A_2656, %select_n3A_2672, %mul3A_2700, %dma_wait3A_2707] : memref<3x16x224x224xf32, #tpu.memory_space<hbm>> -> memref<1x1x56x224xf32, #tpu.memory_space<hbm>>
    %dma_wait3A_2709 = tpu.memref_squeeze %dma_wait3A_2708 : memref<1x1x56x224xf32, #tpu.memory_space<hbm>> -> memref<56x224xf32, #tpu.memory_space<hbm>>
    %dma_wait3A_2710 = tpu.memref_slice %arg6[%dma_wait3A_2702] : memref<4x!tpu.dma_semaphore, #tpu.memory_space<semaphore_mem>> -> memref<1x!tpu.dma_semaphore, #tpu.memory_space<semaphore_mem>>
    %dma_wait3A_2711 = tpu.memref_squeeze %dma_wait3A_2710 : memref<1x!tpu.dma_semaphore, #tpu.memory_space<semaphore_mem>> -> memref<!tpu.dma_semaphore, #tpu.memory_space<semaphore_mem>>
    %dma_wait3A_2712 = arith.constant 0 : i32
    %dma_wait3A_2713 = tpu.memref_slice %arg3[%select_n3A_2656, %select_n3A_2672, %mul3A_2700, %dma_wait3A_2712] : memref<3x16x224x224xf32, #tpu.memory_space<hbm>> -> memref<1x1x56x224xf32, #tpu.memory_space<hbm>>
    %dma_wait3A_2714 = tpu.memref_squeeze %dma_wait3A_2713 : memref<1x1x56x224xf32, #tpu.memory_space<hbm>> -> memref<56x224xf32, #tpu.memory_space<hbm>>
    %dma_wait3A_2715 = arith.constant 0 : i32
    %dma_wait3A_2716 = arith.constant 0 : i32
    %dma_wait3A_2717 = tpu.memref_slice %arg4[%dma_wait3A_2701, %dma_wait3A_2715, %dma_wait3A_2716] : memref<4x56x224xf32, #tpu.memory_space<vmem>> -> memref<1x56x224xf32, #tpu.memory_space<vmem>>
    %dma_wait3A_2718 = tpu.memref_squeeze %dma_wait3A_2717 : memref<1x56x224xf32, #tpu.memory_space<vmem>> -> memref<56x224xf32, #tpu.memory_space<vmem>>
    tpu.wait_dma2 semaphore(%dma_wait3A_2711 : memref<!tpu.dma_semaphore, #tpu.memory_space<semaphore_mem>>) src(%dma_wait3A_2718 : memref<56x224xf32, #tpu.memory_space<vmem>>) dst(%dma_wait3A_2714 : memref<56x224xf32, #tpu.memory_space<hbm>>)
    %mul3A_2719 = arith.constant 6 : i32
    %mul3A_2720 = arith.muli %add3A, %mul3A_2719 : i32
    %add3A_2721 = arith.constant 3 : i32
    %add3A_2722 = arith.addi %mul3A_2720, %add3A_2721 : i32
    %jit3A_2723 = arith.constant 4 : i32
    %div3A_2724 = arith.divsi %add3A_2722, %jit3A_2723 : i32
    %sign3A_2725 = arith.constant 0 : i32
    %sign3A_2726 = arith.cmpi sgt, %add3A_2722, %sign3A_2725 : i32
    %sign3A_2727 = arith.extui %sign3A_2726 : i1 to i32
    %sign3A_2728 = arith.constant 0 : i32
    %sign3A_2729 = arith.cmpi slt, %add3A_2722, %sign3A_2728 : i32
    %sign3A_2730 = arith.extui %sign3A_2729 : i1 to i32
    %sign3A_2731 = arith.subi %sign3A_2727, %sign3A_2730 : i32
    %sign3A_2732 = arith.constant 0 : i32
    %sign3A_2733 = arith.cmpi sgt, %jit3A_2723, %sign3A_2732 : i32
    %sign3A_2734 = arith.extui %sign3A_2733 : i1 to i32
    %sign3A_2735 = arith.constant 0 : i32
    %sign3A_2736 = arith.cmpi slt, %jit3A_2723, %sign3A_2735 : i32
    %sign3A_2737 = arith.extui %sign3A_2736 : i1 to i32
    %sign3A_2738 = arith.subi %sign3A_2734, %sign3A_2737 : i32
    %ne3A_2739 = arith.cmpi ne, %sign3A_2731, %sign3A_2738 : i32
    %rem3A_2740 = arith.remsi %add3A_2722, %jit3A_2723 : i32
    %ne3A_2741 = arith.constant 0 : i32
    %ne3A_2742 = arith.cmpi ne, %rem3A_2740, %ne3A_2741 : i32
    %and3A_2743 = arith.andi %ne3A_2739, %ne3A_2742 : i1
    %sub3A_2744 = arith.constant 1 : i32
    %sub3A_2745 = arith.subi %div3A_2724, %sub3A_2744 : i32
    %select_n3A_2746 = arith.select %and3A_2743, %sub3A_2745, %div3A_2724 : i32
    %jit3A_2747 = arith.constant 4 : i32
    %eq3A_2748 = arith.constant 0 : i32
    %eq3A_2749 = arith.cmpi eq, %jit3A_2747, %eq3A_2748 : i32
    %jit3A_2750 = arith.constant 1 : i32
    %select_n3A_2751 = arith.select %eq3A_2749, %jit3A_2750, %jit3A_2747 : i32
    %rem3A_2752 = arith.remsi %add3A_2722, %select_n3A_2751 : i32
    %ne3A_2753 = arith.constant 0 : i32
    %ne3A_2754 = arith.cmpi ne, %rem3A_2752, %ne3A_2753 : i32
    %lt3A_2755 = arith.constant 0 : i32
    %lt3A_2756 = arith.cmpi slt, %rem3A_2752, %lt3A_2755 : i32
    %lt3A_2757 = arith.constant 0 : i32
    %lt3A_2758 = arith.cmpi slt, %select_n3A_2751, %lt3A_2757 : i32
    %ne3A_2759 = arith.xori %lt3A_2756, %lt3A_2758 : i1
    %and3A_2760 = arith.andi %ne3A_2759, %ne3A_2754 : i1
    %add3A_2761 = arith.addi %rem3A_2752, %select_n3A_2751 : i32
    %select_n3A_2762 = arith.select %and3A_2760, %add3A_2761, %rem3A_2752 : i32
    %jit3A_2763 = arith.constant 16 : i32
    %div3A_2764 = arith.divsi %select_n3A_2746, %jit3A_2763 : i32
    %sign3A_2765 = arith.constant 0 : i32
    %sign3A_2766 = arith.cmpi sgt, %select_n3A_2746, %sign3A_2765 : i32
    %sign3A_2767 = arith.extui %sign3A_2766 : i1 to i32
    %sign3A_2768 = arith.constant 0 : i32
    %sign3A_2769 = arith.cmpi slt, %select_n3A_2746, %sign3A_2768 : i32
    %sign3A_2770 = arith.extui %sign3A_2769 : i1 to i32
    %sign3A_2771 = arith.subi %sign3A_2767, %sign3A_2770 : i32
    %sign3A_2772 = arith.constant 0 : i32
    %sign3A_2773 = arith.cmpi sgt, %jit3A_2763, %sign3A_2772 : i32
    %sign3A_2774 = arith.extui %sign3A_2773 : i1 to i32
    %sign3A_2775 = arith.constant 0 : i32
    %sign3A_2776 = arith.cmpi slt, %jit3A_2763, %sign3A_2775 : i32
    %sign3A_2777 = arith.extui %sign3A_2776 : i1 to i32
    %sign3A_2778 = arith.subi %sign3A_2774, %sign3A_2777 : i32
    %ne3A_2779 = arith.cmpi ne, %sign3A_2771, %sign3A_2778 : i32
    %rem3A_2780 = arith.remsi %select_n3A_2746, %jit3A_2763 : i32
    %ne3A_2781 = arith.constant 0 : i32
    %ne3A_2782 = arith.cmpi ne, %rem3A_2780, %ne3A_2781 : i32
    %and3A_2783 = arith.andi %ne3A_2779, %ne3A_2782 : i1
    %sub3A_2784 = arith.constant 1 : i32
    %sub3A_2785 = arith.subi %div3A_2764, %sub3A_2784 : i32
    %select_n3A_2786 = arith.select %and3A_2783, %sub3A_2785, %div3A_2764 : i32
    %jit3A_2787 = arith.constant 16 : i32
    %eq3A_2788 = arith.constant 0 : i32
    %eq3A_2789 = arith.cmpi eq, %jit3A_2787, %eq3A_2788 : i32
    %jit3A_2790 = arith.constant 1 : i32
    %select_n3A_2791 = arith.select %eq3A_2789, %jit3A_2790, %jit3A_2787 : i32
    %rem3A_2792 = arith.remsi %select_n3A_2746, %select_n3A_2791 : i32
    %ne3A_2793 = arith.constant 0 : i32
    %ne3A_2794 = arith.cmpi ne, %rem3A_2792, %ne3A_2793 : i32
    %lt3A_2795 = arith.constant 0 : i32
    %lt3A_2796 = arith.cmpi slt, %rem3A_2792, %lt3A_2795 : i32
    %lt3A_2797 = arith.constant 0 : i32
    %lt3A_2798 = arith.cmpi slt, %select_n3A_2791, %lt3A_2797 : i32
    %ne3A_2799 = arith.xori %lt3A_2796, %lt3A_2798 : i1
    %and3A_2800 = arith.andi %ne3A_2799, %ne3A_2794 : i1
    %add3A_2801 = arith.addi %rem3A_2792, %select_n3A_2791 : i32
    %select_n3A_2802 = arith.select %and3A_2800, %add3A_2801, %rem3A_2792 : i32
    %mul3A_2803 = arith.constant 63 : i32
    %mul3A_2804 = arith.muli %select_n3A_2802, %mul3A_2803 : i32
    %jit3A_2805 = arith.constant 15 : i32
    %div3A_2806 = arith.divsi %mul3A_2804, %jit3A_2805 : i32
    %sign3A_2807 = arith.constant 0 : i32
    %sign3A_2808 = arith.cmpi sgt, %mul3A_2804, %sign3A_2807 : i32
    %sign3A_2809 = arith.extui %sign3A_2808 : i1 to i32
    %sign3A_2810 = arith.constant 0 : i32
    %sign3A_2811 = arith.cmpi slt, %mul3A_2804, %sign3A_2810 : i32
    %sign3A_2812 = arith.extui %sign3A_2811 : i1 to i32
    %sign3A_2813 = arith.subi %sign3A_2809, %sign3A_2812 : i32
    %sign3A_2814 = arith.constant 0 : i32
    %sign3A_2815 = arith.cmpi sgt, %jit3A_2805, %sign3A_2814 : i32
    %sign3A_2816 = arith.extui %sign3A_2815 : i1 to i32
    %sign3A_2817 = arith.constant 0 : i32
    %sign3A_2818 = arith.cmpi slt, %jit3A_2805, %sign3A_2817 : i32
    %sign3A_2819 = arith.extui %sign3A_2818 : i1 to i32
    %sign3A_2820 = arith.subi %sign3A_2816, %sign3A_2819 : i32
    %ne3A_2821 = arith.cmpi ne, %sign3A_2813, %sign3A_2820 : i32
    %rem3A_2822 = arith.remsi %mul3A_2804, %jit3A_2805 : i32
    %ne3A_2823 = arith.constant 0 : i32
    %ne3A_2824 = arith.cmpi ne, %rem3A_2822, %ne3A_2823 : i32
    %and3A_2825 = arith.andi %ne3A_2821, %ne3A_2824 : i1
    %sub3A_2826 = arith.constant 1 : i32
    %sub3A_2827 = arith.subi %div3A_2806, %sub3A_2826 : i32
    %select_n3A_2828 = arith.select %and3A_2825, %sub3A_2827, %div3A_2806 : i32
    %mul3A_2829 = arith.constant 56 : i32
    %mul3A_2830 = arith.muli %select_n3A_2762, %mul3A_2829 : i32
    %dma_wait3A_2831 = arith.constant 3 : i32
    %dma_wait3A_2832 = arith.constant 3 : i32
    %dma_wait3A_2833 = arith.constant 0 : i32
    %dma_wait3A_2834 = arith.constant 0 : i32
    %dma_wait3A_2835 = tpu.memref_slice %arg4[%dma_wait3A_2831, %dma_wait3A_2833, %dma_wait3A_2834] : memref<4x56x224xf32, #tpu.memory_space<vmem>> -> memref<1x56x224xf32, #tpu.memory_space<vmem>>
    %dma_wait3A_2836 = tpu.memref_squeeze %dma_wait3A_2835 : memref<1x56x224xf32, #tpu.memory_space<vmem>> -> memref<56x224xf32, #tpu.memory_space<vmem>>
    %dma_wait3A_2837 = arith.constant 0 : i32
    %dma_wait3A_2838 = tpu.memref_slice %arg3[%select_n3A_2786, %select_n3A_2802, %mul3A_2830, %dma_wait3A_2837] : memref<3x16x224x224xf32, #tpu.memory_space<hbm>> -> memref<1x1x56x224xf32, #tpu.memory_space<hbm>>
    %dma_wait3A_2839 = tpu.memref_squeeze %dma_wait3A_2838 : memref<1x1x56x224xf32, #tpu.memory_space<hbm>> -> memref<56x224xf32, #tpu.memory_space<hbm>>
    %dma_wait3A_2840 = tpu.memref_slice %arg6[%dma_wait3A_2832] : memref<4x!tpu.dma_semaphore, #tpu.memory_space<semaphore_mem>> -> memref<1x!tpu.dma_semaphore, #tpu.memory_space<semaphore_mem>>
    %dma_wait3A_2841 = tpu.memref_squeeze %dma_wait3A_2840 : memref<1x!tpu.dma_semaphore, #tpu.memory_space<semaphore_mem>> -> memref<!tpu.dma_semaphore, #tpu.memory_space<semaphore_mem>>
    %dma_wait3A_2842 = arith.constant 0 : i32
    %dma_wait3A_2843 = tpu.memref_slice %arg3[%select_n3A_2786, %select_n3A_2802, %mul3A_2830, %dma_wait3A_2842] : memref<3x16x224x224xf32, #tpu.memory_space<hbm>> -> memref<1x1x56x224xf32, #tpu.memory_space<hbm>>
    %dma_wait3A_2844 = tpu.memref_squeeze %dma_wait3A_2843 : memref<1x1x56x224xf32, #tpu.memory_space<hbm>> -> memref<56x224xf32, #tpu.memory_space<hbm>>
    %dma_wait3A_2845 = arith.constant 0 : i32
    %dma_wait3A_2846 = arith.constant 0 : i32
    %dma_wait3A_2847 = tpu.memref_slice %arg4[%dma_wait3A_2831, %dma_wait3A_2845, %dma_wait3A_2846] : memref<4x56x224xf32, #tpu.memory_space<vmem>> -> memref<1x56x224xf32, #tpu.memory_space<vmem>>
    %dma_wait3A_2848 = tpu.memref_squeeze %dma_wait3A_2847 : memref<1x56x224xf32, #tpu.memory_space<vmem>> -> memref<56x224xf32, #tpu.memory_space<vmem>>
    tpu.wait_dma2 semaphore(%dma_wait3A_2841 : memref<!tpu.dma_semaphore, #tpu.memory_space<semaphore_mem>>) src(%dma_wait3A_2848 : memref<56x224xf32, #tpu.memory_space<vmem>>) dst(%dma_wait3A_2844 : memref<56x224xf32, #tpu.memory_space<hbm>>)
    %mul3A_2849 = arith.constant 6 : i32
    %mul3A_2850 = arith.muli %add3A, %mul3A_2849 : i32
    %add3A_2851 = arith.constant 4 : i32
    %add3A_2852 = arith.addi %mul3A_2850, %add3A_2851 : i32
    %jit3A_2853 = arith.constant 4 : i32
    %div3A_2854 = arith.divsi %add3A_2852, %jit3A_2853 : i32
    %sign3A_2855 = arith.constant 0 : i32
    %sign3A_2856 = arith.cmpi sgt, %add3A_2852, %sign3A_2855 : i32
    %sign3A_2857 = arith.extui %sign3A_2856 : i1 to i32
    %sign3A_2858 = arith.constant 0 : i32
    %sign3A_2859 = arith.cmpi slt, %add3A_2852, %sign3A_2858 : i32
    %sign3A_2860 = arith.extui %sign3A_2859 : i1 to i32
    %sign3A_2861 = arith.subi %sign3A_2857, %sign3A_2860 : i32
    %sign3A_2862 = arith.constant 0 : i32
    %sign3A_2863 = arith.cmpi sgt, %jit3A_2853, %sign3A_2862 : i32
    %sign3A_2864 = arith.extui %sign3A_2863 : i1 to i32
    %sign3A_2865 = arith.constant 0 : i32
    %sign3A_2866 = arith.cmpi slt, %jit3A_2853, %sign3A_2865 : i32
    %sign3A_2867 = arith.extui %sign3A_2866 : i1 to i32
    %sign3A_2868 = arith.subi %sign3A_2864, %sign3A_2867 : i32
    %ne3A_2869 = arith.cmpi ne, %sign3A_2861, %sign3A_2868 : i32
    %rem3A_2870 = arith.remsi %add3A_2852, %jit3A_2853 : i32
    %ne3A_2871 = arith.constant 0 : i32
    %ne3A_2872 = arith.cmpi ne, %rem3A_2870, %ne3A_2871 : i32
    %and3A_2873 = arith.andi %ne3A_2869, %ne3A_2872 : i1
    %sub3A_2874 = arith.constant 1 : i32
    %sub3A_2875 = arith.subi %div3A_2854, %sub3A_2874 : i32
    %select_n3A_2876 = arith.select %and3A_2873, %sub3A_2875, %div3A_2854 : i32
    %jit3A_2877 = arith.constant 4 : i32
    %eq3A_2878 = arith.constant 0 : i32
    %eq3A_2879 = arith.cmpi eq, %jit3A_2877, %eq3A_2878 : i32
    %jit3A_2880 = arith.constant 1 : i32
    %select_n3A_2881 = arith.select %eq3A_2879, %jit3A_2880, %jit3A_2877 : i32
    %rem3A_2882 = arith.remsi %add3A_2852, %select_n3A_2881 : i32
    %ne3A_2883 = arith.constant 0 : i32
    %ne3A_2884 = arith.cmpi ne, %rem3A_2882, %ne3A_2883 : i32
    %lt3A_2885 = arith.constant 0 : i32
    %lt3A_2886 = arith.cmpi slt, %rem3A_2882, %lt3A_2885 : i32
    %lt3A_2887 = arith.constant 0 : i32
    %lt3A_2888 = arith.cmpi slt, %select_n3A_2881, %lt3A_2887 : i32
    %ne3A_2889 = arith.xori %lt3A_2886, %lt3A_2888 : i1
    %and3A_2890 = arith.andi %ne3A_2889, %ne3A_2884 : i1
    %add3A_2891 = arith.addi %rem3A_2882, %select_n3A_2881 : i32
    %select_n3A_2892 = arith.select %and3A_2890, %add3A_2891, %rem3A_2882 : i32
    %jit3A_2893 = arith.constant 16 : i32
    %div3A_2894 = arith.divsi %select_n3A_2876, %jit3A_2893 : i32
    %sign3A_2895 = arith.constant 0 : i32
    %sign3A_2896 = arith.cmpi sgt, %select_n3A_2876, %sign3A_2895 : i32
    %sign3A_2897 = arith.extui %sign3A_2896 : i1 to i32
    %sign3A_2898 = arith.constant 0 : i32
    %sign3A_2899 = arith.cmpi slt, %select_n3A_2876, %sign3A_2898 : i32
    %sign3A_2900 = arith.extui %sign3A_2899 : i1 to i32
    %sign3A_2901 = arith.subi %sign3A_2897, %sign3A_2900 : i32
    %sign3A_2902 = arith.constant 0 : i32
    %sign3A_2903 = arith.cmpi sgt, %jit3A_2893, %sign3A_2902 : i32
    %sign3A_2904 = arith.extui %sign3A_2903 : i1 to i32
    %sign3A_2905 = arith.constant 0 : i32
    %sign3A_2906 = arith.cmpi slt, %jit3A_2893, %sign3A_2905 : i32
    %sign3A_2907 = arith.extui %sign3A_2906 : i1 to i32
    %sign3A_2908 = arith.subi %sign3A_2904, %sign3A_2907 : i32
    %ne3A_2909 = arith.cmpi ne, %sign3A_2901, %sign3A_2908 : i32
    %rem3A_2910 = arith.remsi %select_n3A_2876, %jit3A_2893 : i32
    %ne3A_2911 = arith.constant 0 : i32
    %ne3A_2912 = arith.cmpi ne, %rem3A_2910, %ne3A_2911 : i32
    %and3A_2913 = arith.andi %ne3A_2909, %ne3A_2912 : i1
    %sub3A_2914 = arith.constant 1 : i32
    %sub3A_2915 = arith.subi %div3A_2894, %sub3A_2914 : i32
    %select_n3A_2916 = arith.select %and3A_2913, %sub3A_2915, %div3A_2894 : i32
    %jit3A_2917 = arith.constant 16 : i32
    %eq3A_2918 = arith.constant 0 : i32
    %eq3A_2919 = arith.cmpi eq, %jit3A_2917, %eq3A_2918 : i32
    %jit3A_2920 = arith.constant 1 : i32
    %select_n3A_2921 = arith.select %eq3A_2919, %jit3A_2920, %jit3A_2917 : i32
    %rem3A_2922 = arith.remsi %select_n3A_2876, %select_n3A_2921 : i32
    %ne3A_2923 = arith.constant 0 : i32
    %ne3A_2924 = arith.cmpi ne, %rem3A_2922, %ne3A_2923 : i32
    %lt3A_2925 = arith.constant 0 : i32
    %lt3A_2926 = arith.cmpi slt, %rem3A_2922, %lt3A_2925 : i32
    %lt3A_2927 = arith.constant 0 : i32
    %lt3A_2928 = arith.cmpi slt, %select_n3A_2921, %lt3A_2927 : i32
    %ne3A_2929 = arith.xori %lt3A_2926, %lt3A_2928 : i1
    %and3A_2930 = arith.andi %ne3A_2929, %ne3A_2924 : i1
    %add3A_2931 = arith.addi %rem3A_2922, %select_n3A_2921 : i32
    %select_n3A_2932 = arith.select %and3A_2930, %add3A_2931, %rem3A_2922 : i32
    %mul3A_2933 = arith.constant 63 : i32
    %mul3A_2934 = arith.muli %select_n3A_2932, %mul3A_2933 : i32
    %jit3A_2935 = arith.constant 15 : i32
    %div3A_2936 = arith.divsi %mul3A_2934, %jit3A_2935 : i32
    %sign3A_2937 = arith.constant 0 : i32
    %sign3A_2938 = arith.cmpi sgt, %mul3A_2934, %sign3A_2937 : i32
    %sign3A_2939 = arith.extui %sign3A_2938 : i1 to i32
    %sign3A_2940 = arith.constant 0 : i32
    %sign3A_2941 = arith.cmpi slt, %mul3A_2934, %sign3A_2940 : i32
    %sign3A_2942 = arith.extui %sign3A_2941 : i1 to i32
    %sign3A_2943 = arith.subi %sign3A_2939, %sign3A_2942 : i32
    %sign3A_2944 = arith.constant 0 : i32
    %sign3A_2945 = arith.cmpi sgt, %jit3A_2935, %sign3A_2944 : i32
    %sign3A_2946 = arith.extui %sign3A_2945 : i1 to i32
    %sign3A_2947 = arith.constant 0 : i32
    %sign3A_2948 = arith.cmpi slt, %jit3A_2935, %sign3A_2947 : i32
    %sign3A_2949 = arith.extui %sign3A_2948 : i1 to i32
    %sign3A_2950 = arith.subi %sign3A_2946, %sign3A_2949 : i32
    %ne3A_2951 = arith.cmpi ne, %sign3A_2943, %sign3A_2950 : i32
    %rem3A_2952 = arith.remsi %mul3A_2934, %jit3A_2935 : i32
    %ne3A_2953 = arith.constant 0 : i32
    %ne3A_2954 = arith.cmpi ne, %rem3A_2952, %ne3A_2953 : i32
    %and3A_2955 = arith.andi %ne3A_2951, %ne3A_2954 : i1
    %sub3A_2956 = arith.constant 1 : i32
    %sub3A_2957 = arith.subi %div3A_2936, %sub3A_2956 : i32
    %select_n3A_2958 = arith.select %and3A_2955, %sub3A_2957, %div3A_2936 : i32
    %mul3A_2959 = arith.constant 56 : i32
    %mul3A_2960 = arith.muli %select_n3A_2892, %mul3A_2959 : i32
    %dma_wait3A_2961 = arith.constant 0 : i32
    %dma_wait3A_2962 = arith.constant 0 : i32
    %dma_wait3A_2963 = arith.constant 0 : i32
    %dma_wait3A_2964 = arith.constant 0 : i32
    %dma_wait3A_2965 = tpu.memref_slice %arg4[%dma_wait3A_2961, %dma_wait3A_2963, %dma_wait3A_2964] : memref<4x56x224xf32, #tpu.memory_space<vmem>> -> memref<1x56x224xf32, #tpu.memory_space<vmem>>
    %dma_wait3A_2966 = tpu.memref_squeeze %dma_wait3A_2965 : memref<1x56x224xf32, #tpu.memory_space<vmem>> -> memref<56x224xf32, #tpu.memory_space<vmem>>
    %dma_wait3A_2967 = arith.constant 0 : i32
    %dma_wait3A_2968 = tpu.memref_slice %arg3[%select_n3A_2916, %select_n3A_2932, %mul3A_2960, %dma_wait3A_2967] : memref<3x16x224x224xf32, #tpu.memory_space<hbm>> -> memref<1x1x56x224xf32, #tpu.memory_space<hbm>>
    %dma_wait3A_2969 = tpu.memref_squeeze %dma_wait3A_2968 : memref<1x1x56x224xf32, #tpu.memory_space<hbm>> -> memref<56x224xf32, #tpu.memory_space<hbm>>
    %dma_wait3A_2970 = tpu.memref_slice %arg6[%dma_wait3A_2962] : memref<4x!tpu.dma_semaphore, #tpu.memory_space<semaphore_mem>> -> memref<1x!tpu.dma_semaphore, #tpu.memory_space<semaphore_mem>>
    %dma_wait3A_2971 = tpu.memref_squeeze %dma_wait3A_2970 : memref<1x!tpu.dma_semaphore, #tpu.memory_space<semaphore_mem>> -> memref<!tpu.dma_semaphore, #tpu.memory_space<semaphore_mem>>
    %dma_wait3A_2972 = arith.constant 0 : i32
    %dma_wait3A_2973 = tpu.memref_slice %arg3[%select_n3A_2916, %select_n3A_2932, %mul3A_2960, %dma_wait3A_2972] : memref<3x16x224x224xf32, #tpu.memory_space<hbm>> -> memref<1x1x56x224xf32, #tpu.memory_space<hbm>>
    %dma_wait3A_2974 = tpu.memref_squeeze %dma_wait3A_2973 : memref<1x1x56x224xf32, #tpu.memory_space<hbm>> -> memref<56x224xf32, #tpu.memory_space<hbm>>
    %dma_wait3A_2975 = arith.constant 0 : i32
    %dma_wait3A_2976 = arith.constant 0 : i32
    %dma_wait3A_2977 = tpu.memref_slice %arg4[%dma_wait3A_2961, %dma_wait3A_2975, %dma_wait3A_2976] : memref<4x56x224xf32, #tpu.memory_space<vmem>> -> memref<1x56x224xf32, #tpu.memory_space<vmem>>
    %dma_wait3A_2978 = tpu.memref_squeeze %dma_wait3A_2977 : memref<1x56x224xf32, #tpu.memory_space<vmem>> -> memref<56x224xf32, #tpu.memory_space<vmem>>
    tpu.wait_dma2 semaphore(%dma_wait3A_2971 : memref<!tpu.dma_semaphore, #tpu.memory_space<semaphore_mem>>) src(%dma_wait3A_2978 : memref<56x224xf32, #tpu.memory_space<vmem>>) dst(%dma_wait3A_2974 : memref<56x224xf32, #tpu.memory_space<hbm>>)
    %mul3A_2979 = arith.constant 6 : i32
    %mul3A_2980 = arith.muli %add3A, %mul3A_2979 : i32
    %add3A_2981 = arith.constant 5 : i32
    %add3A_2982 = arith.addi %mul3A_2980, %add3A_2981 : i32
    %jit3A_2983 = arith.constant 4 : i32
    %div3A_2984 = arith.divsi %add3A_2982, %jit3A_2983 : i32
    %sign3A_2985 = arith.constant 0 : i32
    %sign3A_2986 = arith.cmpi sgt, %add3A_2982, %sign3A_2985 : i32
    %sign3A_2987 = arith.extui %sign3A_2986 : i1 to i32
    %sign3A_2988 = arith.constant 0 : i32
    %sign3A_2989 = arith.cmpi slt, %add3A_2982, %sign3A_2988 : i32
    %sign3A_2990 = arith.extui %sign3A_2989 : i1 to i32
    %sign3A_2991 = arith.subi %sign3A_2987, %sign3A_2990 : i32
    %sign3A_2992 = arith.constant 0 : i32
    %sign3A_2993 = arith.cmpi sgt, %jit3A_2983, %sign3A_2992 : i32
    %sign3A_2994 = arith.extui %sign3A_2993 : i1 to i32
    %sign3A_2995 = arith.constant 0 : i32
    %sign3A_2996 = arith.cmpi slt, %jit3A_2983, %sign3A_2995 : i32
    %sign3A_2997 = arith.extui %sign3A_2996 : i1 to i32
    %sign3A_2998 = arith.subi %sign3A_2994, %sign3A_2997 : i32
    %ne3A_2999 = arith.cmpi ne, %sign3A_2991, %sign3A_2998 : i32
    %rem3A_3000 = arith.remsi %add3A_2982, %jit3A_2983 : i32
    %ne3A_3001 = arith.constant 0 : i32
    %ne3A_3002 = arith.cmpi ne, %rem3A_3000, %ne3A_3001 : i32
    %and3A_3003 = arith.andi %ne3A_2999, %ne3A_3002 : i1
    %sub3A_3004 = arith.constant 1 : i32
    %sub3A_3005 = arith.subi %div3A_2984, %sub3A_3004 : i32
    %select_n3A_3006 = arith.select %and3A_3003, %sub3A_3005, %div3A_2984 : i32
    %jit3A_3007 = arith.constant 4 : i32
    %eq3A_3008 = arith.constant 0 : i32
    %eq3A_3009 = arith.cmpi eq, %jit3A_3007, %eq3A_3008 : i32
    %jit3A_3010 = arith.constant 1 : i32
    %select_n3A_3011 = arith.select %eq3A_3009, %jit3A_3010, %jit3A_3007 : i32
    %rem3A_3012 = arith.remsi %add3A_2982, %select_n3A_3011 : i32
    %ne3A_3013 = arith.constant 0 : i32
    %ne3A_3014 = arith.cmpi ne, %rem3A_3012, %ne3A_3013 : i32
    %lt3A_3015 = arith.constant 0 : i32
    %lt3A_3016 = arith.cmpi slt, %rem3A_3012, %lt3A_3015 : i32
    %lt3A_3017 = arith.constant 0 : i32
    %lt3A_3018 = arith.cmpi slt, %select_n3A_3011, %lt3A_3017 : i32
    %ne3A_3019 = arith.xori %lt3A_3016, %lt3A_3018 : i1
    %and3A_3020 = arith.andi %ne3A_3019, %ne3A_3014 : i1
    %add3A_3021 = arith.addi %rem3A_3012, %select_n3A_3011 : i32
    %select_n3A_3022 = arith.select %and3A_3020, %add3A_3021, %rem3A_3012 : i32
    %jit3A_3023 = arith.constant 16 : i32
    %div3A_3024 = arith.divsi %select_n3A_3006, %jit3A_3023 : i32
    %sign3A_3025 = arith.constant 0 : i32
    %sign3A_3026 = arith.cmpi sgt, %select_n3A_3006, %sign3A_3025 : i32
    %sign3A_3027 = arith.extui %sign3A_3026 : i1 to i32
    %sign3A_3028 = arith.constant 0 : i32
    %sign3A_3029 = arith.cmpi slt, %select_n3A_3006, %sign3A_3028 : i32
    %sign3A_3030 = arith.extui %sign3A_3029 : i1 to i32
    %sign3A_3031 = arith.subi %sign3A_3027, %sign3A_3030 : i32
    %sign3A_3032 = arith.constant 0 : i32
    %sign3A_3033 = arith.cmpi sgt, %jit3A_3023, %sign3A_3032 : i32
    %sign3A_3034 = arith.extui %sign3A_3033 : i1 to i32
    %sign3A_3035 = arith.constant 0 : i32
    %sign3A_3036 = arith.cmpi slt, %jit3A_3023, %sign3A_3035 : i32
    %sign3A_3037 = arith.extui %sign3A_3036 : i1 to i32
    %sign3A_3038 = arith.subi %sign3A_3034, %sign3A_3037 : i32
    %ne3A_3039 = arith.cmpi ne, %sign3A_3031, %sign3A_3038 : i32
    %rem3A_3040 = arith.remsi %select_n3A_3006, %jit3A_3023 : i32
    %ne3A_3041 = arith.constant 0 : i32
    %ne3A_3042 = arith.cmpi ne, %rem3A_3040, %ne3A_3041 : i32
    %and3A_3043 = arith.andi %ne3A_3039, %ne3A_3042 : i1
    %sub3A_3044 = arith.constant 1 : i32
    %sub3A_3045 = arith.subi %div3A_3024, %sub3A_3044 : i32
    %select_n3A_3046 = arith.select %and3A_3043, %sub3A_3045, %div3A_3024 : i32
    %jit3A_3047 = arith.constant 16 : i32
    %eq3A_3048 = arith.constant 0 : i32
    %eq3A_3049 = arith.cmpi eq, %jit3A_3047, %eq3A_3048 : i32
    %jit3A_3050 = arith.constant 1 : i32
    %select_n3A_3051 = arith.select %eq3A_3049, %jit3A_3050, %jit3A_3047 : i32
    %rem3A_3052 = arith.remsi %select_n3A_3006, %select_n3A_3051 : i32
    %ne3A_3053 = arith.constant 0 : i32
    %ne3A_3054 = arith.cmpi ne, %rem3A_3052, %ne3A_3053 : i32
    %lt3A_3055 = arith.constant 0 : i32
    %lt3A_3056 = arith.cmpi slt, %rem3A_3052, %lt3A_3055 : i32
    %lt3A_3057 = arith.constant 0 : i32
    %lt3A_3058 = arith.cmpi slt, %select_n3A_3051, %lt3A_3057 : i32
    %ne3A_3059 = arith.xori %lt3A_3056, %lt3A_3058 : i1
    %and3A_3060 = arith.andi %ne3A_3059, %ne3A_3054 : i1
    %add3A_3061 = arith.addi %rem3A_3052, %select_n3A_3051 : i32
    %select_n3A_3062 = arith.select %and3A_3060, %add3A_3061, %rem3A_3052 : i32
    %mul3A_3063 = arith.constant 63 : i32
    %mul3A_3064 = arith.muli %select_n3A_3062, %mul3A_3063 : i32
    %jit3A_3065 = arith.constant 15 : i32
    %div3A_3066 = arith.divsi %mul3A_3064, %jit3A_3065 : i32
    %sign3A_3067 = arith.constant 0 : i32
    %sign3A_3068 = arith.cmpi sgt, %mul3A_3064, %sign3A_3067 : i32
    %sign3A_3069 = arith.extui %sign3A_3068 : i1 to i32
    %sign3A_3070 = arith.constant 0 : i32
    %sign3A_3071 = arith.cmpi slt, %mul3A_3064, %sign3A_3070 : i32
    %sign3A_3072 = arith.extui %sign3A_3071 : i1 to i32
    %sign3A_3073 = arith.subi %sign3A_3069, %sign3A_3072 : i32
    %sign3A_3074 = arith.constant 0 : i32
    %sign3A_3075 = arith.cmpi sgt, %jit3A_3065, %sign3A_3074 : i32
    %sign3A_3076 = arith.extui %sign3A_3075 : i1 to i32
    %sign3A_3077 = arith.constant 0 : i32
    %sign3A_3078 = arith.cmpi slt, %jit3A_3065, %sign3A_3077 : i32
    %sign3A_3079 = arith.extui %sign3A_3078 : i1 to i32
    %sign3A_3080 = arith.subi %sign3A_3076, %sign3A_3079 : i32
    %ne3A_3081 = arith.cmpi ne, %sign3A_3073, %sign3A_3080 : i32
    %rem3A_3082 = arith.remsi %mul3A_3064, %jit3A_3065 : i32
    %ne3A_3083 = arith.constant 0 : i32
    %ne3A_3084 = arith.cmpi ne, %rem3A_3082, %ne3A_3083 : i32
    %and3A_3085 = arith.andi %ne3A_3081, %ne3A_3084 : i1
    %sub3A_3086 = arith.constant 1 : i32
    %sub3A_3087 = arith.subi %div3A_3066, %sub3A_3086 : i32
    %select_n3A_3088 = arith.select %and3A_3085, %sub3A_3087, %div3A_3066 : i32
    %mul3A_3089 = arith.constant 56 : i32
    %mul3A_3090 = arith.muli %select_n3A_3022, %mul3A_3089 : i32
    %dma_wait3A_3091 = arith.constant 1 : i32
    %dma_wait3A_3092 = arith.constant 1 : i32
    %dma_wait3A_3093 = arith.constant 0 : i32
    %dma_wait3A_3094 = arith.constant 0 : i32
    %dma_wait3A_3095 = tpu.memref_slice %arg4[%dma_wait3A_3091, %dma_wait3A_3093, %dma_wait3A_3094] : memref<4x56x224xf32, #tpu.memory_space<vmem>> -> memref<1x56x224xf32, #tpu.memory_space<vmem>>
    %dma_wait3A_3096 = tpu.memref_squeeze %dma_wait3A_3095 : memref<1x56x224xf32, #tpu.memory_space<vmem>> -> memref<56x224xf32, #tpu.memory_space<vmem>>
    %dma_wait3A_3097 = arith.constant 0 : i32
    %dma_wait3A_3098 = tpu.memref_slice %arg3[%select_n3A_3046, %select_n3A_3062, %mul3A_3090, %dma_wait3A_3097] : memref<3x16x224x224xf32, #tpu.memory_space<hbm>> -> memref<1x1x56x224xf32, #tpu.memory_space<hbm>>
    %dma_wait3A_3099 = tpu.memref_squeeze %dma_wait3A_3098 : memref<1x1x56x224xf32, #tpu.memory_space<hbm>> -> memref<56x224xf32, #tpu.memory_space<hbm>>
    %dma_wait3A_3100 = tpu.memref_slice %arg6[%dma_wait3A_3092] : memref<4x!tpu.dma_semaphore, #tpu.memory_space<semaphore_mem>> -> memref<1x!tpu.dma_semaphore, #tpu.memory_space<semaphore_mem>>
    %dma_wait3A_3101 = tpu.memref_squeeze %dma_wait3A_3100 : memref<1x!tpu.dma_semaphore, #tpu.memory_space<semaphore_mem>> -> memref<!tpu.dma_semaphore, #tpu.memory_space<semaphore_mem>>
    %dma_wait3A_3102 = arith.constant 0 : i32
    %dma_wait3A_3103 = tpu.memref_slice %arg3[%select_n3A_3046, %select_n3A_3062, %mul3A_3090, %dma_wait3A_3102] : memref<3x16x224x224xf32, #tpu.memory_space<hbm>> -> memref<1x1x56x224xf32, #tpu.memory_space<hbm>>
    %dma_wait3A_3104 = tpu.memref_squeeze %dma_wait3A_3103 : memref<1x1x56x224xf32, #tpu.memory_space<hbm>> -> memref<56x224xf32, #tpu.memory_space<hbm>>
    %dma_wait3A_3105 = arith.constant 0 : i32
    %dma_wait3A_3106 = arith.constant 0 : i32
    %dma_wait3A_3107 = tpu.memref_slice %arg4[%dma_wait3A_3091, %dma_wait3A_3105, %dma_wait3A_3106] : memref<4x56x224xf32, #tpu.memory_space<vmem>> -> memref<1x56x224xf32, #tpu.memory_space<vmem>>
    %dma_wait3A_3108 = tpu.memref_squeeze %dma_wait3A_3107 : memref<1x56x224xf32, #tpu.memory_space<vmem>> -> memref<56x224xf32, #tpu.memory_space<vmem>>
    tpu.wait_dma2 semaphore(%dma_wait3A_3101 : memref<!tpu.dma_semaphore, #tpu.memory_space<semaphore_mem>>) src(%dma_wait3A_3108 : memref<56x224xf32, #tpu.memory_space<vmem>>) dst(%dma_wait3A_3104 : memref<56x224xf32, #tpu.memory_space<hbm>>)
    return
  }
}

module attributes {stable_mosaic.version = 14 : i64} {
  func.func @body(%arg0: memref<3x64x224x224xf32, #tpu.memory_space<any>>, %arg1: memref<3x64x224x224xf32, #tpu.memory_space<any>>, %arg2: memref<3x3x16x224x224xf32, #tpu.memory_space<vmem>>, %arg3: memref<3x!tpu.dma_semaphore, #tpu.memory_space<semaphore_mem>>, %arg4: memref<3x2x!tpu.dma_semaphore, #tpu.memory_space<semaphore_mem>>) attributes {dimension_semantics = [], scalar_prefetch = 0 : i64, scratch_operands = 3 : i64, tpu.core_type = #tpu.core_type<tc>} {
    %dma_start3A = arith.constant 0 : i32
    %dma_start3A_0 = arith.constant 0 : i32
    %dma_start3A_1 = tpu.memref_slice %arg3[%dma_start3A_0] : memref<3x!tpu.dma_semaphore, #tpu.memory_space<semaphore_mem>> -> memref<1x!tpu.dma_semaphore, #tpu.memory_space<semaphore_mem>>
    %dma_start3A_2 = tpu.memref_squeeze %dma_start3A_1 : memref<1x!tpu.dma_semaphore, #tpu.memory_space<semaphore_mem>> -> memref<!tpu.dma_semaphore, #tpu.memory_space<semaphore_mem>>
    %dma_start3A_3 = arith.constant 0 : i32
    %dma_start3A_4 = arith.constant 0 : i32
    %dma_start3A_5 = arith.constant 0 : i32
    %dma_start3A_6 = arith.constant 0 : i32
    %dma_start3A_7 = tpu.memref_slice %arg2[%dma_start3A, %dma_start3A_3, %dma_start3A_4, %dma_start3A_5, %dma_start3A_6] : memref<3x3x16x224x224xf32, #tpu.memory_space<vmem>> -> memref<1x3x16x224x224xf32, #tpu.memory_space<vmem>>
    %dma_start3A_8 = tpu.memref_squeeze %dma_start3A_7 : memref<1x3x16x224x224xf32, #tpu.memory_space<vmem>> -> memref<3x16x224x224xf32, #tpu.memory_space<vmem>>
    %dma_start3A_9 = arith.constant 0 : i32
    %dma_start3A_10 = arith.constant 0 : i32
    %dma_start3A_11 = arith.constant 0 : i32
    %dma_start3A_12 = arith.constant 0 : i32
    %dma_start3A_13 = tpu.memref_slice %arg0[%dma_start3A_9, %dma_start3A_10, %dma_start3A_11, %dma_start3A_12] : memref<3x64x224x224xf32, #tpu.memory_space<any>> -> memref<3x16x224x224xf32, #tpu.memory_space<any>>
    tpu.enqueue_dma source(%dma_start3A_13 : memref<3x16x224x224xf32, #tpu.memory_space<any>>) target(%dma_start3A_8 : memref<3x16x224x224xf32, #tpu.memory_space<vmem>>) target_semaphore(%dma_start3A_2 : memref<!tpu.dma_semaphore, #tpu.memory_space<semaphore_mem>>)
    %dma_start3A_14 = arith.constant 1 : i32
    %dma_start3A_15 = arith.constant 1 : i32
    %dma_start3A_16 = tpu.memref_slice %arg3[%dma_start3A_15] : memref<3x!tpu.dma_semaphore, #tpu.memory_space<semaphore_mem>> -> memref<1x!tpu.dma_semaphore, #tpu.memory_space<semaphore_mem>>
    %dma_start3A_17 = tpu.memref_squeeze %dma_start3A_16 : memref<1x!tpu.dma_semaphore, #tpu.memory_space<semaphore_mem>> -> memref<!tpu.dma_semaphore, #tpu.memory_space<semaphore_mem>>
    %dma_start3A_18 = arith.constant 0 : i32
    %dma_start3A_19 = arith.constant 0 : i32
    %dma_start3A_20 = arith.constant 0 : i32
    %dma_start3A_21 = arith.constant 0 : i32
    %dma_start3A_22 = tpu.memref_slice %arg2[%dma_start3A_14, %dma_start3A_18, %dma_start3A_19, %dma_start3A_20, %dma_start3A_21] : memref<3x3x16x224x224xf32, #tpu.memory_space<vmem>> -> memref<1x3x16x224x224xf32, #tpu.memory_space<vmem>>
    %dma_start3A_23 = tpu.memref_squeeze %dma_start3A_22 : memref<1x3x16x224x224xf32, #tpu.memory_space<vmem>> -> memref<3x16x224x224xf32, #tpu.memory_space<vmem>>
    %dma_start3A_24 = arith.constant 0 : i32
    %dma_start3A_25 = arith.constant 16 : i32
    %dma_start3A_26 = arith.constant 0 : i32
    %dma_start3A_27 = arith.constant 0 : i32
    %dma_start3A_28 = tpu.memref_slice %arg0[%dma_start3A_24, %dma_start3A_25, %dma_start3A_26, %dma_start3A_27] : memref<3x64x224x224xf32, #tpu.memory_space<any>> -> memref<3x16x224x224xf32, #tpu.memory_space<any>>
    tpu.enqueue_dma source(%dma_start3A_28 : memref<3x16x224x224xf32, #tpu.memory_space<any>>) target(%dma_start3A_23 : memref<3x16x224x224xf32, #tpu.memory_space<vmem>>) target_semaphore(%dma_start3A_17 : memref<!tpu.dma_semaphore, #tpu.memory_space<semaphore_mem>>)
    %dma_start3A_29 = arith.constant 2 : i32
    %dma_start3A_30 = arith.constant 2 : i32
    %dma_start3A_31 = tpu.memref_slice %arg3[%dma_start3A_30] : memref<3x!tpu.dma_semaphore, #tpu.memory_space<semaphore_mem>> -> memref<1x!tpu.dma_semaphore, #tpu.memory_space<semaphore_mem>>
    %dma_start3A_32 = tpu.memref_squeeze %dma_start3A_31 : memref<1x!tpu.dma_semaphore, #tpu.memory_space<semaphore_mem>> -> memref<!tpu.dma_semaphore, #tpu.memory_space<semaphore_mem>>
    %dma_start3A_33 = arith.constant 0 : i32
    %dma_start3A_34 = arith.constant 0 : i32
    %dma_start3A_35 = arith.constant 0 : i32
    %dma_start3A_36 = arith.constant 0 : i32
    %dma_start3A_37 = tpu.memref_slice %arg2[%dma_start3A_29, %dma_start3A_33, %dma_start3A_34, %dma_start3A_35, %dma_start3A_36] : memref<3x3x16x224x224xf32, #tpu.memory_space<vmem>> -> memref<1x3x16x224x224xf32, #tpu.memory_space<vmem>>
    %dma_start3A_38 = tpu.memref_squeeze %dma_start3A_37 : memref<1x3x16x224x224xf32, #tpu.memory_space<vmem>> -> memref<3x16x224x224xf32, #tpu.memory_space<vmem>>
    %dma_start3A_39 = arith.constant 0 : i32
    %dma_start3A_40 = arith.constant 32 : i32
    %dma_start3A_41 = arith.constant 0 : i32
    %dma_start3A_42 = arith.constant 0 : i32
    %dma_start3A_43 = tpu.memref_slice %arg0[%dma_start3A_39, %dma_start3A_40, %dma_start3A_41, %dma_start3A_42] : memref<3x64x224x224xf32, #tpu.memory_space<any>> -> memref<3x16x224x224xf32, #tpu.memory_space<any>>
    tpu.enqueue_dma source(%dma_start3A_43 : memref<3x16x224x224xf32, #tpu.memory_space<any>>) target(%dma_start3A_38 : memref<3x16x224x224xf32, #tpu.memory_space<vmem>>) target_semaphore(%dma_start3A_32 : memref<!tpu.dma_semaphore, #tpu.memory_space<semaphore_mem>>)
    %dma_wait3A = arith.constant 0 : i32
    %dma_wait3A_44 = arith.constant 0 : i32
    %dma_wait3A_45 = tpu.memref_slice %arg3[%dma_wait3A_44] : memref<3x!tpu.dma_semaphore, #tpu.memory_space<semaphore_mem>> -> memref<1x!tpu.dma_semaphore, #tpu.memory_space<semaphore_mem>>
    %dma_wait3A_46 = tpu.memref_squeeze %dma_wait3A_45 : memref<1x!tpu.dma_semaphore, #tpu.memory_space<semaphore_mem>> -> memref<!tpu.dma_semaphore, #tpu.memory_space<semaphore_mem>>
    %dma_wait3A_47 = arith.constant 0 : i32
    %dma_wait3A_48 = arith.constant 0 : i32
    %dma_wait3A_49 = arith.constant 0 : i32
    %dma_wait3A_50 = arith.constant 0 : i32
    %dma_wait3A_51 = tpu.memref_slice %arg2[%dma_wait3A, %dma_wait3A_47, %dma_wait3A_48, %dma_wait3A_49, %dma_wait3A_50] : memref<3x3x16x224x224xf32, #tpu.memory_space<vmem>> -> memref<1x3x16x224x224xf32, #tpu.memory_space<vmem>>
    %dma_wait3A_52 = tpu.memref_squeeze %dma_wait3A_51 : memref<1x3x16x224x224xf32, #tpu.memory_space<vmem>> -> memref<3x16x224x224xf32, #tpu.memory_space<vmem>>
    %dma_wait3A_53 = arith.constant 0 : i32
    %dma_wait3A_54 = arith.constant 0 : i32
    %dma_wait3A_55 = arith.constant 0 : i32
    %dma_wait3A_56 = arith.constant 0 : i32
    %dma_wait3A_57 = tpu.memref_slice %arg0[%dma_wait3A_53, %dma_wait3A_54, %dma_wait3A_55, %dma_wait3A_56] : memref<3x64x224x224xf32, #tpu.memory_space<any>> -> memref<3x16x224x224xf32, #tpu.memory_space<any>>
    tpu.wait_dma2 semaphore(%dma_wait3A_46 : memref<!tpu.dma_semaphore, #tpu.memory_space<semaphore_mem>>) src(%dma_wait3A_57 : memref<3x16x224x224xf32, #tpu.memory_space<any>>) dst(%dma_wait3A_52 : memref<3x16x224x224xf32, #tpu.memory_space<vmem>>)
    %dma_start3A_58 = arith.constant 0 : i32
    %dma_start3A_59 = arith.constant 0 : i32
    %dma_start3A_60 = arith.constant 0 : i32
    %dma_start3A_61 = tpu.memref_slice %arg4[%dma_start3A_59, %dma_start3A_60] : memref<3x2x!tpu.dma_semaphore, #tpu.memory_space<semaphore_mem>> -> memref<1x1x!tpu.dma_semaphore, #tpu.memory_space<semaphore_mem>>
    %dma_start3A_62 = tpu.memref_squeeze %dma_start3A_61 : memref<1x1x!tpu.dma_semaphore, #tpu.memory_space<semaphore_mem>> -> memref<!tpu.dma_semaphore, #tpu.memory_space<semaphore_mem>>
    %dma_start3A_63 = arith.constant 0 : i32
    %dma_start3A_64 = arith.constant 0 : i32
    %dma_start3A_65 = arith.constant 0 : i32
    %dma_start3A_66 = arith.constant 0 : i32
    %dma_start3A_67 = tpu.memref_slice %arg1[%dma_start3A_63, %dma_start3A_64, %dma_start3A_65, %dma_start3A_66] : memref<3x64x224x224xf32, #tpu.memory_space<any>> -> memref<3x8x224x224xf32, #tpu.memory_space<any>>
    %dma_start3A_68 = arith.constant 0 : i32
    %dma_start3A_69 = arith.constant 0 : i32
    %dma_start3A_70 = arith.constant 0 : i32
    %dma_start3A_71 = arith.constant 0 : i32
    %dma_start3A_72 = tpu.memref_slice %arg2[%dma_start3A_58, %dma_start3A_68, %dma_start3A_69, %dma_start3A_70, %dma_start3A_71] : memref<3x3x16x224x224xf32, #tpu.memory_space<vmem>> -> memref<1x3x8x224x224xf32, #tpu.memory_space<vmem>>
    %dma_start3A_73 = tpu.memref_squeeze %dma_start3A_72 : memref<1x3x8x224x224xf32, #tpu.memory_space<vmem>> -> memref<3x8x224x224xf32, #tpu.memory_space<vmem>>
    tpu.enqueue_dma source(%dma_start3A_73 : memref<3x8x224x224xf32, #tpu.memory_space<vmem>>) target(%dma_start3A_67 : memref<3x8x224x224xf32, #tpu.memory_space<any>>) target_semaphore(%dma_start3A_62 : memref<!tpu.dma_semaphore, #tpu.memory_space<semaphore_mem>>)
    %dma_start3A_74 = arith.constant 0 : i32
    %dma_start3A_75 = arith.constant 0 : i32
    %dma_start3A_76 = arith.constant 1 : i32
    %dma_start3A_77 = tpu.memref_slice %arg4[%dma_start3A_75, %dma_start3A_76] : memref<3x2x!tpu.dma_semaphore, #tpu.memory_space<semaphore_mem>> -> memref<1x1x!tpu.dma_semaphore, #tpu.memory_space<semaphore_mem>>
    %dma_start3A_78 = tpu.memref_squeeze %dma_start3A_77 : memref<1x1x!tpu.dma_semaphore, #tpu.memory_space<semaphore_mem>> -> memref<!tpu.dma_semaphore, #tpu.memory_space<semaphore_mem>>
    %dma_start3A_79 = arith.constant 0 : i32
    %dma_start3A_80 = arith.constant 8 : i32
    %dma_start3A_81 = arith.constant 0 : i32
    %dma_start3A_82 = arith.constant 0 : i32
    %dma_start3A_83 = tpu.memref_slice %arg1[%dma_start3A_79, %dma_start3A_80, %dma_start3A_81, %dma_start3A_82] : memref<3x64x224x224xf32, #tpu.memory_space<any>> -> memref<3x8x224x224xf32, #tpu.memory_space<any>>
    %dma_start3A_84 = arith.constant 0 : i32
    %dma_start3A_85 = arith.constant 8 : i32
    %dma_start3A_86 = arith.constant 0 : i32
    %dma_start3A_87 = arith.constant 0 : i32
    %dma_start3A_88 = tpu.memref_slice %arg2[%dma_start3A_74, %dma_start3A_84, %dma_start3A_85, %dma_start3A_86, %dma_start3A_87] : memref<3x3x16x224x224xf32, #tpu.memory_space<vmem>> -> memref<1x3x8x224x224xf32, #tpu.memory_space<vmem>>
    %dma_start3A_89 = tpu.memref_squeeze %dma_start3A_88 : memref<1x3x8x224x224xf32, #tpu.memory_space<vmem>> -> memref<3x8x224x224xf32, #tpu.memory_space<vmem>>
    tpu.enqueue_dma source(%dma_start3A_89 : memref<3x8x224x224xf32, #tpu.memory_space<vmem>>) target(%dma_start3A_83 : memref<3x8x224x224xf32, #tpu.memory_space<any>>) target_semaphore(%dma_start3A_78 : memref<!tpu.dma_semaphore, #tpu.memory_space<semaphore_mem>>)
    %dma_wait3A_90 = arith.constant 0 : i32
    %dma_wait3A_91 = arith.constant 0 : i32
    %dma_wait3A_92 = arith.constant 0 : i32
    %dma_wait3A_93 = tpu.memref_slice %arg4[%dma_wait3A_91, %dma_wait3A_92] : memref<3x2x!tpu.dma_semaphore, #tpu.memory_space<semaphore_mem>> -> memref<1x1x!tpu.dma_semaphore, #tpu.memory_space<semaphore_mem>>
    %dma_wait3A_94 = tpu.memref_squeeze %dma_wait3A_93 : memref<1x1x!tpu.dma_semaphore, #tpu.memory_space<semaphore_mem>> -> memref<!tpu.dma_semaphore, #tpu.memory_space<semaphore_mem>>
    %dma_wait3A_95 = arith.constant 0 : i32
    %dma_wait3A_96 = arith.constant 0 : i32
    %dma_wait3A_97 = arith.constant 0 : i32
    %dma_wait3A_98 = arith.constant 0 : i32
    %dma_wait3A_99 = tpu.memref_slice %arg1[%dma_wait3A_95, %dma_wait3A_96, %dma_wait3A_97, %dma_wait3A_98] : memref<3x64x224x224xf32, #tpu.memory_space<any>> -> memref<3x8x224x224xf32, #tpu.memory_space<any>>
    %dma_wait3A_100 = arith.constant 0 : i32
    %dma_wait3A_101 = arith.constant 0 : i32
    %dma_wait3A_102 = arith.constant 0 : i32
    %dma_wait3A_103 = arith.constant 0 : i32
    %dma_wait3A_104 = tpu.memref_slice %arg2[%dma_wait3A_90, %dma_wait3A_100, %dma_wait3A_101, %dma_wait3A_102, %dma_wait3A_103] : memref<3x3x16x224x224xf32, #tpu.memory_space<vmem>> -> memref<1x3x8x224x224xf32, #tpu.memory_space<vmem>>
    %dma_wait3A_105 = tpu.memref_squeeze %dma_wait3A_104 : memref<1x3x8x224x224xf32, #tpu.memory_space<vmem>> -> memref<3x8x224x224xf32, #tpu.memory_space<vmem>>
    tpu.wait_dma2 semaphore(%dma_wait3A_94 : memref<!tpu.dma_semaphore, #tpu.memory_space<semaphore_mem>>) src(%dma_wait3A_105 : memref<3x8x224x224xf32, #tpu.memory_space<vmem>>) dst(%dma_wait3A_99 : memref<3x8x224x224xf32, #tpu.memory_space<any>>)
    %dma_wait3A_106 = arith.constant 0 : i32
    %dma_wait3A_107 = arith.constant 0 : i32
    %dma_wait3A_108 = arith.constant 1 : i32
    %dma_wait3A_109 = tpu.memref_slice %arg4[%dma_wait3A_107, %dma_wait3A_108] : memref<3x2x!tpu.dma_semaphore, #tpu.memory_space<semaphore_mem>> -> memref<1x1x!tpu.dma_semaphore, #tpu.memory_space<semaphore_mem>>
    %dma_wait3A_110 = tpu.memref_squeeze %dma_wait3A_109 : memref<1x1x!tpu.dma_semaphore, #tpu.memory_space<semaphore_mem>> -> memref<!tpu.dma_semaphore, #tpu.memory_space<semaphore_mem>>
    %dma_wait3A_111 = arith.constant 0 : i32
    %dma_wait3A_112 = arith.constant 8 : i32
    %dma_wait3A_113 = arith.constant 0 : i32
    %dma_wait3A_114 = arith.constant 0 : i32
    %dma_wait3A_115 = tpu.memref_slice %arg1[%dma_wait3A_111, %dma_wait3A_112, %dma_wait3A_113, %dma_wait3A_114] : memref<3x64x224x224xf32, #tpu.memory_space<any>> -> memref<3x8x224x224xf32, #tpu.memory_space<any>>
    %dma_wait3A_116 = arith.constant 0 : i32
    %dma_wait3A_117 = arith.constant 8 : i32
    %dma_wait3A_118 = arith.constant 0 : i32
    %dma_wait3A_119 = arith.constant 0 : i32
    %dma_wait3A_120 = tpu.memref_slice %arg2[%dma_wait3A_106, %dma_wait3A_116, %dma_wait3A_117, %dma_wait3A_118, %dma_wait3A_119] : memref<3x3x16x224x224xf32, #tpu.memory_space<vmem>> -> memref<1x3x8x224x224xf32, #tpu.memory_space<vmem>>
    %dma_wait3A_121 = tpu.memref_squeeze %dma_wait3A_120 : memref<1x3x8x224x224xf32, #tpu.memory_space<vmem>> -> memref<3x8x224x224xf32, #tpu.memory_space<vmem>>
    tpu.wait_dma2 semaphore(%dma_wait3A_110 : memref<!tpu.dma_semaphore, #tpu.memory_space<semaphore_mem>>) src(%dma_wait3A_121 : memref<3x8x224x224xf32, #tpu.memory_space<vmem>>) dst(%dma_wait3A_115 : memref<3x8x224x224xf32, #tpu.memory_space<any>>)
    %dma_start3A_122 = arith.constant 0 : i32
    %dma_start3A_123 = arith.constant 0 : i32
    %dma_start3A_124 = tpu.memref_slice %arg3[%dma_start3A_123] : memref<3x!tpu.dma_semaphore, #tpu.memory_space<semaphore_mem>> -> memref<1x!tpu.dma_semaphore, #tpu.memory_space<semaphore_mem>>
    %dma_start3A_125 = tpu.memref_squeeze %dma_start3A_124 : memref<1x!tpu.dma_semaphore, #tpu.memory_space<semaphore_mem>> -> memref<!tpu.dma_semaphore, #tpu.memory_space<semaphore_mem>>
    %dma_start3A_126 = arith.constant 0 : i32
    %dma_start3A_127 = arith.constant 0 : i32
    %dma_start3A_128 = arith.constant 0 : i32
    %dma_start3A_129 = arith.constant 0 : i32
    %dma_start3A_130 = tpu.memref_slice %arg2[%dma_start3A_122, %dma_start3A_126, %dma_start3A_127, %dma_start3A_128, %dma_start3A_129] : memref<3x3x16x224x224xf32, #tpu.memory_space<vmem>> -> memref<1x3x16x224x224xf32, #tpu.memory_space<vmem>>
    %dma_start3A_131 = tpu.memref_squeeze %dma_start3A_130 : memref<1x3x16x224x224xf32, #tpu.memory_space<vmem>> -> memref<3x16x224x224xf32, #tpu.memory_space<vmem>>
    %dma_start3A_132 = arith.constant 0 : i32
    %dma_start3A_133 = arith.constant 48 : i32
    %dma_start3A_134 = arith.constant 0 : i32
    %dma_start3A_135 = arith.constant 0 : i32
    %dma_start3A_136 = tpu.memref_slice %arg0[%dma_start3A_132, %dma_start3A_133, %dma_start3A_134, %dma_start3A_135] : memref<3x64x224x224xf32, #tpu.memory_space<any>> -> memref<3x16x224x224xf32, #tpu.memory_space<any>>
    tpu.enqueue_dma source(%dma_start3A_136 : memref<3x16x224x224xf32, #tpu.memory_space<any>>) target(%dma_start3A_131 : memref<3x16x224x224xf32, #tpu.memory_space<vmem>>) target_semaphore(%dma_start3A_125 : memref<!tpu.dma_semaphore, #tpu.memory_space<semaphore_mem>>)
    %dma_wait3A_137 = arith.constant 1 : i32
    %dma_wait3A_138 = arith.constant 1 : i32
    %dma_wait3A_139 = tpu.memref_slice %arg3[%dma_wait3A_138] : memref<3x!tpu.dma_semaphore, #tpu.memory_space<semaphore_mem>> -> memref<1x!tpu.dma_semaphore, #tpu.memory_space<semaphore_mem>>
    %dma_wait3A_140 = tpu.memref_squeeze %dma_wait3A_139 : memref<1x!tpu.dma_semaphore, #tpu.memory_space<semaphore_mem>> -> memref<!tpu.dma_semaphore, #tpu.memory_space<semaphore_mem>>
    %dma_wait3A_141 = arith.constant 0 : i32
    %dma_wait3A_142 = arith.constant 0 : i32
    %dma_wait3A_143 = arith.constant 0 : i32
    %dma_wait3A_144 = arith.constant 0 : i32
    %dma_wait3A_145 = tpu.memref_slice %arg2[%dma_wait3A_137, %dma_wait3A_141, %dma_wait3A_142, %dma_wait3A_143, %dma_wait3A_144] : memref<3x3x16x224x224xf32, #tpu.memory_space<vmem>> -> memref<1x3x16x224x224xf32, #tpu.memory_space<vmem>>
    %dma_wait3A_146 = tpu.memref_squeeze %dma_wait3A_145 : memref<1x3x16x224x224xf32, #tpu.memory_space<vmem>> -> memref<3x16x224x224xf32, #tpu.memory_space<vmem>>
    %dma_wait3A_147 = arith.constant 0 : i32
    %dma_wait3A_148 = arith.constant 16 : i32
    %dma_wait3A_149 = arith.constant 0 : i32
    %dma_wait3A_150 = arith.constant 0 : i32
    %dma_wait3A_151 = tpu.memref_slice %arg0[%dma_wait3A_147, %dma_wait3A_148, %dma_wait3A_149, %dma_wait3A_150] : memref<3x64x224x224xf32, #tpu.memory_space<any>> -> memref<3x16x224x224xf32, #tpu.memory_space<any>>
    tpu.wait_dma2 semaphore(%dma_wait3A_140 : memref<!tpu.dma_semaphore, #tpu.memory_space<semaphore_mem>>) src(%dma_wait3A_151 : memref<3x16x224x224xf32, #tpu.memory_space<any>>) dst(%dma_wait3A_146 : memref<3x16x224x224xf32, #tpu.memory_space<vmem>>)
    %dma_start3A_152 = arith.constant 1 : i32
    %dma_start3A_153 = arith.constant 1 : i32
    %dma_start3A_154 = arith.constant 0 : i32
    %dma_start3A_155 = tpu.memref_slice %arg4[%dma_start3A_153, %dma_start3A_154] : memref<3x2x!tpu.dma_semaphore, #tpu.memory_space<semaphore_mem>> -> memref<1x1x!tpu.dma_semaphore, #tpu.memory_space<semaphore_mem>>
    %dma_start3A_156 = tpu.memref_squeeze %dma_start3A_155 : memref<1x1x!tpu.dma_semaphore, #tpu.memory_space<semaphore_mem>> -> memref<!tpu.dma_semaphore, #tpu.memory_space<semaphore_mem>>
    %dma_start3A_157 = arith.constant 0 : i32
    %dma_start3A_158 = arith.constant 16 : i32
    %dma_start3A_159 = arith.constant 0 : i32
    %dma_start3A_160 = arith.constant 0 : i32
    %dma_start3A_161 = tpu.memref_slice %arg1[%dma_start3A_157, %dma_start3A_158, %dma_start3A_159, %dma_start3A_160] : memref<3x64x224x224xf32, #tpu.memory_space<any>> -> memref<3x8x224x224xf32, #tpu.memory_space<any>>
    %dma_start3A_162 = arith.constant 0 : i32
    %dma_start3A_163 = arith.constant 0 : i32
    %dma_start3A_164 = arith.constant 0 : i32
    %dma_start3A_165 = arith.constant 0 : i32
    %dma_start3A_166 = tpu.memref_slice %arg2[%dma_start3A_152, %dma_start3A_162, %dma_start3A_163, %dma_start3A_164, %dma_start3A_165] : memref<3x3x16x224x224xf32, #tpu.memory_space<vmem>> -> memref<1x3x8x224x224xf32, #tpu.memory_space<vmem>>
    %dma_start3A_167 = tpu.memref_squeeze %dma_start3A_166 : memref<1x3x8x224x224xf32, #tpu.memory_space<vmem>> -> memref<3x8x224x224xf32, #tpu.memory_space<vmem>>
    tpu.enqueue_dma source(%dma_start3A_167 : memref<3x8x224x224xf32, #tpu.memory_space<vmem>>) target(%dma_start3A_161 : memref<3x8x224x224xf32, #tpu.memory_space<any>>) target_semaphore(%dma_start3A_156 : memref<!tpu.dma_semaphore, #tpu.memory_space<semaphore_mem>>)
    %dma_start3A_168 = arith.constant 1 : i32
    %dma_start3A_169 = arith.constant 1 : i32
    %dma_start3A_170 = arith.constant 1 : i32
    %dma_start3A_171 = tpu.memref_slice %arg4[%dma_start3A_169, %dma_start3A_170] : memref<3x2x!tpu.dma_semaphore, #tpu.memory_space<semaphore_mem>> -> memref<1x1x!tpu.dma_semaphore, #tpu.memory_space<semaphore_mem>>
    %dma_start3A_172 = tpu.memref_squeeze %dma_start3A_171 : memref<1x1x!tpu.dma_semaphore, #tpu.memory_space<semaphore_mem>> -> memref<!tpu.dma_semaphore, #tpu.memory_space<semaphore_mem>>
    %dma_start3A_173 = arith.constant 0 : i32
    %dma_start3A_174 = arith.constant 24 : i32
    %dma_start3A_175 = arith.constant 0 : i32
    %dma_start3A_176 = arith.constant 0 : i32
    %dma_start3A_177 = tpu.memref_slice %arg1[%dma_start3A_173, %dma_start3A_174, %dma_start3A_175, %dma_start3A_176] : memref<3x64x224x224xf32, #tpu.memory_space<any>> -> memref<3x8x224x224xf32, #tpu.memory_space<any>>
    %dma_start3A_178 = arith.constant 0 : i32
    %dma_start3A_179 = arith.constant 8 : i32
    %dma_start3A_180 = arith.constant 0 : i32
    %dma_start3A_181 = arith.constant 0 : i32
    %dma_start3A_182 = tpu.memref_slice %arg2[%dma_start3A_168, %dma_start3A_178, %dma_start3A_179, %dma_start3A_180, %dma_start3A_181] : memref<3x3x16x224x224xf32, #tpu.memory_space<vmem>> -> memref<1x3x8x224x224xf32, #tpu.memory_space<vmem>>
    %dma_start3A_183 = tpu.memref_squeeze %dma_start3A_182 : memref<1x3x8x224x224xf32, #tpu.memory_space<vmem>> -> memref<3x8x224x224xf32, #tpu.memory_space<vmem>>
    tpu.enqueue_dma source(%dma_start3A_183 : memref<3x8x224x224xf32, #tpu.memory_space<vmem>>) target(%dma_start3A_177 : memref<3x8x224x224xf32, #tpu.memory_space<any>>) target_semaphore(%dma_start3A_172 : memref<!tpu.dma_semaphore, #tpu.memory_space<semaphore_mem>>)
    %dma_wait3A_184 = arith.constant 2 : i32
    %dma_wait3A_185 = arith.constant 2 : i32
    %dma_wait3A_186 = tpu.memref_slice %arg3[%dma_wait3A_185] : memref<3x!tpu.dma_semaphore, #tpu.memory_space<semaphore_mem>> -> memref<1x!tpu.dma_semaphore, #tpu.memory_space<semaphore_mem>>
    %dma_wait3A_187 = tpu.memref_squeeze %dma_wait3A_186 : memref<1x!tpu.dma_semaphore, #tpu.memory_space<semaphore_mem>> -> memref<!tpu.dma_semaphore, #tpu.memory_space<semaphore_mem>>
    %dma_wait3A_188 = arith.constant 0 : i32
    %dma_wait3A_189 = arith.constant 0 : i32
    %dma_wait3A_190 = arith.constant 0 : i32
    %dma_wait3A_191 = arith.constant 0 : i32
    %dma_wait3A_192 = tpu.memref_slice %arg2[%dma_wait3A_184, %dma_wait3A_188, %dma_wait3A_189, %dma_wait3A_190, %dma_wait3A_191] : memref<3x3x16x224x224xf32, #tpu.memory_space<vmem>> -> memref<1x3x16x224x224xf32, #tpu.memory_space<vmem>>
    %dma_wait3A_193 = tpu.memref_squeeze %dma_wait3A_192 : memref<1x3x16x224x224xf32, #tpu.memory_space<vmem>> -> memref<3x16x224x224xf32, #tpu.memory_space<vmem>>
    %dma_wait3A_194 = arith.constant 0 : i32
    %dma_wait3A_195 = arith.constant 32 : i32
    %dma_wait3A_196 = arith.constant 0 : i32
    %dma_wait3A_197 = arith.constant 0 : i32
    %dma_wait3A_198 = tpu.memref_slice %arg0[%dma_wait3A_194, %dma_wait3A_195, %dma_wait3A_196, %dma_wait3A_197] : memref<3x64x224x224xf32, #tpu.memory_space<any>> -> memref<3x16x224x224xf32, #tpu.memory_space<any>>
    tpu.wait_dma2 semaphore(%dma_wait3A_187 : memref<!tpu.dma_semaphore, #tpu.memory_space<semaphore_mem>>) src(%dma_wait3A_198 : memref<3x16x224x224xf32, #tpu.memory_space<any>>) dst(%dma_wait3A_193 : memref<3x16x224x224xf32, #tpu.memory_space<vmem>>)
    %dma_start3A_199 = arith.constant 2 : i32
    %dma_start3A_200 = arith.constant 2 : i32
    %dma_start3A_201 = arith.constant 0 : i32
    %dma_start3A_202 = tpu.memref_slice %arg4[%dma_start3A_200, %dma_start3A_201] : memref<3x2x!tpu.dma_semaphore, #tpu.memory_space<semaphore_mem>> -> memref<1x1x!tpu.dma_semaphore, #tpu.memory_space<semaphore_mem>>
    %dma_start3A_203 = tpu.memref_squeeze %dma_start3A_202 : memref<1x1x!tpu.dma_semaphore, #tpu.memory_space<semaphore_mem>> -> memref<!tpu.dma_semaphore, #tpu.memory_space<semaphore_mem>>
    %dma_start3A_204 = arith.constant 0 : i32
    %dma_start3A_205 = arith.constant 32 : i32
    %dma_start3A_206 = arith.constant 0 : i32
    %dma_start3A_207 = arith.constant 0 : i32
    %dma_start3A_208 = tpu.memref_slice %arg1[%dma_start3A_204, %dma_start3A_205, %dma_start3A_206, %dma_start3A_207] : memref<3x64x224x224xf32, #tpu.memory_space<any>> -> memref<3x8x224x224xf32, #tpu.memory_space<any>>
    %dma_start3A_209 = arith.constant 0 : i32
    %dma_start3A_210 = arith.constant 0 : i32
    %dma_start3A_211 = arith.constant 0 : i32
    %dma_start3A_212 = arith.constant 0 : i32
    %dma_start3A_213 = tpu.memref_slice %arg2[%dma_start3A_199, %dma_start3A_209, %dma_start3A_210, %dma_start3A_211, %dma_start3A_212] : memref<3x3x16x224x224xf32, #tpu.memory_space<vmem>> -> memref<1x3x8x224x224xf32, #tpu.memory_space<vmem>>
    %dma_start3A_214 = tpu.memref_squeeze %dma_start3A_213 : memref<1x3x8x224x224xf32, #tpu.memory_space<vmem>> -> memref<3x8x224x224xf32, #tpu.memory_space<vmem>>
    tpu.enqueue_dma source(%dma_start3A_214 : memref<3x8x224x224xf32, #tpu.memory_space<vmem>>) target(%dma_start3A_208 : memref<3x8x224x224xf32, #tpu.memory_space<any>>) target_semaphore(%dma_start3A_203 : memref<!tpu.dma_semaphore, #tpu.memory_space<semaphore_mem>>)
    %dma_start3A_215 = arith.constant 2 : i32
    %dma_start3A_216 = arith.constant 2 : i32
    %dma_start3A_217 = arith.constant 1 : i32
    %dma_start3A_218 = tpu.memref_slice %arg4[%dma_start3A_216, %dma_start3A_217] : memref<3x2x!tpu.dma_semaphore, #tpu.memory_space<semaphore_mem>> -> memref<1x1x!tpu.dma_semaphore, #tpu.memory_space<semaphore_mem>>
    %dma_start3A_219 = tpu.memref_squeeze %dma_start3A_218 : memref<1x1x!tpu.dma_semaphore, #tpu.memory_space<semaphore_mem>> -> memref<!tpu.dma_semaphore, #tpu.memory_space<semaphore_mem>>
    %dma_start3A_220 = arith.constant 0 : i32
    %dma_start3A_221 = arith.constant 40 : i32
    %dma_start3A_222 = arith.constant 0 : i32
    %dma_start3A_223 = arith.constant 0 : i32
    %dma_start3A_224 = tpu.memref_slice %arg1[%dma_start3A_220, %dma_start3A_221, %dma_start3A_222, %dma_start3A_223] : memref<3x64x224x224xf32, #tpu.memory_space<any>> -> memref<3x8x224x224xf32, #tpu.memory_space<any>>
    %dma_start3A_225 = arith.constant 0 : i32
    %dma_start3A_226 = arith.constant 8 : i32
    %dma_start3A_227 = arith.constant 0 : i32
    %dma_start3A_228 = arith.constant 0 : i32
    %dma_start3A_229 = tpu.memref_slice %arg2[%dma_start3A_215, %dma_start3A_225, %dma_start3A_226, %dma_start3A_227, %dma_start3A_228] : memref<3x3x16x224x224xf32, #tpu.memory_space<vmem>> -> memref<1x3x8x224x224xf32, #tpu.memory_space<vmem>>
    %dma_start3A_230 = tpu.memref_squeeze %dma_start3A_229 : memref<1x3x8x224x224xf32, #tpu.memory_space<vmem>> -> memref<3x8x224x224xf32, #tpu.memory_space<vmem>>
    tpu.enqueue_dma source(%dma_start3A_230 : memref<3x8x224x224xf32, #tpu.memory_space<vmem>>) target(%dma_start3A_224 : memref<3x8x224x224xf32, #tpu.memory_space<any>>) target_semaphore(%dma_start3A_219 : memref<!tpu.dma_semaphore, #tpu.memory_space<semaphore_mem>>)
    %dma_wait3A_231 = arith.constant 0 : i32
    %dma_wait3A_232 = arith.constant 0 : i32
    %dma_wait3A_233 = tpu.memref_slice %arg3[%dma_wait3A_232] : memref<3x!tpu.dma_semaphore, #tpu.memory_space<semaphore_mem>> -> memref<1x!tpu.dma_semaphore, #tpu.memory_space<semaphore_mem>>
    %dma_wait3A_234 = tpu.memref_squeeze %dma_wait3A_233 : memref<1x!tpu.dma_semaphore, #tpu.memory_space<semaphore_mem>> -> memref<!tpu.dma_semaphore, #tpu.memory_space<semaphore_mem>>
    %dma_wait3A_235 = arith.constant 0 : i32
    %dma_wait3A_236 = arith.constant 0 : i32
    %dma_wait3A_237 = arith.constant 0 : i32
    %dma_wait3A_238 = arith.constant 0 : i32
    %dma_wait3A_239 = tpu.memref_slice %arg2[%dma_wait3A_231, %dma_wait3A_235, %dma_wait3A_236, %dma_wait3A_237, %dma_wait3A_238] : memref<3x3x16x224x224xf32, #tpu.memory_space<vmem>> -> memref<1x3x16x224x224xf32, #tpu.memory_space<vmem>>
    %dma_wait3A_240 = tpu.memref_squeeze %dma_wait3A_239 : memref<1x3x16x224x224xf32, #tpu.memory_space<vmem>> -> memref<3x16x224x224xf32, #tpu.memory_space<vmem>>
    %dma_wait3A_241 = arith.constant 0 : i32
    %dma_wait3A_242 = arith.constant 48 : i32
    %dma_wait3A_243 = arith.constant 0 : i32
    %dma_wait3A_244 = arith.constant 0 : i32
    %dma_wait3A_245 = tpu.memref_slice %arg0[%dma_wait3A_241, %dma_wait3A_242, %dma_wait3A_243, %dma_wait3A_244] : memref<3x64x224x224xf32, #tpu.memory_space<any>> -> memref<3x16x224x224xf32, #tpu.memory_space<any>>
    tpu.wait_dma2 semaphore(%dma_wait3A_234 : memref<!tpu.dma_semaphore, #tpu.memory_space<semaphore_mem>>) src(%dma_wait3A_245 : memref<3x16x224x224xf32, #tpu.memory_space<any>>) dst(%dma_wait3A_240 : memref<3x16x224x224xf32, #tpu.memory_space<vmem>>)
    %dma_start3A_246 = arith.constant 0 : i32
    %dma_start3A_247 = arith.constant 0 : i32
    %dma_start3A_248 = arith.constant 0 : i32
    %dma_start3A_249 = tpu.memref_slice %arg4[%dma_start3A_247, %dma_start3A_248] : memref<3x2x!tpu.dma_semaphore, #tpu.memory_space<semaphore_mem>> -> memref<1x1x!tpu.dma_semaphore, #tpu.memory_space<semaphore_mem>>
    %dma_start3A_250 = tpu.memref_squeeze %dma_start3A_249 : memref<1x1x!tpu.dma_semaphore, #tpu.memory_space<semaphore_mem>> -> memref<!tpu.dma_semaphore, #tpu.memory_space<semaphore_mem>>
    %dma_start3A_251 = arith.constant 0 : i32
    %dma_start3A_252 = arith.constant 48 : i32
    %dma_start3A_253 = arith.constant 0 : i32
    %dma_start3A_254 = arith.constant 0 : i32
    %dma_start3A_255 = tpu.memref_slice %arg1[%dma_start3A_251, %dma_start3A_252, %dma_start3A_253, %dma_start3A_254] : memref<3x64x224x224xf32, #tpu.memory_space<any>> -> memref<3x8x224x224xf32, #tpu.memory_space<any>>
    %dma_start3A_256 = arith.constant 0 : i32
    %dma_start3A_257 = arith.constant 0 : i32
    %dma_start3A_258 = arith.constant 0 : i32
    %dma_start3A_259 = arith.constant 0 : i32
    %dma_start3A_260 = tpu.memref_slice %arg2[%dma_start3A_246, %dma_start3A_256, %dma_start3A_257, %dma_start3A_258, %dma_start3A_259] : memref<3x3x16x224x224xf32, #tpu.memory_space<vmem>> -> memref<1x3x8x224x224xf32, #tpu.memory_space<vmem>>
    %dma_start3A_261 = tpu.memref_squeeze %dma_start3A_260 : memref<1x3x8x224x224xf32, #tpu.memory_space<vmem>> -> memref<3x8x224x224xf32, #tpu.memory_space<vmem>>
    tpu.enqueue_dma source(%dma_start3A_261 : memref<3x8x224x224xf32, #tpu.memory_space<vmem>>) target(%dma_start3A_255 : memref<3x8x224x224xf32, #tpu.memory_space<any>>) target_semaphore(%dma_start3A_250 : memref<!tpu.dma_semaphore, #tpu.memory_space<semaphore_mem>>)
    %dma_start3A_262 = arith.constant 0 : i32
    %dma_start3A_263 = arith.constant 0 : i32
    %dma_start3A_264 = arith.constant 1 : i32
    %dma_start3A_265 = tpu.memref_slice %arg4[%dma_start3A_263, %dma_start3A_264] : memref<3x2x!tpu.dma_semaphore, #tpu.memory_space<semaphore_mem>> -> memref<1x1x!tpu.dma_semaphore, #tpu.memory_space<semaphore_mem>>
    %dma_start3A_266 = tpu.memref_squeeze %dma_start3A_265 : memref<1x1x!tpu.dma_semaphore, #tpu.memory_space<semaphore_mem>> -> memref<!tpu.dma_semaphore, #tpu.memory_space<semaphore_mem>>
    %dma_start3A_267 = arith.constant 0 : i32
    %dma_start3A_268 = arith.constant 56 : i32
    %dma_start3A_269 = arith.constant 0 : i32
    %dma_start3A_270 = arith.constant 0 : i32
    %dma_start3A_271 = tpu.memref_slice %arg1[%dma_start3A_267, %dma_start3A_268, %dma_start3A_269, %dma_start3A_270] : memref<3x64x224x224xf32, #tpu.memory_space<any>> -> memref<3x8x224x224xf32, #tpu.memory_space<any>>
    %dma_start3A_272 = arith.constant 0 : i32
    %dma_start3A_273 = arith.constant 8 : i32
    %dma_start3A_274 = arith.constant 0 : i32
    %dma_start3A_275 = arith.constant 0 : i32
    %dma_start3A_276 = tpu.memref_slice %arg2[%dma_start3A_262, %dma_start3A_272, %dma_start3A_273, %dma_start3A_274, %dma_start3A_275] : memref<3x3x16x224x224xf32, #tpu.memory_space<vmem>> -> memref<1x3x8x224x224xf32, #tpu.memory_space<vmem>>
    %dma_start3A_277 = tpu.memref_squeeze %dma_start3A_276 : memref<1x3x8x224x224xf32, #tpu.memory_space<vmem>> -> memref<3x8x224x224xf32, #tpu.memory_space<vmem>>
    tpu.enqueue_dma source(%dma_start3A_277 : memref<3x8x224x224xf32, #tpu.memory_space<vmem>>) target(%dma_start3A_271 : memref<3x8x224x224xf32, #tpu.memory_space<any>>) target_semaphore(%dma_start3A_266 : memref<!tpu.dma_semaphore, #tpu.memory_space<semaphore_mem>>)
    %dma_wait3A_278 = arith.constant 1 : i32
    %dma_wait3A_279 = arith.constant 1 : i32
    %dma_wait3A_280 = arith.constant 0 : i32
    %dma_wait3A_281 = tpu.memref_slice %arg4[%dma_wait3A_279, %dma_wait3A_280] : memref<3x2x!tpu.dma_semaphore, #tpu.memory_space<semaphore_mem>> -> memref<1x1x!tpu.dma_semaphore, #tpu.memory_space<semaphore_mem>>
    %dma_wait3A_282 = tpu.memref_squeeze %dma_wait3A_281 : memref<1x1x!tpu.dma_semaphore, #tpu.memory_space<semaphore_mem>> -> memref<!tpu.dma_semaphore, #tpu.memory_space<semaphore_mem>>
    %dma_wait3A_283 = arith.constant 0 : i32
    %dma_wait3A_284 = arith.constant 16 : i32
    %dma_wait3A_285 = arith.constant 0 : i32
    %dma_wait3A_286 = arith.constant 0 : i32
    %dma_wait3A_287 = tpu.memref_slice %arg1[%dma_wait3A_283, %dma_wait3A_284, %dma_wait3A_285, %dma_wait3A_286] : memref<3x64x224x224xf32, #tpu.memory_space<any>> -> memref<3x8x224x224xf32, #tpu.memory_space<any>>
    %dma_wait3A_288 = arith.constant 0 : i32
    %dma_wait3A_289 = arith.constant 0 : i32
    %dma_wait3A_290 = arith.constant 0 : i32
    %dma_wait3A_291 = arith.constant 0 : i32
    %dma_wait3A_292 = tpu.memref_slice %arg2[%dma_wait3A_278, %dma_wait3A_288, %dma_wait3A_289, %dma_wait3A_290, %dma_wait3A_291] : memref<3x3x16x224x224xf32, #tpu.memory_space<vmem>> -> memref<1x3x8x224x224xf32, #tpu.memory_space<vmem>>
    %dma_wait3A_293 = tpu.memref_squeeze %dma_wait3A_292 : memref<1x3x8x224x224xf32, #tpu.memory_space<vmem>> -> memref<3x8x224x224xf32, #tpu.memory_space<vmem>>
    tpu.wait_dma2 semaphore(%dma_wait3A_282 : memref<!tpu.dma_semaphore, #tpu.memory_space<semaphore_mem>>) src(%dma_wait3A_293 : memref<3x8x224x224xf32, #tpu.memory_space<vmem>>) dst(%dma_wait3A_287 : memref<3x8x224x224xf32, #tpu.memory_space<any>>)
    %dma_wait3A_294 = arith.constant 1 : i32
    %dma_wait3A_295 = arith.constant 1 : i32
    %dma_wait3A_296 = arith.constant 1 : i32
    %dma_wait3A_297 = tpu.memref_slice %arg4[%dma_wait3A_295, %dma_wait3A_296] : memref<3x2x!tpu.dma_semaphore, #tpu.memory_space<semaphore_mem>> -> memref<1x1x!tpu.dma_semaphore, #tpu.memory_space<semaphore_mem>>
    %dma_wait3A_298 = tpu.memref_squeeze %dma_wait3A_297 : memref<1x1x!tpu.dma_semaphore, #tpu.memory_space<semaphore_mem>> -> memref<!tpu.dma_semaphore, #tpu.memory_space<semaphore_mem>>
    %dma_wait3A_299 = arith.constant 0 : i32
    %dma_wait3A_300 = arith.constant 24 : i32
    %dma_wait3A_301 = arith.constant 0 : i32
    %dma_wait3A_302 = arith.constant 0 : i32
    %dma_wait3A_303 = tpu.memref_slice %arg1[%dma_wait3A_299, %dma_wait3A_300, %dma_wait3A_301, %dma_wait3A_302] : memref<3x64x224x224xf32, #tpu.memory_space<any>> -> memref<3x8x224x224xf32, #tpu.memory_space<any>>
    %dma_wait3A_304 = arith.constant 0 : i32
    %dma_wait3A_305 = arith.constant 8 : i32
    %dma_wait3A_306 = arith.constant 0 : i32
    %dma_wait3A_307 = arith.constant 0 : i32
    %dma_wait3A_308 = tpu.memref_slice %arg2[%dma_wait3A_294, %dma_wait3A_304, %dma_wait3A_305, %dma_wait3A_306, %dma_wait3A_307] : memref<3x3x16x224x224xf32, #tpu.memory_space<vmem>> -> memref<1x3x8x224x224xf32, #tpu.memory_space<vmem>>
    %dma_wait3A_309 = tpu.memref_squeeze %dma_wait3A_308 : memref<1x3x8x224x224xf32, #tpu.memory_space<vmem>> -> memref<3x8x224x224xf32, #tpu.memory_space<vmem>>
    tpu.wait_dma2 semaphore(%dma_wait3A_298 : memref<!tpu.dma_semaphore, #tpu.memory_space<semaphore_mem>>) src(%dma_wait3A_309 : memref<3x8x224x224xf32, #tpu.memory_space<vmem>>) dst(%dma_wait3A_303 : memref<3x8x224x224xf32, #tpu.memory_space<any>>)
    %dma_wait3A_310 = arith.constant 2 : i32
    %dma_wait3A_311 = arith.constant 2 : i32
    %dma_wait3A_312 = arith.constant 0 : i32
    %dma_wait3A_313 = tpu.memref_slice %arg4[%dma_wait3A_311, %dma_wait3A_312] : memref<3x2x!tpu.dma_semaphore, #tpu.memory_space<semaphore_mem>> -> memref<1x1x!tpu.dma_semaphore, #tpu.memory_space<semaphore_mem>>
    %dma_wait3A_314 = tpu.memref_squeeze %dma_wait3A_313 : memref<1x1x!tpu.dma_semaphore, #tpu.memory_space<semaphore_mem>> -> memref<!tpu.dma_semaphore, #tpu.memory_space<semaphore_mem>>
    %dma_wait3A_315 = arith.constant 0 : i32
    %dma_wait3A_316 = arith.constant 32 : i32
    %dma_wait3A_317 = arith.constant 0 : i32
    %dma_wait3A_318 = arith.constant 0 : i32
    %dma_wait3A_319 = tpu.memref_slice %arg1[%dma_wait3A_315, %dma_wait3A_316, %dma_wait3A_317, %dma_wait3A_318] : memref<3x64x224x224xf32, #tpu.memory_space<any>> -> memref<3x8x224x224xf32, #tpu.memory_space<any>>
    %dma_wait3A_320 = arith.constant 0 : i32
    %dma_wait3A_321 = arith.constant 0 : i32
    %dma_wait3A_322 = arith.constant 0 : i32
    %dma_wait3A_323 = arith.constant 0 : i32
    %dma_wait3A_324 = tpu.memref_slice %arg2[%dma_wait3A_310, %dma_wait3A_320, %dma_wait3A_321, %dma_wait3A_322, %dma_wait3A_323] : memref<3x3x16x224x224xf32, #tpu.memory_space<vmem>> -> memref<1x3x8x224x224xf32, #tpu.memory_space<vmem>>
    %dma_wait3A_325 = tpu.memref_squeeze %dma_wait3A_324 : memref<1x3x8x224x224xf32, #tpu.memory_space<vmem>> -> memref<3x8x224x224xf32, #tpu.memory_space<vmem>>
    tpu.wait_dma2 semaphore(%dma_wait3A_314 : memref<!tpu.dma_semaphore, #tpu.memory_space<semaphore_mem>>) src(%dma_wait3A_325 : memref<3x8x224x224xf32, #tpu.memory_space<vmem>>) dst(%dma_wait3A_319 : memref<3x8x224x224xf32, #tpu.memory_space<any>>)
    %dma_wait3A_326 = arith.constant 2 : i32
    %dma_wait3A_327 = arith.constant 2 : i32
    %dma_wait3A_328 = arith.constant 1 : i32
    %dma_wait3A_329 = tpu.memref_slice %arg4[%dma_wait3A_327, %dma_wait3A_328] : memref<3x2x!tpu.dma_semaphore, #tpu.memory_space<semaphore_mem>> -> memref<1x1x!tpu.dma_semaphore, #tpu.memory_space<semaphore_mem>>
    %dma_wait3A_330 = tpu.memref_squeeze %dma_wait3A_329 : memref<1x1x!tpu.dma_semaphore, #tpu.memory_space<semaphore_mem>> -> memref<!tpu.dma_semaphore, #tpu.memory_space<semaphore_mem>>
    %dma_wait3A_331 = arith.constant 0 : i32
    %dma_wait3A_332 = arith.constant 40 : i32
    %dma_wait3A_333 = arith.constant 0 : i32
    %dma_wait3A_334 = arith.constant 0 : i32
    %dma_wait3A_335 = tpu.memref_slice %arg1[%dma_wait3A_331, %dma_wait3A_332, %dma_wait3A_333, %dma_wait3A_334] : memref<3x64x224x224xf32, #tpu.memory_space<any>> -> memref<3x8x224x224xf32, #tpu.memory_space<any>>
    %dma_wait3A_336 = arith.constant 0 : i32
    %dma_wait3A_337 = arith.constant 8 : i32
    %dma_wait3A_338 = arith.constant 0 : i32
    %dma_wait3A_339 = arith.constant 0 : i32
    %dma_wait3A_340 = tpu.memref_slice %arg2[%dma_wait3A_326, %dma_wait3A_336, %dma_wait3A_337, %dma_wait3A_338, %dma_wait3A_339] : memref<3x3x16x224x224xf32, #tpu.memory_space<vmem>> -> memref<1x3x8x224x224xf32, #tpu.memory_space<vmem>>
    %dma_wait3A_341 = tpu.memref_squeeze %dma_wait3A_340 : memref<1x3x8x224x224xf32, #tpu.memory_space<vmem>> -> memref<3x8x224x224xf32, #tpu.memory_space<vmem>>
    tpu.wait_dma2 semaphore(%dma_wait3A_330 : memref<!tpu.dma_semaphore, #tpu.memory_space<semaphore_mem>>) src(%dma_wait3A_341 : memref<3x8x224x224xf32, #tpu.memory_space<vmem>>) dst(%dma_wait3A_335 : memref<3x8x224x224xf32, #tpu.memory_space<any>>)
    %dma_wait3A_342 = arith.constant 0 : i32
    %dma_wait3A_343 = arith.constant 0 : i32
    %dma_wait3A_344 = arith.constant 0 : i32
    %dma_wait3A_345 = tpu.memref_slice %arg4[%dma_wait3A_343, %dma_wait3A_344] : memref<3x2x!tpu.dma_semaphore, #tpu.memory_space<semaphore_mem>> -> memref<1x1x!tpu.dma_semaphore, #tpu.memory_space<semaphore_mem>>
    %dma_wait3A_346 = tpu.memref_squeeze %dma_wait3A_345 : memref<1x1x!tpu.dma_semaphore, #tpu.memory_space<semaphore_mem>> -> memref<!tpu.dma_semaphore, #tpu.memory_space<semaphore_mem>>
    %dma_wait3A_347 = arith.constant 0 : i32
    %dma_wait3A_348 = arith.constant 48 : i32
    %dma_wait3A_349 = arith.constant 0 : i32
    %dma_wait3A_350 = arith.constant 0 : i32
    %dma_wait3A_351 = tpu.memref_slice %arg1[%dma_wait3A_347, %dma_wait3A_348, %dma_wait3A_349, %dma_wait3A_350] : memref<3x64x224x224xf32, #tpu.memory_space<any>> -> memref<3x8x224x224xf32, #tpu.memory_space<any>>
    %dma_wait3A_352 = arith.constant 0 : i32
    %dma_wait3A_353 = arith.constant 0 : i32
    %dma_wait3A_354 = arith.constant 0 : i32
    %dma_wait3A_355 = arith.constant 0 : i32
    %dma_wait3A_356 = tpu.memref_slice %arg2[%dma_wait3A_342, %dma_wait3A_352, %dma_wait3A_353, %dma_wait3A_354, %dma_wait3A_355] : memref<3x3x16x224x224xf32, #tpu.memory_space<vmem>> -> memref<1x3x8x224x224xf32, #tpu.memory_space<vmem>>
    %dma_wait3A_357 = tpu.memref_squeeze %dma_wait3A_356 : memref<1x3x8x224x224xf32, #tpu.memory_space<vmem>> -> memref<3x8x224x224xf32, #tpu.memory_space<vmem>>
    tpu.wait_dma2 semaphore(%dma_wait3A_346 : memref<!tpu.dma_semaphore, #tpu.memory_space<semaphore_mem>>) src(%dma_wait3A_357 : memref<3x8x224x224xf32, #tpu.memory_space<vmem>>) dst(%dma_wait3A_351 : memref<3x8x224x224xf32, #tpu.memory_space<any>>)
    %dma_wait3A_358 = arith.constant 0 : i32
    %dma_wait3A_359 = arith.constant 0 : i32
    %dma_wait3A_360 = arith.constant 1 : i32
    %dma_wait3A_361 = tpu.memref_slice %arg4[%dma_wait3A_359, %dma_wait3A_360] : memref<3x2x!tpu.dma_semaphore, #tpu.memory_space<semaphore_mem>> -> memref<1x1x!tpu.dma_semaphore, #tpu.memory_space<semaphore_mem>>
    %dma_wait3A_362 = tpu.memref_squeeze %dma_wait3A_361 : memref<1x1x!tpu.dma_semaphore, #tpu.memory_space<semaphore_mem>> -> memref<!tpu.dma_semaphore, #tpu.memory_space<semaphore_mem>>
    %dma_wait3A_363 = arith.constant 0 : i32
    %dma_wait3A_364 = arith.constant 56 : i32
    %dma_wait3A_365 = arith.constant 0 : i32
    %dma_wait3A_366 = arith.constant 0 : i32
    %dma_wait3A_367 = tpu.memref_slice %arg1[%dma_wait3A_363, %dma_wait3A_364, %dma_wait3A_365, %dma_wait3A_366] : memref<3x64x224x224xf32, #tpu.memory_space<any>> -> memref<3x8x224x224xf32, #tpu.memory_space<any>>
    %dma_wait3A_368 = arith.constant 0 : i32
    %dma_wait3A_369 = arith.constant 8 : i32
    %dma_wait3A_370 = arith.constant 0 : i32
    %dma_wait3A_371 = arith.constant 0 : i32
    %dma_wait3A_372 = tpu.memref_slice %arg2[%dma_wait3A_358, %dma_wait3A_368, %dma_wait3A_369, %dma_wait3A_370, %dma_wait3A_371] : memref<3x3x16x224x224xf32, #tpu.memory_space<vmem>> -> memref<1x3x8x224x224xf32, #tpu.memory_space<vmem>>
    %dma_wait3A_373 = tpu.memref_squeeze %dma_wait3A_372 : memref<1x3x8x224x224xf32, #tpu.memory_space<vmem>> -> memref<3x8x224x224xf32, #tpu.memory_space<vmem>>
    tpu.wait_dma2 semaphore(%dma_wait3A_362 : memref<!tpu.dma_semaphore, #tpu.memory_space<semaphore_mem>>) src(%dma_wait3A_373 : memref<3x8x224x224xf32, #tpu.memory_space<vmem>>) dst(%dma_wait3A_367 : memref<3x8x224x224xf32, #tpu.memory_space<any>>)
    return
  }
}

</mosaic_0001>

<sc_bundles>
// kernel: kernel.4.cloned.1.call-start
scs
__scs_entry_jumppad:
0x0: {  	(pc) =	sbr.rel $0x88, $3  }
0x1: {  	(tag) =	ssettag $0x0;
	lr =	simm.s32 $0x1  }
0x2: {  	[smem:$0x3FA0] =	sst lr;
	_ =	strace $0xD0000000  }
0x3: {  	_ = 	snop  }
0x4: {  	_ = 	snop  }
0x5: {  	_ = 	snop  }
0x6: {  	_ = 	snop  }
0x7: {  	_ = 	snop  }
__scs_overlays_trampoline_lowered:
0x8: {  	[smem:$0x3FAF] =	sst s0  }
0x9: {  	[smem:$0x3FB0] =	sst s1  }
0xa: {  	[smem:$0x3FB1] =	sst s2  }
0xb: {  	[smem:$0x3FB2] =	sst s3  }
0xc: {  	[smem:$0x3FB3] =	sst s4  }
0xd: {  	[smem:$0x3FB4] =	sst s5  }
0xe: {  	[smem:$0x3FB5] =	sst s6  }
0xf: {  	[smem:$0x3FB6] =	sst s7  }
0x10: {  	[smem:$0x3FB7] =	sst s8  }
0x11: {  	[smem:$0x3FB8] =	sst s9;
	s0 =	simm.s32 @!p0 $0x0  }
0x12: {  	s1 =	sld [smem:$0x3F9E];
	s0 =	simm.s32 @p0 $0x1  }
0x13: {  	[smem:$0x3FB9] =	sst s0;
	s0 =	simm.s32 @!p1 $0x0  }
0x14: {  	s2 =	sld [smem:$0x3F9D];
	s0 =	simm.s32 @p1 $0x1  }
0x15: {  	[smem:$0x3FBA] =	sst s0;
	s0 =	simm.s32 @!p2 $0x0  }
0x16: {  	s3 =	sld [smem:$0x3FDB];
	s0 =	simm.s32 @p2 $0x1  }
0x17: {  	s4 =	simm.s32 $0x1BF5;
	[smem:$0x3FBC] =	sst s0  }
0x18: {  	s0 =	sld [smem:$0x3F9F];
	_ =	swait.ge [sflag:s4], $0x0  }
0x19: {  	s7 =	sld [smem:$0x3FA0]  }
0x1a: {  	s8 =	sadd.s32 $0xFFFFE003, lr  }
0x1b: {  	s9 =	sadd.s32 $0xFFFFFEF7, lr;
	s5 =	simm.s32 $0xFFFFFFFF;
	p2 =	slt.u32 s8, $0xFFFFF086  }
0x1c: {  	p1 =	slt.u32 s9, $0xF7A;
	s5 =	simm.s32 @!p2 $0x0  }
0x1d: {  	s5 =	simm.s32 @p1 $0x1;
	p0 =	seq.s32 s7, s2  }
0x1e: {  	s7 =	smul.u32 @!p0 $0xF7A, s2;
	p2 =	seq.s32 @!p0 s5, $0x0  }
0x1f: {  	s9 =	smul.u32 $0xF7A, s1;
	s8 =	simm.s32 @!p0 $0x1BF5;
	p2 =	por !p2, p0  }
0x20: {  	[sflag:s8] =	ssyncset.s32 @!p0 $0xFFFFF086;
	s6 =	sadd.s32 @!p0 s3, s7;
	s7 =	simm.s32 @!p0 $0x108  }
0x21: {  	s3 =	sadd.s32 s3, s9;
	s6 =	sadd.s32 @!p0 $0x88, s6;
	s7 =	simm.s32 @p2 $0x1082  }
0x22: {  	[simem:s7], [sflag:s8] =	dma.local @!p0 [hbm:s6], $0xF7A  }
0x23: {  	s9 =	sor.u32 $0xD0000000, s2;
	s6 =	simm.s32 $0x108;
	_ =	swait.ge @!p0 [sflag:s8], $0x0  }
0x24: {  	s3 =	sadd.s32 $0x88, s3;
	s6 =	simm.s32 @!p1 $0x1082;
	[sflag:s4] =	ssyncset.s32 $0xFFFFF086  }
0x25: {  	[simem:s6], [sflag:s4] =	dma.local [hbm:s3], $0xF7A  }
0x26: {  	[smem:$0x3FA0] =	sst s1;
	(tag) =	ssettag s2;
	_ =	strace s9  }
0x27: {  	s1 =	sld [smem:$0x3FB0]  }
0x28: {  	s2 =	sld [smem:$0x3FB1]  }
0x29: {  	s4 =	sld [smem:$0x3FB3]  }
0x2a: {  	p0 =	seq.s32 s5, $0x0;
	s5 =	sld [smem:$0x3FB4]  }
0x2b: {  	s6 =	sld [smem:$0x3FB5]  }
0x2c: {  	s7 =	sld [smem:$0x3FB6]  }
0x2d: {  	s3 =	simm.s32 $0x108;
	s8 =	sld [smem:$0x3FB7]  }
0x2e: {  	s3 =	simm.s32 @!p0 $0x1082;
	s9 =	sld [smem:$0x3FB8]  }
0x2f: {  	lr =	sadd.s32 s0, s3;
	s0 =	sld [smem:$0x3FAF]  }
0x30: {  	s3 =	sld [smem:$0x3FB2]  }
0x31: {  	[smem:$0x3FBB] =	sst s10  }
0x32: {  	s10 =	sld [smem:$0x3FB9];
	_ =	sdelay $0x3  }
0x33: {  	p0 =	seq.s32 s10, $0x1;
	s10 =	sld [smem:$0x3FBB];
	_ =	sdelay $0x3  }
0x34: {  	[smem:$0x3FBB] =	sst s10  }
0x35: {  	s10 =	sld [smem:$0x3FBA];
	_ =	sdelay $0x3  }
0x36: {  	p1 =	seq.s32 s10, $0x1;
	s10 =	sld [smem:$0x3FBB];
	_ =	sdelay $0x3  }
0x37: {  	[smem:$0x3FBB] =	sst s10  }
0x38: {  	s10 =	sld [smem:$0x3FBC]  }
0x39: {  	_ = 	snop;
	(pc) =	sbr.ind lr, $3  }
0x3a: {  	_ = 	snop  }
0x3b: {  	_ = 	snop  }
0x3c: {  	p2 =	seq.s32 s10, $0x1;
	s10 =	sld [smem:$0x3FBB]  }
0x3d: {  	_ =	shalt  }
0x3e: {  	_ =	shalt  }
0x3f: {  	_ =	shalt  }
0x40: {  	_ =	shalt  }
0x41: {  	_ =	shalt  }
0x42: {  	_ =	shalt  }
0x43: {  	_ =	shalt  }
0x44: {  	_ =	shalt  }
0x45: {  	_ =	shalt  }
0x46: {  	_ =	shalt  }
0x47: {  	_ =	shalt  }
0x48: {  	_ =	shalt  }
0x49: {  	_ =	shalt  }
0x4a: {  	_ =	shalt  }
0x4b: {  	_ =	shalt  }
0x4c: {  	_ =	shalt  }
0x4d: {  	_ =	shalt  }
0x4e: {  	_ =	shalt  }
0x4f: {  	_ =	shalt  }
0x50: {  	_ =	shalt  }
0x51: {  	_ =	shalt  }
0x52: {  	_ =	shalt  }
0x53: {  	_ =	shalt  }
0x54: {  	_ =	shalt  }
0x55: {  	_ =	shalt  }
0x56: {  	_ =	shalt  }
0x57: {  	_ =	shalt  }
0x58: {  	_ =	shalt  }
0x59: {  	_ =	shalt  }
0x5a: {  	_ =	shalt  }
0x5b: {  	_ =	shalt  }
0x5c: {  	_ =	shalt  }
0x5d: {  	_ =	shalt  }
0x5e: {  	_ =	shalt  }
0x5f: {  	_ =	shalt  }
0x60: {  	_ =	shalt  }
0x61: {  	_ =	shalt  }
0x62: {  	_ =	shalt  }
0x63: {  	_ =	shalt  }
0x64: {  	_ =	shalt  }
0x65: {  	_ =	shalt  }
0x66: {  	_ =	shalt  }
0x67: {  	_ =	shalt  }
0x68: {  	_ =	shalt  }
0x69: {  	_ =	shalt  }
0x6a: {  	_ =	shalt  }
0x6b: {  	_ =	shalt  }
0x6c: {  	_ =	shalt  }
0x6d: {  	_ =	shalt  }
0x6e: {  	_ =	shalt  }
0x6f: {  	_ =	shalt  }
0x70: {  	_ =	shalt  }
0x71: {  	_ =	shalt  }
0x72: {  	_ =	shalt  }
0x73: {  	_ =	shalt  }
0x74: {  	_ =	shalt  }
0x75: {  	_ =	shalt  }
0x76: {  	_ =	shalt  }
0x77: {  	_ =	shalt  }
0x78: {  	_ =	shalt  }
0x79: {  	_ =	shalt  }
0x7a: {  	_ =	shalt  }
0x7b: {  	_ =	shalt  }
0x7c: {  	_ =	shalt  }
0x7d: {  	_ =	shalt  }
0x7e: {  	_ =	shalt  }
0x7f: {  	_ =	shalt  }
0x80: {  	_ =	shalt  }
0x81: {  	_ =	shalt  }
0x82: {  	_ =	shalt  }
0x83: {  	_ =	shalt  }
0x84: {  	_ =	shalt  }
0x85: {  	_ =	shalt  }
0x86: {  	_ =	shalt  }
0x87: {  	_ =	shalt  }
.Lfunc_end0:
.L_simem_size_0:
called_computation_lowered:
.L_overlay_start_0:
0x88: {  	s2 =	sld [smem:$0x3FD9]  }
0x89: {  	s3 =	sld [smem:$0x3FFE];
	_ =	sdelay $0x1  }
0x8a: {  	s1 =	srdreg.scid  }
0x8b: {  	s0 =	sand.u32 $0x1, s1  }
0x8c: {  	s15 =	sshll.u32 s0, $0xA;
	s2 =	sadd.s32 s3, s2  }
0x8d: {  	s2 =	sadd.s32 s2, s15  }
0x8e: {  	[smem:$0x3FC7] =	sst s2  }
0x8f: {  	_ = 	snop  }
0x90: {  	s2 =	sld [smem:$0x3FD0];
	_ =	sdelay $0x2  }
0x91: {  	s4 =	simm.s32 $0xA;
	s5 =	simm.s32 $0x10;
	s16 =	sld [smem:$0x3FC9]  }
0x92: {  	[smem:s5], [sflag:s4] =	dma.local [hbm:s2], $0x1  }
0x93: {  	_ =	swait.eq [sflag:s4], $0x1  }
0x94: {  	[sflag:s4] =	ssyncset.done $0x0  }
0x95: {  	[sflag:s4] =	ssyncadd.s32 $0xFFFFFFFF  }
0x96: {  	s17 =	sld [smem:$0x10];
	(tm) =	ssettm $0x1  }
0x97: {  	s18 =	sld [smem:$0x3FFB];
	_ =	sdelay $0x3  }
0x98: {  	_ =	strace s18  }
0x99: {  	s4 =	sld [smem:$0x3FFC];
	_ =	sdelay $0x3  }
0x9a: {  	_ =	strace s4  }
0x9b: {  	s4 =	sld [smem:$0x3FFD];
	_ =	sdelay $0x3  }
0x9c: {  	_ =	strace s4  }
0x9d: {  	_ =	strace $0x8FFFFFFF  }
0x9e: {  	s19 =	sld [smem:$0x3FDB];
	_ =	sdelay $0x1  }
0x9f: {  	s20 =	simm.s32 $_scs_section_size  }
0xa0: {  	s6 =	simm.s32 $_size__tile_overlayer_lowered;
	s7 =	simm.s32 $_tile_overlayer_lowered  }
0xa1: {  	s23 =	simm.s32 $0x1BFF;
	s22 =	sshll.u32 s7, $0x1;
	s4 =	sadd.s32 s20, s19  }
0xa2: {  	s8 =	simm.s32 $0x0;
	s21 =	sshll.u32 s6, $0x1;
	s6 =	sadd.s32 s22, s4  }
0xa3: {  	[timem:s8], [sflag:s23] =	dma.local [hbm:s6], s21  }
0xa4: {  	_ =	swait.ge [sflag:s23], s21  }
0xa5: {  	s5 =	ssub.s32 $0x0, s21;
	[sflag:s23] =	ssyncset.done $0x0  }
0xa6: {  	[sflag:s23] =	ssyncadd.s32 s5;
	_ =	sdelay $0x1  }
0xa7: {  	s24 =	simm.s32 $0x1B8B  }
0xa8: {  	_ =	swait.ge [sflag:s24], $0x1  }
0xa9: {  	[sflag:s24] =	ssyncset.done $0x0  }
0xaa: {  	s25 =	simm.s32 $0x1B8E;
	[sflag:s24] =	ssyncadd.s32 $0xFFFFFFFF  }
0xab: {  	s26 =	simm.s32 $execute0_lowered;
	[smem:$0x3FD2] =	sst s25  }
0xac: {  	s5 =	sshll.u32 s26, $0x1;
	_ =	strace $0x80000046;
	[dreg:$0x1] =	wrdreg $0xFFFFFFFF  }
0xad: {  	s28 =	simm.s32 $_size_execute0_lowered;
	s4 =	sadd.s32 s4, s5;
	[dreg:$0x0] =	wrdreg $0x0  }
0xae: {  	s5 =	sshll.u32 s28, $0x1;
	[dreg:$0x2] =	wrdreg s4  }
0xaf: {  	[dreg:$0x3] =	wrdreg s5  }
0xb0: {  	[dreg:$0x4] =	wrdreg $0xC0  }
0xb1: {  	_ =	task [dreg:s8], $0x5FFFF  }
0xb2: {  	[dreg:$0x1] =	wrdreg $0xFFFFFFFF  }
0xb3: {  	[dreg:$0x0] =	wrdreg $0x60  }
0xb4: {  	[dreg:$0x2] =	wrdreg s16  }
0xb5: {  	[dreg:$0x3] =	wrdreg s17  }
0xb6: {  	[dreg:$0x4] =	wrdreg $0x9  }
0xb7: {  	_ =	task.clear_ibuf [dreg:s8], $0x5FFFF;
	_ =	strace $0x90000046  }
0xb8: {  	s29 =	simm.s32 $0x9;
	_ =	strace $0x80000048  }
0xb9: {  	_ =	swait.ge [sflag:s29], $0x1  }
0xba: {  	[sflag:s29] =	ssyncadd.s32 $0xFFFFFFFF  }
0xbb: {  	_ =	strace $0x90000048  }
0xbc: {  	_ =	sfence  }
0xbd: {  	s30 =	sld [smem:$0x0];
	_ =	sdelay $0x2  }
0xbe: {  	s31 =	sshll.u32 s1, $0xD;
	s1 =	sshrl.u32 s1, $0x2  }
0xbf: {  	s3 =	sand.u32 $0x4000, s31;
	s1 =	sadd.s32 s1, s30  }
0xc0: {  	s0 =	sor.u32 s3, s0;
	s1 =	sshll.u32 s1, $0x11  }
0xc1: {  	s0 =	sor.u32 s1, s0  }
0xc2: {  	s0 =	sadd.s32 $0x8F2B, s0  }
0xc3: {  	[sflag:s0] =	ssyncadd.remote.s32 $0x1  }
0xc4: {  	_ =	sfence.sel $0xFFFF  }
0xc5: {  	[dreg:$0x0] =	wrdreg $0xFFFFFFFF;
	(pc) =	sbr.abs _section_cstart, $3  }
0xc6: {  	[dreg:$0x1] =	wrdreg $0xFFFFFFFF  }
0xc7: {  	_ =	task.clear_ibuf [dreg:s8], $0x2FFFF;
	_ =	strace $0x9FFFFFFF  }
0xc8: {  	(tm) =	ssettm $0x7FFFFFFF  }
0xc9: {  	_ =	shalt  }
tec
execute0_lowered:
.L_overlay_start_1:
0x0: {  	(tag) =	ssettag $0x1  }
0x1: {  	s1 =	srdreg.scid;
	s0 =	stileid.u32  }
0x2: {  	s2 =	sand.u32 $0x1, s1;
	s31 =	sshll.u32 s0, $0x1  }
0x3: {  	s1 =	sor.u32 s2, s31  }
0x4: {  	s17 =	rddreg [dreg:$0x0];
	s13 =	smul.u32 $0x6, s1  }
0x5: {  	s22 =	rddreg [dreg:$0x1]  }
0x6: {  	[dreg:$0x3] =	wrdreg s2;
	s0 =	sand.u32 $0x2, s13  }
0x7: {  	s2 =	simm.s32 $0x0;
	s7 =	sshrl.u32 s13, $0x6;
	s23 =	smul.u32 $0x3800, s0  }
0x8: {  	[smem:$0x7FF] =	sst s2;
	s1 =	sshrl.u32 s13, $0x2;
	s5 =	smul.u32 $0x380000, s7  }
0x9: {  	s4 =	sadd.s32 $0x2, s13;
	s8 =	sand.u32 $0xF, s1;
	s31 =	smul.u32 $0xE0000, s7  }
0xa: {  	_ =	strace $0x80000047;
	s1 =	sand.u32 $0x2, s4;
	s3 =	smul.u32 $0x4336E, s8  }
0xb: {  	s6 =	sshrl.u32 s4, $0x2;
	s25 =	sshrl.u32 s4, $0x6;
	s20 =	smul.u32 $0x3800, s1  }
0xc: {  	s19 =	sand.u32 $0xF, s6;
	s6 =	sadd.s32 $0x3, s13;
	s12 =	smul.u32 $0x380000, s25  }
0xd: {  	s30 =	sadd.s32 $0x4, s13;
	s9 =	smul.u32 $0x4336E, s19;
	s15 =	sand.u32 $0x3, s6  }
0xe: {  	s0 =	sshrl.u32 s30, $0x2;
	s26 =	sshrl.u32 s6, $0x6;
	s24 =	smul.u32 $0x3800, s15  }
0xf: {  	s7 =	simm.s32 $0x3800;
	s10 =	sshrl.u32 s6, $0x2;
	s4 =	smul.u32 $0x380000, s26  }
0x10: {  	s3 =	sshrl.u32 s3, $0x10;
	s6 =	sor.u32 s12, s20;
	s12 =	smul.u32 $0xE000, s8  }
0x11: {  	s14 =	sadd.s32 $0x3800, s23;
	s21 =	sand.u32 $0xF, s10;
	s3 =	smul.u32 $0xE000, s3  }
0x12: {  	s8 =	simm.s32 $0x7000;
	s9 =	sshrl.u32 s9, $0x10;
	s10 =	smul.u32 $0x4336E, s21  }
0x13: {  	s9 =	smul.u32 $0xE000, s9;
	s4 =	sor.u32 s4, s24;
	s5 =	sadd.s32 s5, s3  }
0x14: {  	s15 =	sadd.s32 s31, s12;
	s10 =	sshrl.u32 s10, $0x10;
	s11 =	sadd.s32 s23, s5  }
0x15: {  	s10 =	smul.u32 $0xE000, s10;
	s5 =	sadd.s32 s14, s5;
	s6 =	sadd.s32 s9, s6  }
0x16: {  	s16 =	sshrl.u32 s11, $0x3;
	s5 =	sshrl.u32 s5, $0x3;
	s28 =	sshrl.u32 s6, $0x3  }
0x17: {  	s3 =	sadd.s32 s17, s16;
	s18 =	sadd.s32 s10, s4;
	s4 =	sadd.s32 s17, s5  }
0x18: {  	s5 =	sadd.s32 s17, s28;
	s28 =	sand.u32 $0xF, s0;
	s29 =	sshrl.u32 s18, $0x3  }
0x19: {  	[tilespmem:s2], [sflag:$0x1] =	stream.linear.gather [hbm4b:s3+s2], $0x3800, $0x38;
	[tilespmem:$0xE000] =	vst v63  }
0x1a: {  	s1 =	smul.u32 $0x4336E, s28;
	s6 =	sadd.s32 s17, s29;
	s29 =	sshrl.u32 s30, $0x6  }
0x1b: {  	[tilespmem:s7], [sflag:$0x2] =	stream.linear.gather [hbm4b:s4+s2], $0x3800, $0x38;
	[tilespmem:$0xE000] =	vst v63  }
0x1c: {  	s9 =	simm.s32 $0xA800;
	s12 =	sshrl.u32 s1, $0x10;
	s18 =	smul.u32 $0x380000, s29  }
0x1d: {  	s14 =	sadd.s32 s14, s15;
	s16 =	sadd.s32 s23, s15;
	s30 =	smul.u32 $0xE000, s12  }
0x1e: {  	[tilespmem:s8], [sflag:$0x3] =	stream.linear.gather [hbm4b:s5+s2], $0x3800, $0x38;
	[tilespmem:$0xE000] =	vst v63  }
0x1f: {  	s10 =	simm.s32 $0x1;
	s16 =	sshrl.u32 s16, $0x3;
	s31 =	sor.u32 s23, s18  }
0x20: {  	s11 =	sadd.s32 s22, s16;
	s16 =	sadd.s32 s30, s31;
	s30 =	sadd.s32 $0x5, s13  }
0x21: {  	[tilespmem:s9], [sflag:$0x4] =	stream.linear.gather [hbm4b:s6+s2], $0x3800, $0x38;
	[tilespmem:$0xE000] =	vst v63  }
0x22: {  	s12 =	simm.s32 $0x5;
	s0 =	sshrl.u32 s16, $0x3;
	s1 =	sshrl.u32 s30, $0x2  }
0x23: {  	s18 =	sand.u32 $0x3, s30;
	s30 =	sshrl.u32 s30, $0x6;
	_ =	swait.ge [sflag:s10], $0x3800  }
0x24: {  	s13 =	sadd.s32 s17, s0;
	s31 =	sand.u32 $0xF, s1;
	[sflag:s10] =	ssyncset.done $0x0  }
0x25: {  	s0 =	sshrl.u32 s14, $0x3;
	s16 =	smul.u32 $0x4336E, s31;
	[sflag:s10] =	ssyncadd.s32 $0xFFFFC800  }
0x26: {  	[hbm4b:s11+s2] =	stream.linear.scatter [tilespmem:s2], [sflag:$0x5], $0x3800, $0x38;
	[tilespmem:$0xE000] =	vst v63  }
0x27: {  	s18 =	smul.u32 $0x3800, s18;
	s15 =	sshrl.u32 s16, $0x10;
	_ =	swait.ge [sflag:s12], $0x3800  }
0x28: {  	s14 =	simm.s32 $0x2;
	s1 =	smul.u32 $0xE000, s15;
	[sflag:s12] =	ssyncset.done $0x0  }
0x29: {  	s15 =	sadd.s32 s22, s0;
	s0 =	smul.u32 $0x380000, s30;
	[sflag:s12] =	ssyncadd.s32 $0xFFFFC800  }
0x2a: {  	[tilespmem:s2], [sflag:$0x1] =	stream.linear.gather [hbm4b:s13+s2], $0x3800, $0x38;
	[tilespmem:$0xE000] =	vst v63  }
0x2b: {  	s29 =	smul.u32 $0xE0000, s29;
	s0 =	sor.u32 s0, s18;
	_ =	swait.ge [sflag:s14], $0x3800  }
0x2c: {  	s0 =	sadd.s32 s1, s0;
	s1 =	smul.u32 $0xE0000, s25;
	[sflag:s14] =	ssyncset.done $0x0  }
0x2d: {  	s16 =	simm.s32 $0x6;
	s25 =	smul.u32 $0xE000, s19;
	[sflag:s14] =	ssyncadd.s32 $0xFFFFC800  }
0x2e: {  	[hbm4b:s15+s2] =	stream.linear.scatter [tilespmem:s7], [sflag:$0x6], $0x3800, $0x38;
	[tilespmem:$0xE000] =	vst v63  }
0x2f: {  	s19 =	simm.s32 $0x3;
	s0 =	sshrl.u32 s0, $0x3;
	_ =	swait.ge [sflag:s16], $0x3800  }
0x30: {  	s17 =	sadd.s32 s17, s0;
	s1 =	sor.u32 s1, s20;
	[sflag:s16] =	ssyncset.done $0x0  }
0x31: {  	s0 =	sadd.s32 s25, s1;
	s25 =	smul.u32 $0xE0000, s26;
	[sflag:s16] =	ssyncadd.s32 $0xFFFFC800  }
0x32: {  	[tilespmem:s7], [sflag:$0x2] =	stream.linear.gather [hbm4b:s17+s2], $0x3800, $0x38;
	[tilespmem:$0xE000] =	vst v63  }
0x33: {  	s26 =	smul.u32 $0xE000, s21;
	_ =	swait.ge [sflag:s19], $0x3800  }
0x34: {  	s21 =	simm.s32 $0x4;
	s0 =	sshrl.u32 s0, $0x3;
	[sflag:s19] =	ssyncset.done $0x0  }
0x35: {  	s20 =	sadd.s32 s22, s0;
	s1 =	sor.u32 s25, s24;
	[sflag:s19] =	ssyncadd.s32 $0xFFFFC800  }
0x36: {  	[hbm4b:s20+s2] =	stream.linear.scatter [tilespmem:s8], [sflag:$0x7], $0x3800, $0x38;
	[tilespmem:$0xE000] =	vst v63  }
0x37: {  	s1 =	sadd.s32 s26, s1;
	_ =	swait.ge [sflag:s21], $0x3800  }
0x38: {  	s0 =	sor.u32 s23, s29;
	s1 =	sshrl.u32 s1, $0x3;
	[sflag:s21] =	ssyncset.done $0x0  }
0x39: {  	s26 =	smul.u32 $0xE000, s28;
	s23 =	sadd.s32 s22, s1;
	[sflag:s21] =	ssyncadd.s32 $0xFFFFC800  }
0x3a: {  	[hbm4b:s23+s2] =	stream.linear.scatter [tilespmem:s9], [sflag:$0x8], $0x3800, $0x38;
	[tilespmem:$0xE000] =	vst v63  }
0x3b: {  	s28 =	smul.u32 $0xE0000, s30;
	s0 =	sadd.s32 s26, s0;
	_ =	swait.ge [sflag:s10], $0x3800  }
0x3c: {  	s29 =	smul.u32 $0xE000, s31;
	s0 =	sshrl.u32 s0, $0x3;
	[sflag:s10] =	ssyncset.done $0x0  }
0x3d: {  	s1 =	sor.u32 s28, s18;
	s24 =	sadd.s32 s22, s0;
	[sflag:s10] =	ssyncadd.s32 $0xFFFFC800  }
0x3e: {  	[hbm4b:s24+s2] =	stream.linear.scatter [tilespmem:s2], [sflag:$0x5], $0x3800, $0x38;
	[tilespmem:$0xE000] =	vst v63  }
0x3f: {  	s0 =	sadd.s32 s29, s1;
	_ =	swait.ge [sflag:s14], $0x3800  }
0x40: {  	s0 =	sshrl.u32 s0, $0x3;
	[sflag:s14] =	ssyncset.done $0x0  }
0x41: {  	s25 =	simm.s32 $0x7;
	s22 =	sadd.s32 s22, s0;
	[sflag:s14] =	ssyncadd.s32 $0xFFFFC800  }
0x42: {  	[hbm4b:s22+s2] =	stream.linear.scatter [tilespmem:s7], [sflag:$0x6], $0x3800, $0x38;
	[tilespmem:$0xE000] =	vst v63  }
0x43: {  	_ =	swait.ge [sflag:s25], $0x3800  }
0x44: {  	[sflag:s25] =	ssyncset.done $0x0  }
0x45: {  	s26 =	simm.s32 $0x8;
	[sflag:s25] =	ssyncadd.s32 $0xFFFFC800  }
0x46: {  	_ =	swait.ge [sflag:s26], $0x3800  }
0x47: {  	s30 =	rddreg [dreg:$0x3]  }
0x48: {  	s0 =	ssub.s32 $0x2, s30  }
0x49: {  	s31 =	sshrl.u32 s0, $0x1  }
0x4a: {  	s0 =	ssub.s32 s0, s31  }
0x4b: {  	[sflag:s26] =	ssyncset.done $0x0;
	s0 =	smax.u32 s0, $0x1  }
0x4c: {  	[sflag:s26] =	ssyncadd.s32 $0xFFFFC800;
	p0 =	sne.s32 s0, $0x1  }
.Ltmp0:
0x4d: {  	_ =	swait.ge [sflag:s12], $0x3800;
	(pc) =	sbr.rel @!p0 .LBB2_2-.Ltmp0, $4  }
0x4e: {  	[sflag:s12] =	ssyncset.done $0x0  }
0x4f: {  	[sflag:s12] =	ssyncadd.s32 $0xFFFFC800  }
0x50: {  	_ =	swait.ge [sflag:s16], $0x3800  }
0x51: {  	s18 =	sadd.s32 $0xFFFFFFFF, s0;
	[sflag:s16] =	ssyncset.done $0x0  }
.LBB2_1:
0x52: {  	p0 =	sne.s32 s18, $0x1;
	s18 =	sadd.s32 $0xFFFFFFFF, s18;
	[sflag:s16] =	ssyncadd.s32 $0xFFFFC800  }
0x53: {  	[tilespmem:s2], [sflag:$0x1] =	stream.linear.gather [hbm4b:s3+s2], $0x3800, $0x38;
	[tilespmem:$0xE000] =	vst v63  }
0x54: {  	_ = 	snop  }
0x55: {  	[tilespmem:s7], [sflag:$0x2] =	stream.linear.gather [hbm4b:s4+s2], $0x3800, $0x38;
	[tilespmem:$0xE000] =	vst v63  }
0x56: {  	_ = 	snop  }
0x57: {  	[tilespmem:s8], [sflag:$0x3] =	stream.linear.gather [hbm4b:s5+s2], $0x3800, $0x38;
	[tilespmem:$0xE000] =	vst v63  }
0x58: {  	_ = 	snop  }
0x59: {  	[tilespmem:s9], [sflag:$0x4] =	stream.linear.gather [hbm4b:s6+s2], $0x3800, $0x38;
	[tilespmem:$0xE000] =	vst v63  }
0x5a: {  	_ =	swait.ge [sflag:s10], $0x3800  }
0x5b: {  	[sflag:s10] =	ssyncset.done $0x0  }
0x5c: {  	[sflag:s10] =	ssyncadd.s32 $0xFFFFC800  }
0x5d: {  	[hbm4b:s11+s2] =	stream.linear.scatter [tilespmem:s2], [sflag:$0x5], $0x3800, $0x38;
	[tilespmem:$0xE000] =	vst v63  }
0x5e: {  	_ =	swait.ge [sflag:s12], $0x3800  }
0x5f: {  	[sflag:s12] =	ssyncset.done $0x0  }
0x60: {  	[sflag:s12] =	ssyncadd.s32 $0xFFFFC800  }
0x61: {  	[tilespmem:s2], [sflag:$0x1] =	stream.linear.gather [hbm4b:s13+s2], $0x3800, $0x38;
	[tilespmem:$0xE000] =	vst v63  }
0x62: {  	_ =	swait.ge [sflag:s14], $0x3800  }
0x63: {  	[sflag:s14] =	ssyncset.done $0x0  }
0x64: {  	[sflag:s14] =	ssyncadd.s32 $0xFFFFC800  }
0x65: {  	[hbm4b:s15+s2] =	stream.linear.scatter [tilespmem:s7], [sflag:$0x6], $0x3800, $0x38;
	[tilespmem:$0xE000] =	vst v63  }
0x66: {  	_ =	swait.ge [sflag:s16], $0x3800  }
0x67: {  	[sflag:s16] =	ssyncset.done $0x0  }
0x68: {  	[sflag:s16] =	ssyncadd.s32 $0xFFFFC800  }
0x69: {  	[tilespmem:s7], [sflag:$0x2] =	stream.linear.gather [hbm4b:s17+s2], $0x3800, $0x38;
	[tilespmem:$0xE000] =	vst v63  }
0x6a: {  	_ =	swait.ge [sflag:s19], $0x3800  }
0x6b: {  	[sflag:s19] =	ssyncset.done $0x0  }
0x6c: {  	[sflag:s19] =	ssyncadd.s32 $0xFFFFC800  }
0x6d: {  	[hbm4b:s20+s2] =	stream.linear.scatter [tilespmem:s8], [sflag:$0x7], $0x3800, $0x38;
	[tilespmem:$0xE000] =	vst v63  }
0x6e: {  	_ =	swait.ge [sflag:s21], $0x3800  }
0x6f: {  	[sflag:s21] =	ssyncset.done $0x0  }
0x70: {  	[sflag:s21] =	ssyncadd.s32 $0xFFFFC800  }
0x71: {  	[hbm4b:s23+s2] =	stream.linear.scatter [tilespmem:s9], [sflag:$0x8], $0x3800, $0x38;
	[tilespmem:$0xE000] =	vst v63  }
0x72: {  	_ =	swait.ge [sflag:s10], $0x3800  }
0x73: {  	[sflag:s10] =	ssyncset.done $0x0  }
0x74: {  	[sflag:s10] =	ssyncadd.s32 $0xFFFFC800  }
0x75: {  	[hbm4b:s24+s2] =	stream.linear.scatter [tilespmem:s2], [sflag:$0x5], $0x3800, $0x38;
	[tilespmem:$0xE000] =	vst v63  }
0x76: {  	_ =	swait.ge [sflag:s14], $0x3800  }
0x77: {  	[sflag:s14] =	ssyncset.done $0x0  }
0x78: {  	[sflag:s14] =	ssyncadd.s32 $0xFFFFC800  }
0x79: {  	[hbm4b:s22+s2] =	stream.linear.scatter [tilespmem:s7], [sflag:$0x6], $0x3800, $0x38;
	[tilespmem:$0xE000] =	vst v63  }
0x7a: {  	_ =	swait.ge [sflag:s25], $0x3800  }
0x7b: {  	[sflag:s25] =	ssyncset.done $0x0  }
0x7c: {  	[sflag:s25] =	ssyncadd.s32 $0xFFFFC800  }
0x7d: {  	_ =	swait.ge [sflag:s26], $0x3800  }
0x7e: {  	[sflag:s26] =	ssyncset.done $0x0  }
0x7f: {  	[sflag:s26] =	ssyncadd.s32 $0xFFFFC800  }
.Ltmp1:
0x80: {  	_ =	swait.ge [sflag:s12], $0x3800;
	(pc) =	sbr.rel @p0 .LBB2_1-.Ltmp1, $4  }
0x81: {  	[sflag:s12] =	ssyncset.done $0x0  }
0x82: {  	[sflag:s12] =	ssyncadd.s32 $0xFFFFC800  }
0x83: {  	_ =	swait.ge [sflag:s16], $0x3800  }
0x84: {  	[sflag:s16] =	ssyncset.done $0x0  }
.LBB2_2:
0x85: {  	[sflag:s16] =	ssyncadd.s32 $0xFFFFC800  }
0x86: {  	_ =	sfence.sel $0x180000  }
0x87: {  	[bflag:$0x0] =	sbarrier.arrive $0xFFFF  }
0x88: {  	_ =	strace $0x90000047  }
0x89: {  	s0 =	stileid.u32;
	[bflag:$0x2] =	sbarrier.arrive $0xFFFF  }
0x8a: {  	p0 =	sne.s32 s0, $0x0;
	s0 =	rddreg [dreg:$0x2]  }
0x8b: {  	s0 =	sadd.s32 @!p0 $0x100000, s0  }
0x8c: {  	[sflag:s0] =	ssyncadd.tile.s32 @!p0 $0x1;
	_ =	shalt  }
.Lfunc_end2:
_tile_overlayer_lowered:
.L_overlay_start_2:
0x8d: {  	(tag) =	ssettag $0x2  }
0x8e: {  	s0 =	rddreg [dreg:$0x0];
	s2 =	stileid.u32  }
0x8f: {  	s1 =	rddreg [dreg:$0x1];
	p0 =	sne.s32 s2, $0x0  }
0x90: {  	s3 =	rddreg [dreg:$0x2];
	[bflag:$0x3] =	sbarrier.arrive $0xFFFF;
	s2 =	simm.s32 @!p0 $0x1C09  }
0x91: {  	[timem:s3], [sflag:s2] =	dma.local @!p0 [hbm:s0], s1  }
0x92: {  	s0 =	simm.s32 @!p0 $0x9  }
0x93: {  	_ =	swait.ge @!p0 [sflag:s0], s1  }
0x94: {  	s1 =	ssub.s32 @!p0 $0x0, s1;
	[sflag:s0] =	ssyncset.done @!p0 $0x0  }
0x95: {  	[sflag:s0] =	ssyncadd.s32 @!p0 s1  }
0x96: {  	[bflag:$0x3] =	sbarrier.arrive $0xFFFF  }
0x97: {  	_ =	shalt  }

</sc_bundles>
